<compile_context>
chip_gen: v7x
topology: tpu7x:2x2x1
jax: 0.10.2.dev20260603
libtpu: 0.0.44.dev20260713+nightly
codegen_flags: <defaults>
</compile_context>

<pallas_src>
import functools

import jax
import jax.numpy as jnp
from jax import lax
from jax.experimental import pallas as pl
from jax.experimental.pallas import tpu as pltpu
from jax.experimental.pallas import tpu_sc as plsc

N = 10000
E = 320000
F = 128
H = 256

NPAD = 10112
RPT = NPAD // 16
EPT = E // 32
CH = 128
NCHUNK = EPT // CH
TAILN = EPT - NCHUNK * CH
IQ = 4


def _make_segsum(with_deg):
    mesh = plsc.VectorSubcoreMesh(core_axis_name="c", subcore_axis_name="s")
    if with_deg:
        out_type = [jax.ShapeDtypeStruct((2, NPAD, F), jnp.float32),
                    jax.ShapeDtypeStruct((2 * NPAD,), jnp.float32)]
    else:
        out_type = jax.ShapeDtypeStruct((2, NPAD, F), jnp.float32)
    nb = 2
    scratch = [
        [pltpu.VMEM((CH,), jnp.int32) for _ in range(IQ)],
        [pltpu.VMEM((CH,), jnp.int32) for _ in range(IQ)],
        [pltpu.VMEM((CH, F), jnp.float32) for _ in range(nb)],
        pltpu.VMEM((TAILN,), jnp.int32),
        pltpu.VMEM((TAILN,), jnp.int32),
        pltpu.VMEM((TAILN, F), jnp.float32),
        pltpu.VMEM((CH,), jnp.float32),
        pltpu.VMEM((RPT,), jnp.float32),
        pltpu.VMEM_SHARED((NPAD, F), jnp.float32),
        pltpu.VMEM_SHARED((NPAD,), jnp.float32),
        [pltpu.SemaphoreType.DMA for _ in range(nb)],
        [pltpu.SemaphoreType.DMA for _ in range(nb)],
        [pltpu.SemaphoreType.DMA for _ in range(IQ)],
        pltpu.SemaphoreType.DMA,
    ]

    @functools.partial(pl.kernel, mesh=mesh, out_type=out_type,
                       scratch_types=scratch)
    def seg(x_hbm, src_hbm, dst_hbm, zrows_hbm, *rest):
        if with_deg:
            out_hbm, deg_hbm = rest[0], rest[1]
            rest = rest[2:]
        else:
            out_hbm = rest[0]
            rest = rest[1:]
        (srcq, dstq, rows, srct, dstt, rowst, onesv, dv, acc, dacc,
         gsem, ssem, isem, dsem) = rest
        c = lax.axis_index("c")
        s = lax.axis_index("s")
        wid = c * 16 + s
        ebase = wid * EPT

        pltpu.sync_copy(zrows_hbm, acc.at[pl.ds(s * RPT, RPT)])
        if with_deg:
            for k in range(RPT // 16):
                dv[pl.ds(k * 16, 16)] = jnp.zeros((16,), jnp.float32)
            if RPT % 16:
                dv[pl.ds(RPT - 16, 16)] = jnp.zeros((16,), jnp.float32)
            pltpu.sync_copy(dv, dacc.at[pl.ds(s * RPT, RPT)])
            for k in range(CH // 16):
                onesv[pl.ds(k * 16, 16)] = jnp.ones((16,), jnp.float32)
        plsc.subcore_barrier()

        def start_idx(j, q):
            b = pl.multiple_of(ebase + j * CH, 16)
            pltpu.async_copy(src_hbm.at[pl.ds(b, CH)], srcq[q], isem[q])
            pltpu.async_copy(dst_hbm.at[pl.ds(b, CH)], dstq[q], isem[q])

        def wait_idx(q):
            pltpu.make_async_copy(src_hbm.at[pl.ds(0, CH)], srcq[q],
                                  isem[q]).wait()
            pltpu.make_async_copy(dst_hbm.at[pl.ds(0, CH)], dstq[q],
                                  isem[q]).wait()

        def start_gather(q, b):
            pltpu.async_copy(x_hbm.at[srcq[q]], rows[b], gsem[b])

        def wait_gather(b):
            pltpu.make_async_copy(x_hbm.at[pl.ds(0, CH)], rows[b],
                                  gsem[b]).wait()

        def start_scatter(q, b):
            pltpu.async_copy(rows[b], acc.at[dstq[q]], ssem[b], add=True)
            if with_deg:
                pltpu.async_copy(onesv, dacc.at[dstq[q]], dsem, add=True)

        def wait_scatter(b):
            pltpu.make_async_copy(rows[b], acc.at[pl.ds(0, CH)],
                                  ssem[b]).wait()

        tb = pl.multiple_of(ebase + NCHUNK * CH, 16)
        pltpu.sync_copy(src_hbm.at[pl.ds(tb, TAILN)], srct)
        pltpu.sync_copy(dst_hbm.at[pl.ds(tb, TAILN)], dstt)
        pltpu.async_copy(x_hbm.at[srct], rowst, gsem[0]).wait()
        pltpu.async_copy(rowst, acc.at[dstt], ssem[0], add=True).wait()
        if with_deg:
            pltpu.async_copy(onesv.at[pl.ds(0, TAILN)], dacc.at[dstt],
                             dsem, add=True).wait()

        def body(j, qj, b, first, last):
            bo = 1 - b
            wait_gather(b)
            start_scatter(qj % IQ, b)
            if not first:
                wait_scatter(bo)
            if not last:
                wait_idx((qj + 1) % IQ)
                start_gather((qj + 1) % IQ, bo)

        for k in range(3):
            start_idx(k, k)
        wait_idx(0)
        start_gather(0, 0)
        for j in (0, 1):
            body(j, j, j % 2, first=(j == 0), last=False)
            start_idx(j + 3, (j + 3) % IQ)

        core_len = ((NCHUNK - 2 - 4) // 4) * 4

        def outer(t, carry):
            jbase = 4 * t + 2
            for r in range(4):
                j = jbase + r
                q = (2 + r) % IQ
                b = (2 + r) % 2
                bo = 1 - b
                wait_gather(b)
                start_scatter(q, b)
                wait_scatter(bo)
                wait_idx((q + 1) % IQ)
                start_gather((q + 1) % IQ, bo)
                start_idx(j + 3, (q + 3) % IQ)
            return carry

        lax.fori_loop(0, core_len // 4, outer, 0)

        for j in range(2 + core_len, NCHUNK):
            body(j, j, j % 2, first=False, last=(j == NCHUNK - 1))
            if j + 3 < NCHUNK:
                start_idx(j + 3, (j + 3) % IQ)
        wait_scatter((NCHUNK - 1) % 2)

        if with_deg:
            def drain(j, carry):
                pltpu.make_async_copy(onesv, dacc.at[pl.ds(0, CH)],
                                      dsem).wait()
                return carry
            lax.fori_loop(0, NCHUNK, drain, 0)
        plsc.subcore_barrier()
        pltpu.sync_copy(acc.at[pl.ds(s * RPT, RPT)],
                        out_hbm.at[c, pl.ds(s * RPT, RPT)])
        if with_deg:
            pltpu.sync_copy(dacc.at[pl.ds(s * RPT, RPT)], dv)
            pltpu.sync_copy(dv, deg_hbm.at[pl.ds(c * NPAD + s * RPT, RPT)])

    return seg


_seg1 = _make_segsum(True)
_seg2 = _make_segsum(False)

R = 1000
GRID = N // R


def _tc1_body(x_r, p1_r, degt_r, ws1_r, wn1_r, b1_r, wn2_r, ws2_r,
              b2_r, hs_r, y_r):
    deg = degt_r[:, 0] + degt_r[:, 1]
    rdeg = 1.0 / jnp.maximum(deg, 1.0)
    mean1 = (p1_r[0] + p1_r[1]) * rdeg[:, None]
    h = x_r[...] @ ws1_r[...] + mean1 @ wn1_r[...] + b1_r[...]
    h = jnp.maximum(h, 0.0)
    hs_r[...] = h @ ws2_r[...] + b2_r[...]
    y_r[...] = h @ wn2_r[...]


def _tc1(x, p1, degt, ws1, wn1, b1, wn2, ws2, b2):
    return pl.pallas_call(
        _tc1_body,
        grid=(GRID,),
        in_specs=[
            pl.BlockSpec((R, F), lambda i: (i, 0)),
            pl.BlockSpec((2, R, F), lambda i: (0, i, 0)),
            pl.BlockSpec((R, 2), lambda i: (i, 0)),
            pl.BlockSpec((F, H), lambda i: (0, 0)),
            pl.BlockSpec((F, H), lambda i: (0, 0)),
            pl.BlockSpec((1, H), lambda i: (0, 0)),
            pl.BlockSpec((H, F), lambda i: (0, 0)),
            pl.BlockSpec((H, F), lambda i: (0, 0)),
            pl.BlockSpec((1, F), lambda i: (0, 0)),
        ],
        out_specs=[
            pl.BlockSpec((R, F), lambda i: (i, 0)),
            pl.BlockSpec((R, F), lambda i: (i, 0)),
        ],
        out_shape=[
            jax.ShapeDtypeStruct((N, F), jnp.float32),
            jax.ShapeDtypeStruct((N, F), jnp.float32),
        ],
    )(x, p1, degt, ws1, wn1, b1, wn2, ws2, b2)


def _tc2_body(hs_r, p2_r, degt_r, out_r):
    deg = degt_r[:, 0] + degt_r[:, 1]
    rdeg = 1.0 / jnp.maximum(deg, 1.0)
    out_r[...] = hs_r[...] + (p2_r[0] + p2_r[1]) * rdeg[:, None]


def _tc2(hs, p2, degt):
    return pl.pallas_call(
        _tc2_body,
        grid=(GRID,),
        in_specs=[
            pl.BlockSpec((R, F), lambda i: (i, 0)),
            pl.BlockSpec((2, R, F), lambda i: (0, i, 0)),
            pl.BlockSpec((R, 2), lambda i: (i, 0)),
        ],
        out_specs=pl.BlockSpec((R, F), lambda i: (i, 0)),
        out_shape=jax.ShapeDtypeStruct((N, F), jnp.float32),
    )(hs, p2, degt)


def kernel(features, edge_index, W_self1, W_neigh1, b1, W_self2, W_neigh2, b2):
    src = edge_index[0].astype(jnp.int32)
    dst = edge_index[1].astype(jnp.int32)
    zrows = jnp.zeros((RPT, F), jnp.float32)

    p1, pdeg = _seg1(features, src, dst, zrows)
    degt = jnp.transpose(pdeg.reshape(2, NPAD)[:, :N])
    hs, y = _tc1(features, p1, degt, W_self1, W_neigh1, b1.reshape(1, H),
                 W_neigh2, W_self2, b2.reshape(1, F))

    p2 = _seg2(y, src, dst, zrows)
    out = _tc2(hs, p2, degt)
    return out

# --- scband reference (transcript-rebuilt; emitter-appended) ---
"""Pipeline reference for scband-graph-sage-5798205850123 (READ-ONLY COPY).

The authoritative reference and input builder live on the scoring server;
editing this copy changes nothing except your own understanding.
"""

import jax, jax.numpy as jnp
import numpy as np

N_NODES = 10000
N_EDGES = 320000
IN_FEATS = 128
HIDDEN = 256
OUT_FEATS = 128


def setup_inputs(seed: int = 0) -> dict:
    key = jax.random.key(seed)
    ks = jax.random.split(key, 8)
    features = jax.random.normal(ks[0], (N_NODES, IN_FEATS), dtype=jnp.float32)
    edge_index = jax.random.randint(ks[1], (2, N_EDGES), 0, N_NODES, dtype=jnp.int64)
    # SAGEConv (mean) layer 1 params
    s1 = 1.0 / np.sqrt(IN_FEATS)
    W_self1 = jax.random.uniform(ks[2], (IN_FEATS, HIDDEN), dtype=jnp.float32, minval=-s1, maxval=s1)
    W_neigh1 = jax.random.uniform(ks[3], (IN_FEATS, HIDDEN), dtype=jnp.float32, minval=-s1, maxval=s1)
    b1 = jnp.zeros((HIDDEN,), dtype=jnp.float32)
    # SAGEConv (mean) layer 2 params
    s2 = 1.0 / np.sqrt(HIDDEN)
    W_self2 = jax.random.uniform(ks[4], (HIDDEN, OUT_FEATS), dtype=jnp.float32, minval=-s2, maxval=s2)
    W_neigh2 = jax.random.uniform(ks[5], (HIDDEN, OUT_FEATS), dtype=jnp.float32, minval=-s2, maxval=s2)
    b2 = jnp.zeros((OUT_FEATS,), dtype=jnp.float32)
    return {
        "features": features,
        "edge_index": edge_index,
        "W_self1": W_self1,
        "W_neigh1": W_neigh1,
        "b1": b1,
        "W_self2": W_self2,
        "W_neigh2": W_neigh2,
        "b2": b2,
    }


def _sage_conv_mean(x, src, dst, W_self, W_neigh, b, n_nodes):
    # gather source-node features along edges
    msg = jnp.take(x, src, axis=0)
    # scatter-add into destination nodes
    agg = jax.ops.segment_sum(msg, dst, num_segments=n_nodes)
    deg = jax.ops.segment_sum(jnp.ones((src.shape[0],), dtype=x.dtype), dst, num_segments=n_nodes)
    mean_neigh = agg / jnp.clip(deg, 1.0, None)[:, None]
    return x @ W_self + mean_neigh @ W_neigh + b


def reference(features, edge_index, W_self1, W_neigh1, b1, W_self2, W_neigh2, b2):
    src = edge_index[0]
    dst = edge_index[1]
    h = _sage_conv_mean(features, src, dst, W_self1, W_neigh1, b1, N_NODES)
    h = jax.nn.relu(h)
    out = _sage_conv_mean(h, src, dst, W_self2, W_neigh2, b2, N_NODES)
    return out

if __name__ == "__main__":
    import jax
    _d = setup_inputs()
    print(jax.jit(kernel)(*tuple(_d.values())))

</pallas_src>

<mosaic_0001>
#map = affine_map<(d0, d1) -> (0, 0)>
#map1 = affine_map<(d0, d1) -> (0)>
#map2 = affine_map<(d0, d1) -> (0, 0, 0)>
module attributes {stable_mosaic.version = 14 : i64} {
  func.func @seg(%arg0: i32, %arg1: i32, %arg2: memref<10000x128xf32, #tpu.memory_space<hbm>>, %arg3: memref<320000xi32, #tpu.memory_space<hbm>>, %arg4: memref<320000xi32, #tpu.memory_space<hbm>>, %arg5: memref<632x128xf32, #tpu.memory_space<hbm>>, %arg6: memref<2x10112x128xf32, #tpu.memory_space<hbm>>, %arg7: memref<20224xf32, #tpu.memory_space<hbm>>, %arg8: memref<128xi32, #tpu.memory_space<vmem>>, %arg9: memref<128xi32, #tpu.memory_space<vmem>>, %arg10: memref<128xi32, #tpu.memory_space<vmem>>, %arg11: memref<128xi32, #tpu.memory_space<vmem>>, %arg12: memref<128xi32, #tpu.memory_space<vmem>>, %arg13: memref<128xi32, #tpu.memory_space<vmem>>, %arg14: memref<128xi32, #tpu.memory_space<vmem>>, %arg15: memref<128xi32, #tpu.memory_space<vmem>>, %arg16: memref<128x128xf32, #tpu.memory_space<vmem>>, %arg17: memref<128x128xf32, #tpu.memory_space<vmem>>, %arg18: memref<16xi32, #tpu.memory_space<vmem>>, %arg19: memref<16xi32, #tpu.memory_space<vmem>>, %arg20: memref<16x128xf32, #tpu.memory_space<vmem>>, %arg21: memref<128xf32, #tpu.memory_space<vmem>>, %arg22: memref<632xf32, #tpu.memory_space<vmem>>, %arg23: memref<10112x128xf32, #tpu.memory_space<vmem_shared>>, %arg24: memref<10112xf32, #tpu.memory_space<vmem_shared>>, %arg25: memref<!tpu.dma_semaphore, #tpu.memory_space<semaphore_mem>>, %arg26: memref<!tpu.dma_semaphore, #tpu.memory_space<semaphore_mem>>, %arg27: memref<!tpu.dma_semaphore, #tpu.memory_space<semaphore_mem>>, %arg28: memref<!tpu.dma_semaphore, #tpu.memory_space<semaphore_mem>>, %arg29: memref<!tpu.dma_semaphore, #tpu.memory_space<semaphore_mem>>, %arg30: memref<!tpu.dma_semaphore, #tpu.memory_space<semaphore_mem>>, %arg31: memref<!tpu.dma_semaphore, #tpu.memory_space<semaphore_mem>>, %arg32: memref<!tpu.dma_semaphore, #tpu.memory_space<semaphore_mem>>, %arg33: memref<!tpu.dma_semaphore, #tpu.memory_space<semaphore_mem>>) attributes {dimension_semantics = [#tpu.dimension_semantics<core_parallel>, #tpu.dimension_semantics<subcore_parallel>], iteration_bounds = array<i64: 2, 16>, scalar_prefetch = 0 : i64, scratch_operands = 26 : i64, tpu.core_type = #tpu.core_type<sc_vector_subcore>, window_params = [{transform_indices = #map}, {transform_indices = #map1}, {transform_indices = #map1}, {transform_indices = #map}, {transform_indices = #map2}, {transform_indices = #map1}]} {
    %mul3A = arith.constant 16 : i32
    %mul3A_0 = arith.muli %arg0, %mul3A : i32
    %add3A = arith.addi %mul3A_0, %arg1 : i32
    %mul3A_1 = arith.constant 10000 : i32
    %mul3A_2 = arith.muli %add3A, %mul3A_1 : i32
    %mul3A_3 = arith.constant 632 : i32
    %mul3A_4 = arith.muli %arg1, %mul3A_3 : i32
    "tpu.region"() ({
      %run_scoped3A = tpu.sem_alloc : memref<!tpu.dma_semaphore, #tpu.memory_space<semaphore_mem>>
      %dma_start3A_546 = arith.constant 0 : i32
      %dma_start3A_547 = tpu.memref_slice %arg23[%mul3A_4, %dma_start3A_546] : memref<10112x128xf32, #tpu.memory_space<vmem_shared>> -> memref<632x128xf32, #tpu.memory_space<vmem_shared>>
      tpu.enqueue_dma source(%arg5 : memref<632x128xf32, #tpu.memory_space<hbm>>) target(%dma_start3A_547 : memref<632x128xf32, #tpu.memory_space<vmem_shared>>) target_semaphore(%run_scoped3A : memref<!tpu.dma_semaphore, #tpu.memory_space<semaphore_mem>>)
      %dma_wait3A_548 = arith.constant 0 : i32
      %dma_wait3A_549 = tpu.memref_slice %arg23[%mul3A_4, %dma_wait3A_548] : memref<10112x128xf32, #tpu.memory_space<vmem_shared>> -> memref<632x128xf32, #tpu.memory_space<vmem_shared>>
      tpu.wait_dma2 semaphore(%run_scoped3A : memref<!tpu.dma_semaphore, #tpu.memory_space<semaphore_mem>>) src(%arg5 : memref<632x128xf32, #tpu.memory_space<hbm>>) dst(%dma_wait3A_549 : memref<632x128xf32, #tpu.memory_space<vmem_shared>>)
      tpu.yield
    }) : () -> ()
    %broadcast_in_dim3A = arith.constant 0.000000e+00 : f32
    %broadcast_in_dim3A_5 = vector.broadcast %broadcast_in_dim3A : f32 to vector<16xf32>
    %swap3A = arith.constant 0 : index
    %swap3A_6 = tpu.vector_load %arg22[%swap3A] {strides = array<i32>} : memref<632xf32, #tpu.memory_space<vmem>>, vector<16xf32>,
    %swap3A_7 = vector.shape_cast %swap3A_6 : vector<16xf32> to vector<16xf32>
    %swap3A_8 = vector.shape_cast %broadcast_in_dim3A_5 : vector<16xf32> to vector<16xf32>
    tpu.vector_store %arg22[%swap3A], %swap3A_8 {strides = array<i32>} : memref<632xf32, #tpu.memory_space<vmem>>, vector<16xf32>,
    %broadcast_in_dim3A_9 = arith.constant 0.000000e+00 : f32
    %broadcast_in_dim3A_10 = vector.broadcast %broadcast_in_dim3A_9 : f32 to vector<16xf32>
    %swap3A_11 = arith.constant 16 : index
    %swap3A_12 = tpu.vector_load %arg22[%swap3A_11] {strides = array<i32>} : memref<632xf32, #tpu.memory_space<vmem>>, vector<16xf32>,
    %swap3A_13 = vector.shape_cast %swap3A_12 : vector<16xf32> to vector<16xf32>
    %swap3A_14 = vector.shape_cast %broadcast_in_dim3A_10 : vector<16xf32> to vector<16xf32>
    tpu.vector_store %arg22[%swap3A_11], %swap3A_14 {strides = array<i32>} : memref<632xf32, #tpu.memory_space<vmem>>, vector<16xf32>,
    %broadcast_in_dim3A_15 = arith.constant 0.000000e+00 : f32
    %broadcast_in_dim3A_16 = vector.broadcast %broadcast_in_dim3A_15 : f32 to vector<16xf32>
    %swap3A_17 = arith.constant 32 : index
    %swap3A_18 = tpu.vector_load %arg22[%swap3A_17] {strides = array<i32>} : memref<632xf32, #tpu.memory_space<vmem>>, vector<16xf32>,
    %swap3A_19 = vector.shape_cast %swap3A_18 : vector<16xf32> to vector<16xf32>
    %swap3A_20 = vector.shape_cast %broadcast_in_dim3A_16 : vector<16xf32> to vector<16xf32>
    tpu.vector_store %arg22[%swap3A_17], %swap3A_20 {strides = array<i32>} : memref<632xf32, #tpu.memory_space<vmem>>, vector<16xf32>,
    %broadcast_in_dim3A_21 = arith.constant 0.000000e+00 : f32
    %broadcast_in_dim3A_22 = vector.broadcast %broadcast_in_dim3A_21 : f32 to vector<16xf32>
    %swap3A_23 = arith.constant 48 : index
    %swap3A_24 = tpu.vector_load %arg22[%swap3A_23] {strides = array<i32>} : memref<632xf32, #tpu.memory_space<vmem>>, vector<16xf32>,
    %swap3A_25 = vector.shape_cast %swap3A_24 : vector<16xf32> to vector<16xf32>
    %swap3A_26 = vector.shape_cast %broadcast_in_dim3A_22 : vector<16xf32> to vector<16xf32>
    tpu.vector_store %arg22[%swap3A_23], %swap3A_26 {strides = array<i32>} : memref<632xf32, #tpu.memory_space<vmem>>, vector<16xf32>,
    %broadcast_in_dim3A_27 = arith.constant 0.000000e+00 : f32
    %broadcast_in_dim3A_28 = vector.broadcast %broadcast_in_dim3A_27 : f32 to vector<16xf32>
    %swap3A_29 = arith.constant 64 : index
    %swap3A_30 = tpu.vector_load %arg22[%swap3A_29] {strides = array<i32>} : memref<632xf32, #tpu.memory_space<vmem>>, vector<16xf32>,
    %swap3A_31 = vector.shape_cast %swap3A_30 : vector<16xf32> to vector<16xf32>
    %swap3A_32 = vector.shape_cast %broadcast_in_dim3A_28 : vector<16xf32> to vector<16xf32>
    tpu.vector_store %arg22[%swap3A_29], %swap3A_32 {strides = array<i32>} : memref<632xf32, #tpu.memory_space<vmem>>, vector<16xf32>,
    %broadcast_in_dim3A_33 = arith.constant 0.000000e+00 : f32
    %broadcast_in_dim3A_34 = vector.broadcast %broadcast_in_dim3A_33 : f32 to vector<16xf32>
    %swap3A_35 = arith.constant 80 : index
    %swap3A_36 = tpu.vector_load %arg22[%swap3A_35] {strides = array<i32>} : memref<632xf32, #tpu.memory_space<vmem>>, vector<16xf32>,
    %swap3A_37 = vector.shape_cast %swap3A_36 : vector<16xf32> to vector<16xf32>
    %swap3A_38 = vector.shape_cast %broadcast_in_dim3A_34 : vector<16xf32> to vector<16xf32>
    tpu.vector_store %arg22[%swap3A_35], %swap3A_38 {strides = array<i32>} : memref<632xf32, #tpu.memory_space<vmem>>, vector<16xf32>,
    %broadcast_in_dim3A_39 = arith.constant 0.000000e+00 : f32
    %broadcast_in_dim3A_40 = vector.broadcast %broadcast_in_dim3A_39 : f32 to vector<16xf32>
    %swap3A_41 = arith.constant 96 : index
    %swap3A_42 = tpu.vector_load %arg22[%swap3A_41] {strides = array<i32>} : memref<632xf32, #tpu.memory_space<vmem>>, vector<16xf32>,
    %swap3A_43 = vector.shape_cast %swap3A_42 : vector<16xf32> to vector<16xf32>
    %swap3A_44 = vector.shape_cast %broadcast_in_dim3A_40 : vector<16xf32> to vector<16xf32>
    tpu.vector_store %arg22[%swap3A_41], %swap3A_44 {strides = array<i32>} : memref<632xf32, #tpu.memory_space<vmem>>, vector<16xf32>,
    %broadcast_in_dim3A_45 = arith.constant 0.000000e+00 : f32
    %broadcast_in_dim3A_46 = vector.broadcast %broadcast_in_dim3A_45 : f32 to vector<16xf32>
    %swap3A_47 = arith.constant 112 : index
    %swap3A_48 = tpu.vector_load %arg22[%swap3A_47] {strides = array<i32>} : memref<632xf32, #tpu.memory_space<vmem>>, vector<16xf32>,
    %swap3A_49 = vector.shape_cast %swap3A_48 : vector<16xf32> to vector<16xf32>
    %swap3A_50 = vector.shape_cast %broadcast_in_dim3A_46 : vector<16xf32> to vector<16xf32>
    tpu.vector_store %arg22[%swap3A_47], %swap3A_50 {strides = array<i32>} : memref<632xf32, #tpu.memory_space<vmem>>, vector<16xf32>,
    %broadcast_in_dim3A_51 = arith.constant 0.000000e+00 : f32
    %broadcast_in_dim3A_52 = vector.broadcast %broadcast_in_dim3A_51 : f32 to vector<16xf32>
    %swap3A_53 = arith.constant 128 : index
    %swap3A_54 = tpu.vector_load %arg22[%swap3A_53] {strides = array<i32>} : memref<632xf32, #tpu.memory_space<vmem>>, vector<16xf32>,
    %swap3A_55 = vector.shape_cast %swap3A_54 : vector<16xf32> to vector<16xf32>
    %swap3A_56 = vector.shape_cast %broadcast_in_dim3A_52 : vector<16xf32> to vector<16xf32>
    tpu.vector_store %arg22[%swap3A_53], %swap3A_56 {strides = array<i32>} : memref<632xf32, #tpu.memory_space<vmem>>, vector<16xf32>,
    %broadcast_in_dim3A_57 = arith.constant 0.000000e+00 : f32
    %broadcast_in_dim3A_58 = vector.broadcast %broadcast_in_dim3A_57 : f32 to vector<16xf32>
    %swap3A_59 = arith.constant 144 : index
    %swap3A_60 = tpu.vector_load %arg22[%swap3A_59] {strides = array<i32>} : memref<632xf32, #tpu.memory_space<vmem>>, vector<16xf32>,
    %swap3A_61 = vector.shape_cast %swap3A_60 : vector<16xf32> to vector<16xf32>
    %swap3A_62 = vector.shape_cast %broadcast_in_dim3A_58 : vector<16xf32> to vector<16xf32>
    tpu.vector_store %arg22[%swap3A_59], %swap3A_62 {strides = array<i32>} : memref<632xf32, #tpu.memory_space<vmem>>, vector<16xf32>,
    %broadcast_in_dim3A_63 = arith.constant 0.000000e+00 : f32
    %broadcast_in_dim3A_64 = vector.broadcast %broadcast_in_dim3A_63 : f32 to vector<16xf32>
    %swap3A_65 = arith.constant 160 : index
    %swap3A_66 = tpu.vector_load %arg22[%swap3A_65] {strides = array<i32>} : memref<632xf32, #tpu.memory_space<vmem>>, vector<16xf32>,
    %swap3A_67 = vector.shape_cast %swap3A_66 : vector<16xf32> to vector<16xf32>
    %swap3A_68 = vector.shape_cast %broadcast_in_dim3A_64 : vector<16xf32> to vector<16xf32>
    tpu.vector_store %arg22[%swap3A_65], %swap3A_68 {strides = array<i32>} : memref<632xf32, #tpu.memory_space<vmem>>, vector<16xf32>,
    %broadcast_in_dim3A_69 = arith.constant 0.000000e+00 : f32
    %broadcast_in_dim3A_70 = vector.broadcast %broadcast_in_dim3A_69 : f32 to vector<16xf32>
    %swap3A_71 = arith.constant 176 : index
    %swap3A_72 = tpu.vector_load %arg22[%swap3A_71] {strides = array<i32>} : memref<632xf32, #tpu.memory_space<vmem>>, vector<16xf32>,
    %swap3A_73 = vector.shape_cast %swap3A_72 : vector<16xf32> to vector<16xf32>
    %swap3A_74 = vector.shape_cast %broadcast_in_dim3A_70 : vector<16xf32> to vector<16xf32>
    tpu.vector_store %arg22[%swap3A_71], %swap3A_74 {strides = array<i32>} : memref<632xf32, #tpu.memory_space<vmem>>, vector<16xf32>,
    %broadcast_in_dim3A_75 = arith.constant 0.000000e+00 : f32
    %broadcast_in_dim3A_76 = vector.broadcast %broadcast_in_dim3A_75 : f32 to vector<16xf32>
    %swap3A_77 = arith.constant 192 : index
    %swap3A_78 = tpu.vector_load %arg22[%swap3A_77] {strides = array<i32>} : memref<632xf32, #tpu.memory_space<vmem>>, vector<16xf32>,
    %swap3A_79 = vector.shape_cast %swap3A_78 : vector<16xf32> to vector<16xf32>
    %swap3A_80 = vector.shape_cast %broadcast_in_dim3A_76 : vector<16xf32> to vector<16xf32>
    tpu.vector_store %arg22[%swap3A_77], %swap3A_80 {strides = array<i32>} : memref<632xf32, #tpu.memory_space<vmem>>, vector<16xf32>,
    %broadcast_in_dim3A_81 = arith.constant 0.000000e+00 : f32
    %broadcast_in_dim3A_82 = vector.broadcast %broadcast_in_dim3A_81 : f32 to vector<16xf32>
    %swap3A_83 = arith.constant 208 : index
    %swap3A_84 = tpu.vector_load %arg22[%swap3A_83] {strides = array<i32>} : memref<632xf32, #tpu.memory_space<vmem>>, vector<16xf32>,
    %swap3A_85 = vector.shape_cast %swap3A_84 : vector<16xf32> to vector<16xf32>
    %swap3A_86 = vector.shape_cast %broadcast_in_dim3A_82 : vector<16xf32> to vector<16xf32>
    tpu.vector_store %arg22[%swap3A_83], %swap3A_86 {strides = array<i32>} : memref<632xf32, #tpu.memory_space<vmem>>, vector<16xf32>,
    %broadcast_in_dim3A_87 = arith.constant 0.000000e+00 : f32
    %broadcast_in_dim3A_88 = vector.broadcast %broadcast_in_dim3A_87 : f32 to vector<16xf32>
    %swap3A_89 = arith.constant 224 : index
    %swap3A_90 = tpu.vector_load %arg22[%swap3A_89] {strides = array<i32>} : memref<632xf32, #tpu.memory_space<vmem>>, vector<16xf32>,
    %swap3A_91 = vector.shape_cast %swap3A_90 : vector<16xf32> to vector<16xf32>
    %swap3A_92 = vector.shape_cast %broadcast_in_dim3A_88 : vector<16xf32> to vector<16xf32>
    tpu.vector_store %arg22[%swap3A_89], %swap3A_92 {strides = array<i32>} : memref<632xf32, #tpu.memory_space<vmem>>, vector<16xf32>,
    %broadcast_in_dim3A_93 = arith.constant 0.000000e+00 : f32
    %broadcast_in_dim3A_94 = vector.broadcast %broadcast_in_dim3A_93 : f32 to vector<16xf32>
    %swap3A_95 = arith.constant 240 : index
    %swap3A_96 = tpu.vector_load %arg22[%swap3A_95] {strides = array<i32>} : memref<632xf32, #tpu.memory_space<vmem>>, vector<16xf32>,
    %swap3A_97 = vector.shape_cast %swap3A_96 : vector<16xf32> to vector<16xf32>
    %swap3A_98 = vector.shape_cast %broadcast_in_dim3A_94 : vector<16xf32> to vector<16xf32>
    tpu.vector_store %arg22[%swap3A_95], %swap3A_98 {strides = array<i32>} : memref<632xf32, #tpu.memory_space<vmem>>, vector<16xf32>,
    %broadcast_in_dim3A_99 = arith.constant 0.000000e+00 : f32
    %broadcast_in_dim3A_100 = vector.broadcast %broadcast_in_dim3A_99 : f32 to vector<16xf32>
    %swap3A_101 = arith.constant 256 : index
    %swap3A_102 = tpu.vector_load %arg22[%swap3A_101] {strides = array<i32>} : memref<632xf32, #tpu.memory_space<vmem>>, vector<16xf32>,
    %swap3A_103 = vector.shape_cast %swap3A_102 : vector<16xf32> to vector<16xf32>
    %swap3A_104 = vector.shape_cast %broadcast_in_dim3A_100 : vector<16xf32> to vector<16xf32>
    tpu.vector_store %arg22[%swap3A_101], %swap3A_104 {strides = array<i32>} : memref<632xf32, #tpu.memory_space<vmem>>, vector<16xf32>,
    %broadcast_in_dim3A_105 = arith.constant 0.000000e+00 : f32
    %broadcast_in_dim3A_106 = vector.broadcast %broadcast_in_dim3A_105 : f32 to vector<16xf32>
    %swap3A_107 = arith.constant 272 : index
    %swap3A_108 = tpu.vector_load %arg22[%swap3A_107] {strides = array<i32>} : memref<632xf32, #tpu.memory_space<vmem>>, vector<16xf32>,
    %swap3A_109 = vector.shape_cast %swap3A_108 : vector<16xf32> to vector<16xf32>
    %swap3A_110 = vector.shape_cast %broadcast_in_dim3A_106 : vector<16xf32> to vector<16xf32>
    tpu.vector_store %arg22[%swap3A_107], %swap3A_110 {strides = array<i32>} : memref<632xf32, #tpu.memory_space<vmem>>, vector<16xf32>,
    %broadcast_in_dim3A_111 = arith.constant 0.000000e+00 : f32
    %broadcast_in_dim3A_112 = vector.broadcast %broadcast_in_dim3A_111 : f32 to vector<16xf32>
    %swap3A_113 = arith.constant 288 : index
    %swap3A_114 = tpu.vector_load %arg22[%swap3A_113] {strides = array<i32>} : memref<632xf32, #tpu.memory_space<vmem>>, vector<16xf32>,
    %swap3A_115 = vector.shape_cast %swap3A_114 : vector<16xf32> to vector<16xf32>
    %swap3A_116 = vector.shape_cast %broadcast_in_dim3A_112 : vector<16xf32> to vector<16xf32>
    tpu.vector_store %arg22[%swap3A_113], %swap3A_116 {strides = array<i32>} : memref<632xf32, #tpu.memory_space<vmem>>, vector<16xf32>,
    %broadcast_in_dim3A_117 = arith.constant 0.000000e+00 : f32
    %broadcast_in_dim3A_118 = vector.broadcast %broadcast_in_dim3A_117 : f32 to vector<16xf32>
    %swap3A_119 = arith.constant 304 : index
    %swap3A_120 = tpu.vector_load %arg22[%swap3A_119] {strides = array<i32>} : memref<632xf32, #tpu.memory_space<vmem>>, vector<16xf32>,
    %swap3A_121 = vector.shape_cast %swap3A_120 : vector<16xf32> to vector<16xf32>
    %swap3A_122 = vector.shape_cast %broadcast_in_dim3A_118 : vector<16xf32> to vector<16xf32>
    tpu.vector_store %arg22[%swap3A_119], %swap3A_122 {strides = array<i32>} : memref<632xf32, #tpu.memory_space<vmem>>, vector<16xf32>,
    %broadcast_in_dim3A_123 = arith.constant 0.000000e+00 : f32
    %broadcast_in_dim3A_124 = vector.broadcast %broadcast_in_dim3A_123 : f32 to vector<16xf32>
    %swap3A_125 = arith.constant 320 : index
    %swap3A_126 = tpu.vector_load %arg22[%swap3A_125] {strides = array<i32>} : memref<632xf32, #tpu.memory_space<vmem>>, vector<16xf32>,
    %swap3A_127 = vector.shape_cast %swap3A_126 : vector<16xf32> to vector<16xf32>
    %swap3A_128 = vector.shape_cast %broadcast_in_dim3A_124 : vector<16xf32> to vector<16xf32>
    tpu.vector_store %arg22[%swap3A_125], %swap3A_128 {strides = array<i32>} : memref<632xf32, #tpu.memory_space<vmem>>, vector<16xf32>,
    %broadcast_in_dim3A_129 = arith.constant 0.000000e+00 : f32
    %broadcast_in_dim3A_130 = vector.broadcast %broadcast_in_dim3A_129 : f32 to vector<16xf32>
    %swap3A_131 = arith.constant 336 : index
    %swap3A_132 = tpu.vector_load %arg22[%swap3A_131] {strides = array<i32>} : memref<632xf32, #tpu.memory_space<vmem>>, vector<16xf32>,
    %swap3A_133 = vector.shape_cast %swap3A_132 : vector<16xf32> to vector<16xf32>
    %swap3A_134 = vector.shape_cast %broadcast_in_dim3A_130 : vector<16xf32> to vector<16xf32>
    tpu.vector_store %arg22[%swap3A_131], %swap3A_134 {strides = array<i32>} : memref<632xf32, #tpu.memory_space<vmem>>, vector<16xf32>,
    %broadcast_in_dim3A_135 = arith.constant 0.000000e+00 : f32
    %broadcast_in_dim3A_136 = vector.broadcast %broadcast_in_dim3A_135 : f32 to vector<16xf32>
    %swap3A_137 = arith.constant 352 : index
    %swap3A_138 = tpu.vector_load %arg22[%swap3A_137] {strides = array<i32>} : memref<632xf32, #tpu.memory_space<vmem>>, vector<16xf32>,
    %swap3A_139 = vector.shape_cast %swap3A_138 : vector<16xf32> to vector<16xf32>
    %swap3A_140 = vector.shape_cast %broadcast_in_dim3A_136 : vector<16xf32> to vector<16xf32>
    tpu.vector_store %arg22[%swap3A_137], %swap3A_140 {strides = array<i32>} : memref<632xf32, #tpu.memory_space<vmem>>, vector<16xf32>,
    %broadcast_in_dim3A_141 = arith.constant 0.000000e+00 : f32
    %broadcast_in_dim3A_142 = vector.broadcast %broadcast_in_dim3A_141 : f32 to vector<16xf32>
    %swap3A_143 = arith.constant 368 : index
    %swap3A_144 = tpu.vector_load %arg22[%swap3A_143] {strides = array<i32>} : memref<632xf32, #tpu.memory_space<vmem>>, vector<16xf32>,
    %swap3A_145 = vector.shape_cast %swap3A_144 : vector<16xf32> to vector<16xf32>
    %swap3A_146 = vector.shape_cast %broadcast_in_dim3A_142 : vector<16xf32> to vector<16xf32>
    tpu.vector_store %arg22[%swap3A_143], %swap3A_146 {strides = array<i32>} : memref<632xf32, #tpu.memory_space<vmem>>, vector<16xf32>,
    %broadcast_in_dim3A_147 = arith.constant 0.000000e+00 : f32
    %broadcast_in_dim3A_148 = vector.broadcast %broadcast_in_dim3A_147 : f32 to vector<16xf32>
    %swap3A_149 = arith.constant 384 : index
    %swap3A_150 = tpu.vector_load %arg22[%swap3A_149] {strides = array<i32>} : memref<632xf32, #tpu.memory_space<vmem>>, vector<16xf32>,
    %swap3A_151 = vector.shape_cast %swap3A_150 : vector<16xf32> to vector<16xf32>
    %swap3A_152 = vector.shape_cast %broadcast_in_dim3A_148 : vector<16xf32> to vector<16xf32>
    tpu.vector_store %arg22[%swap3A_149], %swap3A_152 {strides = array<i32>} : memref<632xf32, #tpu.memory_space<vmem>>, vector<16xf32>,
    %broadcast_in_dim3A_153 = arith.constant 0.000000e+00 : f32
    %broadcast_in_dim3A_154 = vector.broadcast %broadcast_in_dim3A_153 : f32 to vector<16xf32>
    %swap3A_155 = arith.constant 400 : index
    %swap3A_156 = tpu.vector_load %arg22[%swap3A_155] {strides = array<i32>} : memref<632xf32, #tpu.memory_space<vmem>>, vector<16xf32>,
    %swap3A_157 = vector.shape_cast %swap3A_156 : vector<16xf32> to vector<16xf32>
    %swap3A_158 = vector.shape_cast %broadcast_in_dim3A_154 : vector<16xf32> to vector<16xf32>
    tpu.vector_store %arg22[%swap3A_155], %swap3A_158 {strides = array<i32>} : memref<632xf32, #tpu.memory_space<vmem>>, vector<16xf32>,
    %broadcast_in_dim3A_159 = arith.constant 0.000000e+00 : f32
    %broadcast_in_dim3A_160 = vector.broadcast %broadcast_in_dim3A_159 : f32 to vector<16xf32>
    %swap3A_161 = arith.constant 416 : index
    %swap3A_162 = tpu.vector_load %arg22[%swap3A_161] {strides = array<i32>} : memref<632xf32, #tpu.memory_space<vmem>>, vector<16xf32>,
    %swap3A_163 = vector.shape_cast %swap3A_162 : vector<16xf32> to vector<16xf32>
    %swap3A_164 = vector.shape_cast %broadcast_in_dim3A_160 : vector<16xf32> to vector<16xf32>
    tpu.vector_store %arg22[%swap3A_161], %swap3A_164 {strides = array<i32>} : memref<632xf32, #tpu.memory_space<vmem>>, vector<16xf32>,
    %broadcast_in_dim3A_165 = arith.constant 0.000000e+00 : f32
    %broadcast_in_dim3A_166 = vector.broadcast %broadcast_in_dim3A_165 : f32 to vector<16xf32>
    %swap3A_167 = arith.constant 432 : index
    %swap3A_168 = tpu.vector_load %arg22[%swap3A_167] {strides = array<i32>} : memref<632xf32, #tpu.memory_space<vmem>>, vector<16xf32>,
    %swap3A_169 = vector.shape_cast %swap3A_168 : vector<16xf32> to vector<16xf32>
    %swap3A_170 = vector.shape_cast %broadcast_in_dim3A_166 : vector<16xf32> to vector<16xf32>
    tpu.vector_store %arg22[%swap3A_167], %swap3A_170 {strides = array<i32>} : memref<632xf32, #tpu.memory_space<vmem>>, vector<16xf32>,
    %broadcast_in_dim3A_171 = arith.constant 0.000000e+00 : f32
    %broadcast_in_dim3A_172 = vector.broadcast %broadcast_in_dim3A_171 : f32 to vector<16xf32>
    %swap3A_173 = arith.constant 448 : index
    %swap3A_174 = tpu.vector_load %arg22[%swap3A_173] {strides = array<i32>} : memref<632xf32, #tpu.memory_space<vmem>>, vector<16xf32>,
    %swap3A_175 = vector.shape_cast %swap3A_174 : vector<16xf32> to vector<16xf32>
    %swap3A_176 = vector.shape_cast %broadcast_in_dim3A_172 : vector<16xf32> to vector<16xf32>
    tpu.vector_store %arg22[%swap3A_173], %swap3A_176 {strides = array<i32>} : memref<632xf32, #tpu.memory_space<vmem>>, vector<16xf32>,
    %broadcast_in_dim3A_177 = arith.constant 0.000000e+00 : f32
    %broadcast_in_dim3A_178 = vector.broadcast %broadcast_in_dim3A_177 : f32 to vector<16xf32>
    %swap3A_179 = arith.constant 464 : index
    %swap3A_180 = tpu.vector_load %arg22[%swap3A_179] {strides = array<i32>} : memref<632xf32, #tpu.memory_space<vmem>>, vector<16xf32>,
    %swap3A_181 = vector.shape_cast %swap3A_180 : vector<16xf32> to vector<16xf32>
    %swap3A_182 = vector.shape_cast %broadcast_in_dim3A_178 : vector<16xf32> to vector<16xf32>
    tpu.vector_store %arg22[%swap3A_179], %swap3A_182 {strides = array<i32>} : memref<632xf32, #tpu.memory_space<vmem>>, vector<16xf32>,
    %broadcast_in_dim3A_183 = arith.constant 0.000000e+00 : f32
    %broadcast_in_dim3A_184 = vector.broadcast %broadcast_in_dim3A_183 : f32 to vector<16xf32>
    %swap3A_185 = arith.constant 480 : index
    %swap3A_186 = tpu.vector_load %arg22[%swap3A_185] {strides = array<i32>} : memref<632xf32, #tpu.memory_space<vmem>>, vector<16xf32>,
    %swap3A_187 = vector.shape_cast %swap3A_186 : vector<16xf32> to vector<16xf32>
    %swap3A_188 = vector.shape_cast %broadcast_in_dim3A_184 : vector<16xf32> to vector<16xf32>
    tpu.vector_store %arg22[%swap3A_185], %swap3A_188 {strides = array<i32>} : memref<632xf32, #tpu.memory_space<vmem>>, vector<16xf32>,
    %broadcast_in_dim3A_189 = arith.constant 0.000000e+00 : f32
    %broadcast_in_dim3A_190 = vector.broadcast %broadcast_in_dim3A_189 : f32 to vector<16xf32>
    %swap3A_191 = arith.constant 496 : index
    %swap3A_192 = tpu.vector_load %arg22[%swap3A_191] {strides = array<i32>} : memref<632xf32, #tpu.memory_space<vmem>>, vector<16xf32>,
    %swap3A_193 = vector.shape_cast %swap3A_192 : vector<16xf32> to vector<16xf32>
    %swap3A_194 = vector.shape_cast %broadcast_in_dim3A_190 : vector<16xf32> to vector<16xf32>
    tpu.vector_store %arg22[%swap3A_191], %swap3A_194 {strides = array<i32>} : memref<632xf32, #tpu.memory_space<vmem>>, vector<16xf32>,
    %broadcast_in_dim3A_195 = arith.constant 0.000000e+00 : f32
    %broadcast_in_dim3A_196 = vector.broadcast %broadcast_in_dim3A_195 : f32 to vector<16xf32>
    %swap3A_197 = arith.constant 512 : index
    %swap3A_198 = tpu.vector_load %arg22[%swap3A_197] {strides = array<i32>} : memref<632xf32, #tpu.memory_space<vmem>>, vector<16xf32>,
    %swap3A_199 = vector.shape_cast %swap3A_198 : vector<16xf32> to vector<16xf32>
    %swap3A_200 = vector.shape_cast %broadcast_in_dim3A_196 : vector<16xf32> to vector<16xf32>
    tpu.vector_store %arg22[%swap3A_197], %swap3A_200 {strides = array<i32>} : memref<632xf32, #tpu.memory_space<vmem>>, vector<16xf32>,
    %broadcast_in_dim3A_201 = arith.constant 0.000000e+00 : f32
    %broadcast_in_dim3A_202 = vector.broadcast %broadcast_in_dim3A_201 : f32 to vector<16xf32>
    %swap3A_203 = arith.constant 528 : index
    %swap3A_204 = tpu.vector_load %arg22[%swap3A_203] {strides = array<i32>} : memref<632xf32, #tpu.memory_space<vmem>>, vector<16xf32>,
    %swap3A_205 = vector.shape_cast %swap3A_204 : vector<16xf32> to vector<16xf32>
    %swap3A_206 = vector.shape_cast %broadcast_in_dim3A_202 : vector<16xf32> to vector<16xf32>
    tpu.vector_store %arg22[%swap3A_203], %swap3A_206 {strides = array<i32>} : memref<632xf32, #tpu.memory_space<vmem>>, vector<16xf32>,
    %broadcast_in_dim3A_207 = arith.constant 0.000000e+00 : f32
    %broadcast_in_dim3A_208 = vector.broadcast %broadcast_in_dim3A_207 : f32 to vector<16xf32>
    %swap3A_209 = arith.constant 544 : index
    %swap3A_210 = tpu.vector_load %arg22[%swap3A_209] {strides = array<i32>} : memref<632xf32, #tpu.memory_space<vmem>>, vector<16xf32>,
    %swap3A_211 = vector.shape_cast %swap3A_210 : vector<16xf32> to vector<16xf32>
    %swap3A_212 = vector.shape_cast %broadcast_in_dim3A_208 : vector<16xf32> to vector<16xf32>
    tpu.vector_store %arg22[%swap3A_209], %swap3A_212 {strides = array<i32>} : memref<632xf32, #tpu.memory_space<vmem>>, vector<16xf32>,
    %broadcast_in_dim3A_213 = arith.constant 0.000000e+00 : f32
    %broadcast_in_dim3A_214 = vector.broadcast %broadcast_in_dim3A_213 : f32 to vector<16xf32>
    %swap3A_215 = arith.constant 560 : index
    %swap3A_216 = tpu.vector_load %arg22[%swap3A_215] {strides = array<i32>} : memref<632xf32, #tpu.memory_space<vmem>>, vector<16xf32>,
    %swap3A_217 = vector.shape_cast %swap3A_216 : vector<16xf32> to vector<16xf32>
    %swap3A_218 = vector.shape_cast %broadcast_in_dim3A_214 : vector<16xf32> to vector<16xf32>
    tpu.vector_store %arg22[%swap3A_215], %swap3A_218 {strides = array<i32>} : memref<632xf32, #tpu.memory_space<vmem>>, vector<16xf32>,
    %broadcast_in_dim3A_219 = arith.constant 0.000000e+00 : f32
    %broadcast_in_dim3A_220 = vector.broadcast %broadcast_in_dim3A_219 : f32 to vector<16xf32>
    %swap3A_221 = arith.constant 576 : index
    %swap3A_222 = tpu.vector_load %arg22[%swap3A_221] {strides = array<i32>} : memref<632xf32, #tpu.memory_space<vmem>>, vector<16xf32>,
    %swap3A_223 = vector.shape_cast %swap3A_222 : vector<16xf32> to vector<16xf32>
    %swap3A_224 = vector.shape_cast %broadcast_in_dim3A_220 : vector<16xf32> to vector<16xf32>
    tpu.vector_store %arg22[%swap3A_221], %swap3A_224 {strides = array<i32>} : memref<632xf32, #tpu.memory_space<vmem>>, vector<16xf32>,
    %broadcast_in_dim3A_225 = arith.constant 0.000000e+00 : f32
    %broadcast_in_dim3A_226 = vector.broadcast %broadcast_in_dim3A_225 : f32 to vector<16xf32>
    %swap3A_227 = arith.constant 592 : index
    %swap3A_228 = tpu.vector_load %arg22[%swap3A_227] {strides = array<i32>} : memref<632xf32, #tpu.memory_space<vmem>>, vector<16xf32>,
    %swap3A_229 = vector.shape_cast %swap3A_228 : vector<16xf32> to vector<16xf32>
    %swap3A_230 = vector.shape_cast %broadcast_in_dim3A_226 : vector<16xf32> to vector<16xf32>
    tpu.vector_store %arg22[%swap3A_227], %swap3A_230 {strides = array<i32>} : memref<632xf32, #tpu.memory_space<vmem>>, vector<16xf32>,
    %broadcast_in_dim3A_231 = arith.constant 0.000000e+00 : f32
    %broadcast_in_dim3A_232 = vector.broadcast %broadcast_in_dim3A_231 : f32 to vector<16xf32>
    %swap3A_233 = arith.constant 608 : index
    %swap3A_234 = tpu.vector_load %arg22[%swap3A_233] {strides = array<i32>} : memref<632xf32, #tpu.memory_space<vmem>>, vector<16xf32>,
    %swap3A_235 = vector.shape_cast %swap3A_234 : vector<16xf32> to vector<16xf32>
    %swap3A_236 = vector.shape_cast %broadcast_in_dim3A_232 : vector<16xf32> to vector<16xf32>
    tpu.vector_store %arg22[%swap3A_233], %swap3A_236 {strides = array<i32>} : memref<632xf32, #tpu.memory_space<vmem>>, vector<16xf32>,
    %broadcast_in_dim3A_237 = arith.constant 0.000000e+00 : f32
    %broadcast_in_dim3A_238 = vector.broadcast %broadcast_in_dim3A_237 : f32 to vector<16xf32>
    %swap3A_239 = arith.constant 616 : index
    %swap3A_240 = tpu.vector_load %arg22[%swap3A_239] {strides = array<i32>} : memref<632xf32, #tpu.memory_space<vmem>>, vector<16xf32>,
    %swap3A_241 = vector.shape_cast %swap3A_240 : vector<16xf32> to vector<16xf32>
    %swap3A_242 = vector.shape_cast %broadcast_in_dim3A_238 : vector<16xf32> to vector<16xf32>
    tpu.vector_store %arg22[%swap3A_239], %swap3A_242 {strides = array<i32>} : memref<632xf32, #tpu.memory_space<vmem>>, vector<16xf32>,
    %mul3A_243 = arith.constant 632 : i32
    %mul3A_244 = arith.muli %arg1, %mul3A_243 : i32
    "tpu.region"() ({
      %run_scoped3A = tpu.sem_alloc : memref<!tpu.dma_semaphore, #tpu.memory_space<semaphore_mem>>
      %dma_start3A_546 = tpu.memref_slice %arg24[%mul3A_244] : memref<10112xf32, #tpu.memory_space<vmem_shared>> -> memref<632xf32, #tpu.memory_space<vmem_shared>>
      %dma_start3A_547 = tpu.memref_slice %arg24[%mul3A_244] : memref<10112xf32, #tpu.memory_space<vmem_shared>> -> memref<632xf32, #tpu.memory_space<vmem_shared>>
      tpu.enqueue_dma source(%arg22 : memref<632xf32, #tpu.memory_space<vmem>>) target(%dma_start3A_547 : memref<632xf32, #tpu.memory_space<vmem_shared>>) target_semaphore(%run_scoped3A : memref<!tpu.dma_semaphore, #tpu.memory_space<semaphore_mem>>)
      %dma_wait3A_548 = tpu.memref_slice %arg24[%mul3A_244] : memref<10112xf32, #tpu.memory_space<vmem_shared>> -> memref<632xf32, #tpu.memory_space<vmem_shared>>
      %dma_wait3A_549 = tpu.memref_slice %arg24[%mul3A_244] : memref<10112xf32, #tpu.memory_space<vmem_shared>> -> memref<632xf32, #tpu.memory_space<vmem_shared>>
      tpu.wait_dma2 semaphore(%run_scoped3A : memref<!tpu.dma_semaphore, #tpu.memory_space<semaphore_mem>>) src(%arg22 : memref<632xf32, #tpu.memory_space<vmem>>) dst(%dma_wait3A_549 : memref<632xf32, #tpu.memory_space<vmem_shared>>)
      tpu.yield
    }) : () -> ()
    %broadcast_in_dim3A_245 = arith.constant 1.000000e+00 : f32
    %broadcast_in_dim3A_246 = vector.broadcast %broadcast_in_dim3A_245 : f32 to vector<16xf32>
    %swap3A_247 = arith.constant 0 : index
    %swap3A_248 = tpu.vector_load %arg21[%swap3A_247] {strides = array<i32>} : memref<128xf32, #tpu.memory_space<vmem>>, vector<16xf32>,
    %swap3A_249 = vector.shape_cast %swap3A_248 : vector<16xf32> to vector<16xf32>
    %swap3A_250 = vector.shape_cast %broadcast_in_dim3A_246 : vector<16xf32> to vector<16xf32>
    tpu.vector_store %arg21[%swap3A_247], %swap3A_250 {strides = array<i32>} : memref<128xf32, #tpu.memory_space<vmem>>, vector<16xf32>,
    %broadcast_in_dim3A_251 = arith.constant 1.000000e+00 : f32
    %broadcast_in_dim3A_252 = vector.broadcast %broadcast_in_dim3A_251 : f32 to vector<16xf32>
    %swap3A_253 = arith.constant 16 : index
    %swap3A_254 = tpu.vector_load %arg21[%swap3A_253] {strides = array<i32>} : memref<128xf32, #tpu.memory_space<vmem>>, vector<16xf32>,
    %swap3A_255 = vector.shape_cast %swap3A_254 : vector<16xf32> to vector<16xf32>
    %swap3A_256 = vector.shape_cast %broadcast_in_dim3A_252 : vector<16xf32> to vector<16xf32>
    tpu.vector_store %arg21[%swap3A_253], %swap3A_256 {strides = array<i32>} : memref<128xf32, #tpu.memory_space<vmem>>, vector<16xf32>,
    %broadcast_in_dim3A_257 = arith.constant 1.000000e+00 : f32
    %broadcast_in_dim3A_258 = vector.broadcast %broadcast_in_dim3A_257 : f32 to vector<16xf32>
    %swap3A_259 = arith.constant 32 : index
    %swap3A_260 = tpu.vector_load %arg21[%swap3A_259] {strides = array<i32>} : memref<128xf32, #tpu.memory_space<vmem>>, vector<16xf32>,
    %swap3A_261 = vector.shape_cast %swap3A_260 : vector<16xf32> to vector<16xf32>
    %swap3A_262 = vector.shape_cast %broadcast_in_dim3A_258 : vector<16xf32> to vector<16xf32>
    tpu.vector_store %arg21[%swap3A_259], %swap3A_262 {strides = array<i32>} : memref<128xf32, #tpu.memory_space<vmem>>, vector<16xf32>,
    %broadcast_in_dim3A_263 = arith.constant 1.000000e+00 : f32
    %broadcast_in_dim3A_264 = vector.broadcast %broadcast_in_dim3A_263 : f32 to vector<16xf32>
    %swap3A_265 = arith.constant 48 : index
    %swap3A_266 = tpu.vector_load %arg21[%swap3A_265] {strides = array<i32>} : memref<128xf32, #tpu.memory_space<vmem>>, vector<16xf32>,
    %swap3A_267 = vector.shape_cast %swap3A_266 : vector<16xf32> to vector<16xf32>
    %swap3A_268 = vector.shape_cast %broadcast_in_dim3A_264 : vector<16xf32> to vector<16xf32>
    tpu.vector_store %arg21[%swap3A_265], %swap3A_268 {strides = array<i32>} : memref<128xf32, #tpu.memory_space<vmem>>, vector<16xf32>,
    %broadcast_in_dim3A_269 = arith.constant 1.000000e+00 : f32
    %broadcast_in_dim3A_270 = vector.broadcast %broadcast_in_dim3A_269 : f32 to vector<16xf32>
    %swap3A_271 = arith.constant 64 : index
    %swap3A_272 = tpu.vector_load %arg21[%swap3A_271] {strides = array<i32>} : memref<128xf32, #tpu.memory_space<vmem>>, vector<16xf32>,
    %swap3A_273 = vector.shape_cast %swap3A_272 : vector<16xf32> to vector<16xf32>
    %swap3A_274 = vector.shape_cast %broadcast_in_dim3A_270 : vector<16xf32> to vector<16xf32>
    tpu.vector_store %arg21[%swap3A_271], %swap3A_274 {strides = array<i32>} : memref<128xf32, #tpu.memory_space<vmem>>, vector<16xf32>,
    %broadcast_in_dim3A_275 = arith.constant 1.000000e+00 : f32
    %broadcast_in_dim3A_276 = vector.broadcast %broadcast_in_dim3A_275 : f32 to vector<16xf32>
    %swap3A_277 = arith.constant 80 : index
    %swap3A_278 = tpu.vector_load %arg21[%swap3A_277] {strides = array<i32>} : memref<128xf32, #tpu.memory_space<vmem>>, vector<16xf32>,
    %swap3A_279 = vector.shape_cast %swap3A_278 : vector<16xf32> to vector<16xf32>
    %swap3A_280 = vector.shape_cast %broadcast_in_dim3A_276 : vector<16xf32> to vector<16xf32>
    tpu.vector_store %arg21[%swap3A_277], %swap3A_280 {strides = array<i32>} : memref<128xf32, #tpu.memory_space<vmem>>, vector<16xf32>,
    %broadcast_in_dim3A_281 = arith.constant 1.000000e+00 : f32
    %broadcast_in_dim3A_282 = vector.broadcast %broadcast_in_dim3A_281 : f32 to vector<16xf32>
    %swap3A_283 = arith.constant 96 : index
    %swap3A_284 = tpu.vector_load %arg21[%swap3A_283] {strides = array<i32>} : memref<128xf32, #tpu.memory_space<vmem>>, vector<16xf32>,
    %swap3A_285 = vector.shape_cast %swap3A_284 : vector<16xf32> to vector<16xf32>
    %swap3A_286 = vector.shape_cast %broadcast_in_dim3A_282 : vector<16xf32> to vector<16xf32>
    tpu.vector_store %arg21[%swap3A_283], %swap3A_286 {strides = array<i32>} : memref<128xf32, #tpu.memory_space<vmem>>, vector<16xf32>,
    %broadcast_in_dim3A_287 = arith.constant 1.000000e+00 : f32
    %broadcast_in_dim3A_288 = vector.broadcast %broadcast_in_dim3A_287 : f32 to vector<16xf32>
    %swap3A_289 = arith.constant 112 : index
    %swap3A_290 = tpu.vector_load %arg21[%swap3A_289] {strides = array<i32>} : memref<128xf32, #tpu.memory_space<vmem>>, vector<16xf32>,
    %swap3A_291 = vector.shape_cast %swap3A_290 : vector<16xf32> to vector<16xf32>
    %swap3A_292 = vector.shape_cast %broadcast_in_dim3A_288 : vector<16xf32> to vector<16xf32>
    tpu.vector_store %arg21[%swap3A_289], %swap3A_292 {strides = array<i32>} : memref<128xf32, #tpu.memory_space<vmem>>, vector<16xf32>,
    %barrier3A = arith.constant 0 : index
    tpu.barrier barrier_id(%barrier3A)
    %add3A_293 = arith.constant 9984 : i32
    %add3A_294 = arith.addi %mul3A_2, %add3A_293 : i32
    %multiple_of3A = tpu.assume_multiple %add3A_294, 16 : i32
    "tpu.region"() ({
      %run_scoped3A = tpu.sem_alloc : memref<!tpu.dma_semaphore, #tpu.memory_space<semaphore_mem>>
      %dma_start3A_546 = tpu.memref_slice %arg3[%multiple_of3A] : memref<320000xi32, #tpu.memory_space<hbm>> -> memref<16xi32, #tpu.memory_space<hbm>>
      %dma_start3A_547 = tpu.memref_slice %arg3[%multiple_of3A] : memref<320000xi32, #tpu.memory_space<hbm>> -> memref<16xi32, #tpu.memory_space<hbm>>
      tpu.enqueue_dma source(%dma_start3A_547 : memref<16xi32, #tpu.memory_space<hbm>>) target(%arg18 : memref<16xi32, #tpu.memory_space<vmem>>) target_semaphore(%run_scoped3A : memref<!tpu.dma_semaphore, #tpu.memory_space<semaphore_mem>>)
      %dma_wait3A_548 = tpu.memref_slice %arg3[%multiple_of3A] : memref<320000xi32, #tpu.memory_space<hbm>> -> memref<16xi32, #tpu.memory_space<hbm>>
      %dma_wait3A_549 = tpu.memref_slice %arg3[%multiple_of3A] : memref<320000xi32, #tpu.memory_space<hbm>> -> memref<16xi32, #tpu.memory_space<hbm>>
      tpu.wait_dma2 semaphore(%run_scoped3A : memref<!tpu.dma_semaphore, #tpu.memory_space<semaphore_mem>>) src(%dma_wait3A_549 : memref<16xi32, #tpu.memory_space<hbm>>) dst(%arg18 : memref<16xi32, #tpu.memory_space<vmem>>)
      tpu.yield
    }) : () -> ()
    "tpu.region"() ({
      %run_scoped3A = tpu.sem_alloc : memref<!tpu.dma_semaphore, #tpu.memory_space<semaphore_mem>>
      %dma_start3A_546 = tpu.memref_slice %arg4[%multiple_of3A] : memref<320000xi32, #tpu.memory_space<hbm>> -> memref<16xi32, #tpu.memory_space<hbm>>
      %dma_start3A_547 = tpu.memref_slice %arg4[%multiple_of3A] : memref<320000xi32, #tpu.memory_space<hbm>> -> memref<16xi32, #tpu.memory_space<hbm>>
      tpu.enqueue_dma source(%dma_start3A_547 : memref<16xi32, #tpu.memory_space<hbm>>) target(%arg19 : memref<16xi32, #tpu.memory_space<vmem>>) target_semaphore(%run_scoped3A : memref<!tpu.dma_semaphore, #tpu.memory_space<semaphore_mem>>)
      %dma_wait3A_548 = tpu.memref_slice %arg4[%multiple_of3A] : memref<320000xi32, #tpu.memory_space<hbm>> -> memref<16xi32, #tpu.memory_space<hbm>>
      %dma_wait3A_549 = tpu.memref_slice %arg4[%multiple_of3A] : memref<320000xi32, #tpu.memory_space<hbm>> -> memref<16xi32, #tpu.memory_space<hbm>>
      tpu.wait_dma2 semaphore(%run_scoped3A : memref<!tpu.dma_semaphore, #tpu.memory_space<semaphore_mem>>) src(%dma_wait3A_549 : memref<16xi32, #tpu.memory_space<hbm>>) dst(%arg19 : memref<16xi32, #tpu.memory_space<vmem>>)
      tpu.yield
    }) : () -> ()
    %dma_start3A = arith.constant 0 : i32
    %dma_start3A_295 = arith.constant 0 : i32
    %dma_start3A_296 = tpu.memref_slice %arg2[%dma_start3A, %dma_start3A_295] : memref<10000x128xf32, #tpu.memory_space<hbm>> -> memref<10000x128xf32, #tpu.memory_space<hbm>>
    tpu.enqueue_indirect_dma source(%dma_start3A_296 : memref<10000x128xf32, #tpu.memory_space<hbm>>) target(%arg20 : memref<16x128xf32, #tpu.memory_space<vmem>>) offsets(%arg18 : memref<16xi32, #tpu.memory_space<vmem>>) semaphore(%arg25 : memref<!tpu.dma_semaphore, #tpu.memory_space<semaphore_mem>>)
    %dma_wait3A = arith.constant 0 : i32
    %dma_wait3A_297 = arith.constant 0 : i32
    %dma_wait3A_298 = tpu.memref_slice %arg2[%dma_wait3A, %dma_wait3A_297] : memref<10000x128xf32, #tpu.memory_space<hbm>> -> memref<10000x128xf32, #tpu.memory_space<hbm>>
    tpu.wait_indirect_dma semaphore(%arg25 : memref<!tpu.dma_semaphore, #tpu.memory_space<semaphore_mem>>) src(%dma_wait3A_298 : memref<10000x128xf32, #tpu.memory_space<hbm>>) dst(%arg20 : memref<16x128xf32, #tpu.memory_space<vmem>>)
    %dma_start3A_299 = arith.constant 0 : i32
    %dma_start3A_300 = arith.constant 0 : i32
    %dma_start3A_301 = tpu.memref_slice %arg23[%dma_start3A_299, %dma_start3A_300] : memref<10112x128xf32, #tpu.memory_space<vmem_shared>> -> memref<10112x128xf32, #tpu.memory_space<vmem_shared>>
    tpu.enqueue_indirect_dma source(%arg20 : memref<16x128xf32, #tpu.memory_space<vmem>>) target(%dma_start3A_301 : memref<10112x128xf32, #tpu.memory_space<vmem_shared>>) offsets(%arg19 : memref<16xi32, #tpu.memory_space<vmem>>) semaphore(%arg27 : memref<!tpu.dma_semaphore, #tpu.memory_space<semaphore_mem>>) {add = true}
    %dma_wait3A_302 = arith.constant 0 : i32
    %dma_wait3A_303 = arith.constant 0 : i32
    %dma_wait3A_304 = tpu.memref_slice %arg23[%dma_wait3A_302, %dma_wait3A_303] : memref<10112x128xf32, #tpu.memory_space<vmem_shared>> -> memref<10112x128xf32, #tpu.memory_space<vmem_shared>>
    tpu.wait_indirect_dma semaphore(%arg27 : memref<!tpu.dma_semaphore, #tpu.memory_space<semaphore_mem>>) src(%arg20 : memref<16x128xf32, #tpu.memory_space<vmem>>) dst(%dma_wait3A_304 : memref<10112x128xf32, #tpu.memory_space<vmem_shared>>)
    %dma_start3A_305 = arith.constant 0 : i32
    %dma_start3A_306 = tpu.memref_slice %arg21[%dma_start3A_305] : memref<128xf32, #tpu.memory_space<vmem>> -> memref<16xf32, #tpu.memory_space<vmem>>
    %dma_start3A_307 = arith.constant 0 : i32
    %dma_start3A_308 = tpu.memref_slice %arg24[%dma_start3A_307] : memref<10112xf32, #tpu.memory_space<vmem_shared>> -> memref<10112xf32, #tpu.memory_space<vmem_shared>>
    tpu.enqueue_indirect_dma source(%dma_start3A_306 : memref<16xf32, #tpu.memory_space<vmem>>) target(%dma_start3A_308 : memref<10112xf32, #tpu.memory_space<vmem_shared>>) offsets(%arg19 : memref<16xi32, #tpu.memory_space<vmem>>) semaphore(%arg33 : memref<!tpu.dma_semaphore, #tpu.memory_space<semaphore_mem>>) {add = true}
    %dma_wait3A_309 = arith.constant 0 : i32
    %dma_wait3A_310 = tpu.memref_slice %arg21[%dma_wait3A_309] : memref<128xf32, #tpu.memory_space<vmem>> -> memref<16xf32, #tpu.memory_space<vmem>>
    %dma_wait3A_311 = arith.constant 0 : i32
    %dma_wait3A_312 = tpu.memref_slice %arg24[%dma_wait3A_311] : memref<10112xf32, #tpu.memory_space<vmem_shared>> -> memref<10112xf32, #tpu.memory_space<vmem_shared>>
    tpu.wait_indirect_dma semaphore(%arg33 : memref<!tpu.dma_semaphore, #tpu.memory_space<semaphore_mem>>) src(%dma_wait3A_310 : memref<16xf32, #tpu.memory_space<vmem>>) dst(%dma_wait3A_312 : memref<10112xf32, #tpu.memory_space<vmem_shared>>)
    %add3A_313 = arith.constant 0 : i32
    %add3A_314 = arith.addi %mul3A_2, %add3A_313 : i32
    %multiple_of3A_315 = tpu.assume_multiple %add3A_314, 16 : i32
    %dma_start3A_316 = tpu.memref_slice %arg3[%multiple_of3A_315] : memref<320000xi32, #tpu.memory_space<hbm>> -> memref<128xi32, #tpu.memory_space<hbm>>
    %dma_start3A_317 = tpu.memref_slice %arg3[%multiple_of3A_315] : memref<320000xi32, #tpu.memory_space<hbm>> -> memref<128xi32, #tpu.memory_space<hbm>>
    tpu.enqueue_dma source(%dma_start3A_317 : memref<128xi32, #tpu.memory_space<hbm>>) target(%arg8 : memref<128xi32, #tpu.memory_space<vmem>>) target_semaphore(%arg29 : memref<!tpu.dma_semaphore, #tpu.memory_space<semaphore_mem>>)
    %dma_start3A_318 = tpu.memref_slice %arg4[%multiple_of3A_315] : memref<320000xi32, #tpu.memory_space<hbm>> -> memref<128xi32, #tpu.memory_space<hbm>>
    %dma_start3A_319 = tpu.memref_slice %arg4[%multiple_of3A_315] : memref<320000xi32, #tpu.memory_space<hbm>> -> memref<128xi32, #tpu.memory_space<hbm>>
    tpu.enqueue_dma source(%dma_start3A_319 : memref<128xi32, #tpu.memory_space<hbm>>) target(%arg12 : memref<128xi32, #tpu.memory_space<vmem>>) target_semaphore(%arg29 : memref<!tpu.dma_semaphore, #tpu.memory_space<semaphore_mem>>)
    %add3A_320 = arith.constant 128 : i32
    %add3A_321 = arith.addi %mul3A_2, %add3A_320 : i32
    %multiple_of3A_322 = tpu.assume_multiple %add3A_321, 16 : i32
    %dma_start3A_323 = tpu.memref_slice %arg3[%multiple_of3A_322] : memref<320000xi32, #tpu.memory_space<hbm>> -> memref<128xi32, #tpu.memory_space<hbm>>
    %dma_start3A_324 = tpu.memref_slice %arg3[%multiple_of3A_322] : memref<320000xi32, #tpu.memory_space<hbm>> -> memref<128xi32, #tpu.memory_space<hbm>>
    tpu.enqueue_dma source(%dma_start3A_324 : memref<128xi32, #tpu.memory_space<hbm>>) target(%arg9 : memref<128xi32, #tpu.memory_space<vmem>>) target_semaphore(%arg30 : memref<!tpu.dma_semaphore, #tpu.memory_space<semaphore_mem>>)
    %dma_start3A_325 = tpu.memref_slice %arg4[%multiple_of3A_322] : memref<320000xi32, #tpu.memory_space<hbm>> -> memref<128xi32, #tpu.memory_space<hbm>>
    %dma_start3A_326 = tpu.memref_slice %arg4[%multiple_of3A_322] : memref<320000xi32, #tpu.memory_space<hbm>> -> memref<128xi32, #tpu.memory_space<hbm>>
    tpu.enqueue_dma source(%dma_start3A_326 : memref<128xi32, #tpu.memory_space<hbm>>) target(%arg13 : memref<128xi32, #tpu.memory_space<vmem>>) target_semaphore(%arg30 : memref<!tpu.dma_semaphore, #tpu.memory_space<semaphore_mem>>)
    %add3A_327 = arith.constant 256 : i32
    %add3A_328 = arith.addi %mul3A_2, %add3A_327 : i32
    %multiple_of3A_329 = tpu.assume_multiple %add3A_328, 16 : i32
    %dma_start3A_330 = tpu.memref_slice %arg3[%multiple_of3A_329] : memref<320000xi32, #tpu.memory_space<hbm>> -> memref<128xi32, #tpu.memory_space<hbm>>
    %dma_start3A_331 = tpu.memref_slice %arg3[%multiple_of3A_329] : memref<320000xi32, #tpu.memory_space<hbm>> -> memref<128xi32, #tpu.memory_space<hbm>>
    tpu.enqueue_dma source(%dma_start3A_331 : memref<128xi32, #tpu.memory_space<hbm>>) target(%arg10 : memref<128xi32, #tpu.memory_space<vmem>>) target_semaphore(%arg31 : memref<!tpu.dma_semaphore, #tpu.memory_space<semaphore_mem>>)
    %dma_start3A_332 = tpu.memref_slice %arg4[%multiple_of3A_329] : memref<320000xi32, #tpu.memory_space<hbm>> -> memref<128xi32, #tpu.memory_space<hbm>>
    %dma_start3A_333 = tpu.memref_slice %arg4[%multiple_of3A_329] : memref<320000xi32, #tpu.memory_space<hbm>> -> memref<128xi32, #tpu.memory_space<hbm>>
    tpu.enqueue_dma source(%dma_start3A_333 : memref<128xi32, #tpu.memory_space<hbm>>) target(%arg14 : memref<128xi32, #tpu.memory_space<vmem>>) target_semaphore(%arg31 : memref<!tpu.dma_semaphore, #tpu.memory_space<semaphore_mem>>)
    %dma_wait3A_334 = arith.constant 0 : i32
    %dma_wait3A_335 = tpu.memref_slice %arg3[%dma_wait3A_334] : memref<320000xi32, #tpu.memory_space<hbm>> -> memref<128xi32, #tpu.memory_space<hbm>>
    %dma_wait3A_336 = arith.constant 0 : i32
    %dma_wait3A_337 = tpu.memref_slice %arg3[%dma_wait3A_336] : memref<320000xi32, #tpu.memory_space<hbm>> -> memref<128xi32, #tpu.memory_space<hbm>>
    tpu.wait_dma2 semaphore(%arg29 : memref<!tpu.dma_semaphore, #tpu.memory_space<semaphore_mem>>) src(%dma_wait3A_337 : memref<128xi32, #tpu.memory_space<hbm>>) dst(%arg8 : memref<128xi32, #tpu.memory_space<vmem>>)
    %dma_wait3A_338 = arith.constant 0 : i32
    %dma_wait3A_339 = tpu.memref_slice %arg4[%dma_wait3A_338] : memref<320000xi32, #tpu.memory_space<hbm>> -> memref<128xi32, #tpu.memory_space<hbm>>
    %dma_wait3A_340 = arith.constant 0 : i32
    %dma_wait3A_341 = tpu.memref_slice %arg4[%dma_wait3A_340] : memref<320000xi32, #tpu.memory_space<hbm>> -> memref<128xi32, #tpu.memory_space<hbm>>
    tpu.wait_dma2 semaphore(%arg29 : memref<!tpu.dma_semaphore, #tpu.memory_space<semaphore_mem>>) src(%dma_wait3A_341 : memref<128xi32, #tpu.memory_space<hbm>>) dst(%arg12 : memref<128xi32, #tpu.memory_space<vmem>>)
    %dma_start3A_342 = arith.constant 0 : i32
    %dma_start3A_343 = arith.constant 0 : i32
    %dma_start3A_344 = tpu.memref_slice %arg2[%dma_start3A_342, %dma_start3A_343] : memref<10000x128xf32, #tpu.memory_space<hbm>> -> memref<10000x128xf32, #tpu.memory_space<hbm>>
    tpu.enqueue_indirect_dma source(%dma_start3A_344 : memref<10000x128xf32, #tpu.memory_space<hbm>>) target(%arg16 : memref<128x128xf32, #tpu.memory_space<vmem>>) offsets(%arg8 : memref<128xi32, #tpu.memory_space<vmem>>) semaphore(%arg25 : memref<!tpu.dma_semaphore, #tpu.memory_space<semaphore_mem>>)
    %dma_wait3A_345 = arith.constant 0 : i32
    %dma_wait3A_346 = arith.constant 0 : i32
    %dma_wait3A_347 = tpu.memref_slice %arg2[%dma_wait3A_345, %dma_wait3A_346] : memref<10000x128xf32, #tpu.memory_space<hbm>> -> memref<128x128xf32, #tpu.memory_space<hbm>>
    %dma_wait3A_348 = arith.constant 0 : i32
    %dma_wait3A_349 = arith.constant 0 : i32
    %dma_wait3A_350 = tpu.memref_slice %arg2[%dma_wait3A_348, %dma_wait3A_349] : memref<10000x128xf32, #tpu.memory_space<hbm>> -> memref<128x128xf32, #tpu.memory_space<hbm>>
    tpu.wait_dma2 semaphore(%arg25 : memref<!tpu.dma_semaphore, #tpu.memory_space<semaphore_mem>>) src(%dma_wait3A_350 : memref<128x128xf32, #tpu.memory_space<hbm>>) dst(%arg16 : memref<128x128xf32, #tpu.memory_space<vmem>>)
    %dma_start3A_351 = arith.constant 0 : i32
    %dma_start3A_352 = arith.constant 0 : i32
    %dma_start3A_353 = tpu.memref_slice %arg23[%dma_start3A_351, %dma_start3A_352] : memref<10112x128xf32, #tpu.memory_space<vmem_shared>> -> memref<10112x128xf32, #tpu.memory_space<vmem_shared>>
    tpu.enqueue_indirect_dma source(%arg16 : memref<128x128xf32, #tpu.memory_space<vmem>>) target(%dma_start3A_353 : memref<10112x128xf32, #tpu.memory_space<vmem_shared>>) offsets(%arg12 : memref<128xi32, #tpu.memory_space<vmem>>) semaphore(%arg27 : memref<!tpu.dma_semaphore, #tpu.memory_space<semaphore_mem>>) {add = true}
    %dma_start3A_354 = arith.constant 0 : i32
    %dma_start3A_355 = tpu.memref_slice %arg24[%dma_start3A_354] : memref<10112xf32, #tpu.memory_space<vmem_shared>> -> memref<10112xf32, #tpu.memory_space<vmem_shared>>
    tpu.enqueue_indirect_dma source(%arg21 : memref<128xf32, #tpu.memory_space<vmem>>) target(%dma_start3A_355 : memref<10112xf32, #tpu.memory_space<vmem_shared>>) offsets(%arg12 : memref<128xi32, #tpu.memory_space<vmem>>) semaphore(%arg33 : memref<!tpu.dma_semaphore, #tpu.memory_space<semaphore_mem>>) {add = true}
    %dma_wait3A_356 = arith.constant 0 : i32
    %dma_wait3A_357 = tpu.memref_slice %arg3[%dma_wait3A_356] : memref<320000xi32, #tpu.memory_space<hbm>> -> memref<128xi32, #tpu.memory_space<hbm>>
    %dma_wait3A_358 = arith.constant 0 : i32
    %dma_wait3A_359 = tpu.memref_slice %arg3[%dma_wait3A_358] : memref<320000xi32, #tpu.memory_space<hbm>> -> memref<128xi32, #tpu.memory_space<hbm>>
    tpu.wait_dma2 semaphore(%arg30 : memref<!tpu.dma_semaphore, #tpu.memory_space<semaphore_mem>>) src(%dma_wait3A_359 : memref<128xi32, #tpu.memory_space<hbm>>) dst(%arg9 : memref<128xi32, #tpu.memory_space<vmem>>)
    %dma_wait3A_360 = arith.constant 0 : i32
    %dma_wait3A_361 = tpu.memref_slice %arg4[%dma_wait3A_360] : memref<320000xi32, #tpu.memory_space<hbm>> -> memref<128xi32, #tpu.memory_space<hbm>>
    %dma_wait3A_362 = arith.constant 0 : i32
    %dma_wait3A_363 = tpu.memref_slice %arg4[%dma_wait3A_362] : memref<320000xi32, #tpu.memory_space<hbm>> -> memref<128xi32, #tpu.memory_space<hbm>>
    tpu.wait_dma2 semaphore(%arg30 : memref<!tpu.dma_semaphore, #tpu.memory_space<semaphore_mem>>) src(%dma_wait3A_363 : memref<128xi32, #tpu.memory_space<hbm>>) dst(%arg13 : memref<128xi32, #tpu.memory_space<vmem>>)
    %dma_start3A_364 = arith.constant 0 : i32
    %dma_start3A_365 = arith.constant 0 : i32
    %dma_start3A_366 = tpu.memref_slice %arg2[%dma_start3A_364, %dma_start3A_365] : memref<10000x128xf32, #tpu.memory_space<hbm>> -> memref<10000x128xf32, #tpu.memory_space<hbm>>
    tpu.enqueue_indirect_dma source(%dma_start3A_366 : memref<10000x128xf32, #tpu.memory_space<hbm>>) target(%arg17 : memref<128x128xf32, #tpu.memory_space<vmem>>) offsets(%arg9 : memref<128xi32, #tpu.memory_space<vmem>>) semaphore(%arg26 : memref<!tpu.dma_semaphore, #tpu.memory_space<semaphore_mem>>)
    %add3A_367 = arith.constant 384 : i32
    %add3A_368 = arith.addi %mul3A_2, %add3A_367 : i32
    %multiple_of3A_369 = tpu.assume_multiple %add3A_368, 16 : i32
    %dma_start3A_370 = tpu.memref_slice %arg3[%multiple_of3A_369] : memref<320000xi32, #tpu.memory_space<hbm>> -> memref<128xi32, #tpu.memory_space<hbm>>
    %dma_start3A_371 = tpu.memref_slice %arg3[%multiple_of3A_369] : memref<320000xi32, #tpu.memory_space<hbm>> -> memref<128xi32, #tpu.memory_space<hbm>>
    tpu.enqueue_dma source(%dma_start3A_371 : memref<128xi32, #tpu.memory_space<hbm>>) target(%arg11 : memref<128xi32, #tpu.memory_space<vmem>>) target_semaphore(%arg32 : memref<!tpu.dma_semaphore, #tpu.memory_space<semaphore_mem>>)
    %dma_start3A_372 = tpu.memref_slice %arg4[%multiple_of3A_369] : memref<320000xi32, #tpu.memory_space<hbm>> -> memref<128xi32, #tpu.memory_space<hbm>>
    %dma_start3A_373 = tpu.memref_slice %arg4[%multiple_of3A_369] : memref<320000xi32, #tpu.memory_space<hbm>> -> memref<128xi32, #tpu.memory_space<hbm>>
    tpu.enqueue_dma source(%dma_start3A_373 : memref<128xi32, #tpu.memory_space<hbm>>) target(%arg15 : memref<128xi32, #tpu.memory_space<vmem>>) target_semaphore(%arg32 : memref<!tpu.dma_semaphore, #tpu.memory_space<semaphore_mem>>)
    %dma_wait3A_374 = arith.constant 0 : i32
    %dma_wait3A_375 = arith.constant 0 : i32
    %dma_wait3A_376 = tpu.memref_slice %arg2[%dma_wait3A_374, %dma_wait3A_375] : memref<10000x128xf32, #tpu.memory_space<hbm>> -> memref<128x128xf32, #tpu.memory_space<hbm>>
    %dma_wait3A_377 = arith.constant 0 : i32
    %dma_wait3A_378 = arith.constant 0 : i32
    %dma_wait3A_379 = tpu.memref_slice %arg2[%dma_wait3A_377, %dma_wait3A_378] : memref<10000x128xf32, #tpu.memory_space<hbm>> -> memref<128x128xf32, #tpu.memory_space<hbm>>
    tpu.wait_dma2 semaphore(%arg26 : memref<!tpu.dma_semaphore, #tpu.memory_space<semaphore_mem>>) src(%dma_wait3A_379 : memref<128x128xf32, #tpu.memory_space<hbm>>) dst(%arg17 : memref<128x128xf32, #tpu.memory_space<vmem>>)
    %dma_start3A_380 = arith.constant 0 : i32
    %dma_start3A_381 = arith.constant 0 : i32
    %dma_start3A_382 = tpu.memref_slice %arg23[%dma_start3A_380, %dma_start3A_381] : memref<10112x128xf32, #tpu.memory_space<vmem_shared>> -> memref<10112x128xf32, #tpu.memory_space<vmem_shared>>
    tpu.enqueue_indirect_dma source(%arg17 : memref<128x128xf32, #tpu.memory_space<vmem>>) target(%dma_start3A_382 : memref<10112x128xf32, #tpu.memory_space<vmem_shared>>) offsets(%arg13 : memref<128xi32, #tpu.memory_space<vmem>>) semaphore(%arg28 : memref<!tpu.dma_semaphore, #tpu.memory_space<semaphore_mem>>) {add = true}
    %dma_start3A_383 = arith.constant 0 : i32
    %dma_start3A_384 = tpu.memref_slice %arg24[%dma_start3A_383] : memref<10112xf32, #tpu.memory_space<vmem_shared>> -> memref<10112xf32, #tpu.memory_space<vmem_shared>>
    tpu.enqueue_indirect_dma source(%arg21 : memref<128xf32, #tpu.memory_space<vmem>>) target(%dma_start3A_384 : memref<10112xf32, #tpu.memory_space<vmem_shared>>) offsets(%arg13 : memref<128xi32, #tpu.memory_space<vmem>>) semaphore(%arg33 : memref<!tpu.dma_semaphore, #tpu.memory_space<semaphore_mem>>) {add = true}
    %dma_wait3A_385 = arith.constant 0 : i32
    %dma_wait3A_386 = arith.constant 0 : i32
    %dma_wait3A_387 = tpu.memref_slice %arg23[%dma_wait3A_385, %dma_wait3A_386] : memref<10112x128xf32, #tpu.memory_space<vmem_shared>> -> memref<128x128xf32, #tpu.memory_space<vmem_shared>>
    %dma_wait3A_388 = arith.constant 0 : i32
    %dma_wait3A_389 = arith.constant 0 : i32
    %dma_wait3A_390 = tpu.memref_slice %arg23[%dma_wait3A_388, %dma_wait3A_389] : memref<10112x128xf32, #tpu.memory_space<vmem_shared>> -> memref<128x128xf32, #tpu.memory_space<vmem_shared>>
    tpu.wait_dma2 semaphore(%arg27 : memref<!tpu.dma_semaphore, #tpu.memory_space<semaphore_mem>>) src(%arg16 : memref<128x128xf32, #tpu.memory_space<vmem>>) dst(%dma_wait3A_390 : memref<128x128xf32, #tpu.memory_space<vmem_shared>>)
    %dma_wait3A_391 = arith.constant 0 : i32
    %dma_wait3A_392 = tpu.memref_slice %arg3[%dma_wait3A_391] : memref<320000xi32, #tpu.memory_space<hbm>> -> memref<128xi32, #tpu.memory_space<hbm>>
    %dma_wait3A_393 = arith.constant 0 : i32
    %dma_wait3A_394 = tpu.memref_slice %arg3[%dma_wait3A_393] : memref<320000xi32, #tpu.memory_space<hbm>> -> memref<128xi32, #tpu.memory_space<hbm>>
    tpu.wait_dma2 semaphore(%arg31 : memref<!tpu.dma_semaphore, #tpu.memory_space<semaphore_mem>>) src(%dma_wait3A_394 : memref<128xi32, #tpu.memory_space<hbm>>) dst(%arg10 : memref<128xi32, #tpu.memory_space<vmem>>)
    %dma_wait3A_395 = arith.constant 0 : i32
    %dma_wait3A_396 = tpu.memref_slice %arg4[%dma_wait3A_395] : memref<320000xi32, #tpu.memory_space<hbm>> -> memref<128xi32, #tpu.memory_space<hbm>>
    %dma_wait3A_397 = arith.constant 0 : i32
    %dma_wait3A_398 = tpu.memref_slice %arg4[%dma_wait3A_397] : memref<320000xi32, #tpu.memory_space<hbm>> -> memref<128xi32, #tpu.memory_space<hbm>>
    tpu.wait_dma2 semaphore(%arg31 : memref<!tpu.dma_semaphore, #tpu.memory_space<semaphore_mem>>) src(%dma_wait3A_398 : memref<128xi32, #tpu.memory_space<hbm>>) dst(%arg14 : memref<128xi32, #tpu.memory_space<vmem>>)
    %dma_start3A_399 = arith.constant 0 : i32
    %dma_start3A_400 = arith.constant 0 : i32
    %dma_start3A_401 = tpu.memref_slice %arg2[%dma_start3A_399, %dma_start3A_400] : memref<10000x128xf32, #tpu.memory_space<hbm>> -> memref<10000x128xf32, #tpu.memory_space<hbm>>
    tpu.enqueue_indirect_dma source(%dma_start3A_401 : memref<10000x128xf32, #tpu.memory_space<hbm>>) target(%arg16 : memref<128x128xf32, #tpu.memory_space<vmem>>) offsets(%arg10 : memref<128xi32, #tpu.memory_space<vmem>>) semaphore(%arg25 : memref<!tpu.dma_semaphore, #tpu.memory_space<semaphore_mem>>)
    %add3A_402 = arith.constant 512 : i32
    %add3A_403 = arith.addi %mul3A_2, %add3A_402 : i32
    %multiple_of3A_404 = tpu.assume_multiple %add3A_403, 16 : i32
    %dma_start3A_405 = tpu.memref_slice %arg3[%multiple_of3A_404] : memref<320000xi32, #tpu.memory_space<hbm>> -> memref<128xi32, #tpu.memory_space<hbm>>
    %dma_start3A_406 = tpu.memref_slice %arg3[%multiple_of3A_404] : memref<320000xi32, #tpu.memory_space<hbm>> -> memref<128xi32, #tpu.memory_space<hbm>>
    tpu.enqueue_dma source(%dma_start3A_406 : memref<128xi32, #tpu.memory_space<hbm>>) target(%arg8 : memref<128xi32, #tpu.memory_space<vmem>>) target_semaphore(%arg29 : memref<!tpu.dma_semaphore, #tpu.memory_space<semaphore_mem>>)
    %dma_start3A_407 = tpu.memref_slice %arg4[%multiple_of3A_404] : memref<320000xi32, #tpu.memory_space<hbm>> -> memref<128xi32, #tpu.memory_space<hbm>>
    %dma_start3A_408 = tpu.memref_slice %arg4[%multiple_of3A_404] : memref<320000xi32, #tpu.memory_space<hbm>> -> memref<128xi32, #tpu.memory_space<hbm>>
    tpu.enqueue_dma source(%dma_start3A_408 : memref<128xi32, #tpu.memory_space<hbm>>) target(%arg12 : memref<128xi32, #tpu.memory_space<vmem>>) target_semaphore(%arg29 : memref<!tpu.dma_semaphore, #tpu.memory_space<semaphore_mem>>)
    %scan3A = arith.constant 0 : i32
    %scan3A_409 = arith.constant 0 : i32
    %scan3A_410 = arith.constant 18 : i32
    %scan3A_411 = arith.addi %scan3A_409, %scan3A_410 : i32
    %scan3A_412 = arith.constant 1 : i32
    scf.for %scan3A_546 = %scan3A_409 to %scan3A_411 step %scan3A_412  : i32 {
      %mul3A_547 = arith.constant 4 : i32
      %mul3A_548 = arith.muli %mul3A_547, %scan3A_546 : i32
      %add3A_549 = arith.constant 2 : i32
      %add3A_550 = arith.addi %mul3A_548, %add3A_549 : i32
      %add3A_551 = arith.constant 0 : i32
      %add3A_552 = arith.addi %add3A_550, %add3A_551 : i32
      %dma_wait3A_553 = arith.constant 0 : i32
      %dma_wait3A_554 = arith.constant 0 : i32
      %dma_wait3A_555 = tpu.memref_slice %arg2[%dma_wait3A_553, %dma_wait3A_554] : memref<10000x128xf32, #tpu.memory_space<hbm>> -> memref<128x128xf32, #tpu.memory_space<hbm>>
      %dma_wait3A_556 = arith.constant 0 : i32
      %dma_wait3A_557 = arith.constant 0 : i32
      %dma_wait3A_558 = tpu.memref_slice %arg2[%dma_wait3A_556, %dma_wait3A_557] : memref<10000x128xf32, #tpu.memory_space<hbm>> -> memref<128x128xf32, #tpu.memory_space<hbm>>
      tpu.wait_dma2 semaphore(%arg25 : memref<!tpu.dma_semaphore, #tpu.memory_space<semaphore_mem>>) src(%dma_wait3A_558 : memref<128x128xf32, #tpu.memory_space<hbm>>) dst(%arg16 : memref<128x128xf32, #tpu.memory_space<vmem>>)
      %dma_start3A_559 = arith.constant 0 : i32
      %dma_start3A_560 = arith.constant 0 : i32
      %dma_start3A_561 = tpu.memref_slice %arg23[%dma_start3A_559, %dma_start3A_560] : memref<10112x128xf32, #tpu.memory_space<vmem_shared>> -> memref<10112x128xf32, #tpu.memory_space<vmem_shared>>
      tpu.enqueue_indirect_dma source(%arg16 : memref<128x128xf32, #tpu.memory_space<vmem>>) target(%dma_start3A_561 : memref<10112x128xf32, #tpu.memory_space<vmem_shared>>) offsets(%arg14 : memref<128xi32, #tpu.memory_space<vmem>>) semaphore(%arg27 : memref<!tpu.dma_semaphore, #tpu.memory_space<semaphore_mem>>) {add = true}
      %dma_start3A_562 = arith.constant 0 : i32
      %dma_start3A_563 = tpu.memref_slice %arg24[%dma_start3A_562] : memref<10112xf32, #tpu.memory_space<vmem_shared>> -> memref<10112xf32, #tpu.memory_space<vmem_shared>>
      tpu.enqueue_indirect_dma source(%arg21 : memref<128xf32, #tpu.memory_space<vmem>>) target(%dma_start3A_563 : memref<10112xf32, #tpu.memory_space<vmem_shared>>) offsets(%arg14 : memref<128xi32, #tpu.memory_space<vmem>>) semaphore(%arg33 : memref<!tpu.dma_semaphore, #tpu.memory_space<semaphore_mem>>) {add = true}
      %dma_wait3A_564 = arith.constant 0 : i32
      %dma_wait3A_565 = arith.constant 0 : i32
      %dma_wait3A_566 = tpu.memref_slice %arg23[%dma_wait3A_564, %dma_wait3A_565] : memref<10112x128xf32, #tpu.memory_space<vmem_shared>> -> memref<128x128xf32, #tpu.memory_space<vmem_shared>>
      %dma_wait3A_567 = arith.constant 0 : i32
      %dma_wait3A_568 = arith.constant 0 : i32
      %dma_wait3A_569 = tpu.memref_slice %arg23[%dma_wait3A_567, %dma_wait3A_568] : memref<10112x128xf32, #tpu.memory_space<vmem_shared>> -> memref<128x128xf32, #tpu.memory_space<vmem_shared>>
      tpu.wait_dma2 semaphore(%arg28 : memref<!tpu.dma_semaphore, #tpu.memory_space<semaphore_mem>>) src(%arg17 : memref<128x128xf32, #tpu.memory_space<vmem>>) dst(%dma_wait3A_569 : memref<128x128xf32, #tpu.memory_space<vmem_shared>>)
      %dma_wait3A_570 = arith.constant 0 : i32
      %dma_wait3A_571 = tpu.memref_slice %arg3[%dma_wait3A_570] : memref<320000xi32, #tpu.memory_space<hbm>> -> memref<128xi32, #tpu.memory_space<hbm>>
      %dma_wait3A_572 = arith.constant 0 : i32
      %dma_wait3A_573 = tpu.memref_slice %arg3[%dma_wait3A_572] : memref<320000xi32, #tpu.memory_space<hbm>> -> memref<128xi32, #tpu.memory_space<hbm>>
      tpu.wait_dma2 semaphore(%arg32 : memref<!tpu.dma_semaphore, #tpu.memory_space<semaphore_mem>>) src(%dma_wait3A_573 : memref<128xi32, #tpu.memory_space<hbm>>) dst(%arg11 : memref<128xi32, #tpu.memory_space<vmem>>)
      %dma_wait3A_574 = arith.constant 0 : i32
      %dma_wait3A_575 = tpu.memref_slice %arg4[%dma_wait3A_574] : memref<320000xi32, #tpu.memory_space<hbm>> -> memref<128xi32, #tpu.memory_space<hbm>>
      %dma_wait3A_576 = arith.constant 0 : i32
      %dma_wait3A_577 = tpu.memref_slice %arg4[%dma_wait3A_576] : memref<320000xi32, #tpu.memory_space<hbm>> -> memref<128xi32, #tpu.memory_space<hbm>>
      tpu.wait_dma2 semaphore(%arg32 : memref<!tpu.dma_semaphore, #tpu.memory_space<semaphore_mem>>) src(%dma_wait3A_577 : memref<128xi32, #tpu.memory_space<hbm>>) dst(%arg15 : memref<128xi32, #tpu.memory_space<vmem>>)
      %dma_start3A_578 = arith.constant 0 : i32
      %dma_start3A_579 = arith.constant 0 : i32
      %dma_start3A_580 = tpu.memref_slice %arg2[%dma_start3A_578, %dma_start3A_579] : memref<10000x128xf32, #tpu.memory_space<hbm>> -> memref<10000x128xf32, #tpu.memory_space<hbm>>
      tpu.enqueue_indirect_dma source(%dma_start3A_580 : memref<10000x128xf32, #tpu.memory_space<hbm>>) target(%arg17 : memref<128x128xf32, #tpu.memory_space<vmem>>) offsets(%arg11 : memref<128xi32, #tpu.memory_space<vmem>>) semaphore(%arg26 : memref<!tpu.dma_semaphore, #tpu.memory_space<semaphore_mem>>)
      %add3A_581 = arith.constant 3 : i32
      %add3A_582 = arith.addi %add3A_552, %add3A_581 : i32
      %mul3A_583 = arith.constant 128 : i32
      %mul3A_584 = arith.muli %add3A_582, %mul3A_583 : i32
      %add3A_585 = arith.addi %mul3A_2, %mul3A_584 : i32
      %multiple_of3A_586 = tpu.assume_multiple %add3A_585, 16 : i32
      %dma_start3A_587 = tpu.memref_slice %arg3[%multiple_of3A_586] : memref<320000xi32, #tpu.memory_space<hbm>> -> memref<128xi32, #tpu.memory_space<hbm>>
      %dma_start3A_588 = tpu.memref_slice %arg3[%multiple_of3A_586] : memref<320000xi32, #tpu.memory_space<hbm>> -> memref<128xi32, #tpu.memory_space<hbm>>
      tpu.enqueue_dma source(%dma_start3A_588 : memref<128xi32, #tpu.memory_space<hbm>>) target(%arg9 : memref<128xi32, #tpu.memory_space<vmem>>) target_semaphore(%arg30 : memref<!tpu.dma_semaphore, #tpu.memory_space<semaphore_mem>>)
      %dma_start3A_589 = tpu.memref_slice %arg4[%multiple_of3A_586] : memref<320000xi32, #tpu.memory_space<hbm>> -> memref<128xi32, #tpu.memory_space<hbm>>
      %dma_start3A_590 = tpu.memref_slice %arg4[%multiple_of3A_586] : memref<320000xi32, #tpu.memory_space<hbm>> -> memref<128xi32, #tpu.memory_space<hbm>>
      tpu.enqueue_dma source(%dma_start3A_590 : memref<128xi32, #tpu.memory_space<hbm>>) target(%arg13 : memref<128xi32, #tpu.memory_space<vmem>>) target_semaphore(%arg30 : memref<!tpu.dma_semaphore, #tpu.memory_space<semaphore_mem>>)
      %add3A_591 = arith.constant 1 : i32
      %add3A_592 = arith.addi %add3A_550, %add3A_591 : i32
      %dma_wait3A_593 = arith.constant 0 : i32
      %dma_wait3A_594 = arith.constant 0 : i32
      %dma_wait3A_595 = tpu.memref_slice %arg2[%dma_wait3A_593, %dma_wait3A_594] : memref<10000x128xf32, #tpu.memory_space<hbm>> -> memref<128x128xf32, #tpu.memory_space<hbm>>
      %dma_wait3A_596 = arith.constant 0 : i32
      %dma_wait3A_597 = arith.constant 0 : i32
      %dma_wait3A_598 = tpu.memref_slice %arg2[%dma_wait3A_596, %dma_wait3A_597] : memref<10000x128xf32, #tpu.memory_space<hbm>> -> memref<128x128xf32, #tpu.memory_space<hbm>>
      tpu.wait_dma2 semaphore(%arg26 : memref<!tpu.dma_semaphore, #tpu.memory_space<semaphore_mem>>) src(%dma_wait3A_598 : memref<128x128xf32, #tpu.memory_space<hbm>>) dst(%arg17 : memref<128x128xf32, #tpu.memory_space<vmem>>)
      %dma_start3A_599 = arith.constant 0 : i32
      %dma_start3A_600 = arith.constant 0 : i32
      %dma_start3A_601 = tpu.memref_slice %arg23[%dma_start3A_599, %dma_start3A_600] : memref<10112x128xf32, #tpu.memory_space<vmem_shared>> -> memref<10112x128xf32, #tpu.memory_space<vmem_shared>>
      tpu.enqueue_indirect_dma source(%arg17 : memref<128x128xf32, #tpu.memory_space<vmem>>) target(%dma_start3A_601 : memref<10112x128xf32, #tpu.memory_space<vmem_shared>>) offsets(%arg15 : memref<128xi32, #tpu.memory_space<vmem>>) semaphore(%arg28 : memref<!tpu.dma_semaphore, #tpu.memory_space<semaphore_mem>>) {add = true}
      %dma_start3A_602 = arith.constant 0 : i32
      %dma_start3A_603 = tpu.memref_slice %arg24[%dma_start3A_602] : memref<10112xf32, #tpu.memory_space<vmem_shared>> -> memref<10112xf32, #tpu.memory_space<vmem_shared>>
      tpu.enqueue_indirect_dma source(%arg21 : memref<128xf32, #tpu.memory_space<vmem>>) target(%dma_start3A_603 : memref<10112xf32, #tpu.memory_space<vmem_shared>>) offsets(%arg15 : memref<128xi32, #tpu.memory_space<vmem>>) semaphore(%arg33 : memref<!tpu.dma_semaphore, #tpu.memory_space<semaphore_mem>>) {add = true}
      %dma_wait3A_604 = arith.constant 0 : i32
      %dma_wait3A_605 = arith.constant 0 : i32
      %dma_wait3A_606 = tpu.memref_slice %arg23[%dma_wait3A_604, %dma_wait3A_605] : memref<10112x128xf32, #tpu.memory_space<vmem_shared>> -> memref<128x128xf32, #tpu.memory_space<vmem_shared>>
      %dma_wait3A_607 = arith.constant 0 : i32
      %dma_wait3A_608 = arith.constant 0 : i32
      %dma_wait3A_609 = tpu.memref_slice %arg23[%dma_wait3A_607, %dma_wait3A_608] : memref<10112x128xf32, #tpu.memory_space<vmem_shared>> -> memref<128x128xf32, #tpu.memory_space<vmem_shared>>
      tpu.wait_dma2 semaphore(%arg27 : memref<!tpu.dma_semaphore, #tpu.memory_space<semaphore_mem>>) src(%arg16 : memref<128x128xf32, #tpu.memory_space<vmem>>) dst(%dma_wait3A_609 : memref<128x128xf32, #tpu.memory_space<vmem_shared>>)
      %dma_wait3A_610 = arith.constant 0 : i32
      %dma_wait3A_611 = tpu.memref_slice %arg3[%dma_wait3A_610] : memref<320000xi32, #tpu.memory_space<hbm>> -> memref<128xi32, #tpu.memory_space<hbm>>
      %dma_wait3A_612 = arith.constant 0 : i32
      %dma_wait3A_613 = tpu.memref_slice %arg3[%dma_wait3A_612] : memref<320000xi32, #tpu.memory_space<hbm>> -> memref<128xi32, #tpu.memory_space<hbm>>
      tpu.wait_dma2 semaphore(%arg29 : memref<!tpu.dma_semaphore, #tpu.memory_space<semaphore_mem>>) src(%dma_wait3A_613 : memref<128xi32, #tpu.memory_space<hbm>>) dst(%arg8 : memref<128xi32, #tpu.memory_space<vmem>>)
      %dma_wait3A_614 = arith.constant 0 : i32
      %dma_wait3A_615 = tpu.memref_slice %arg4[%dma_wait3A_614] : memref<320000xi32, #tpu.memory_space<hbm>> -> memref<128xi32, #tpu.memory_space<hbm>>
      %dma_wait3A_616 = arith.constant 0 : i32
      %dma_wait3A_617 = tpu.memref_slice %arg4[%dma_wait3A_616] : memref<320000xi32, #tpu.memory_space<hbm>> -> memref<128xi32, #tpu.memory_space<hbm>>
      tpu.wait_dma2 semaphore(%arg29 : memref<!tpu.dma_semaphore, #tpu.memory_space<semaphore_mem>>) src(%dma_wait3A_617 : memref<128xi32, #tpu.memory_space<hbm>>) dst(%arg12 : memref<128xi32, #tpu.memory_space<vmem>>)
      %dma_start3A_618 = arith.constant 0 : i32
      %dma_start3A_619 = arith.constant 0 : i32
      %dma_start3A_620 = tpu.memref_slice %arg2[%dma_start3A_618, %dma_start3A_619] : memref<10000x128xf32, #tpu.memory_space<hbm>> -> memref<10000x128xf32, #tpu.memory_space<hbm>>
      tpu.enqueue_indirect_dma source(%dma_start3A_620 : memref<10000x128xf32, #tpu.memory_space<hbm>>) target(%arg16 : memref<128x128xf32, #tpu.memory_space<vmem>>) offsets(%arg8 : memref<128xi32, #tpu.memory_space<vmem>>) semaphore(%arg25 : memref<!tpu.dma_semaphore, #tpu.memory_space<semaphore_mem>>)
      %add3A_621 = arith.constant 3 : i32
      %add3A_622 = arith.addi %add3A_592, %add3A_621 : i32
      %mul3A_623 = arith.constant 128 : i32
      %mul3A_624 = arith.muli %add3A_622, %mul3A_623 : i32
      %add3A_625 = arith.addi %mul3A_2, %mul3A_624 : i32
      %multiple_of3A_626 = tpu.assume_multiple %add3A_625, 16 : i32
      %dma_start3A_627 = tpu.memref_slice %arg3[%multiple_of3A_626] : memref<320000xi32, #tpu.memory_space<hbm>> -> memref<128xi32, #tpu.memory_space<hbm>>
      %dma_start3A_628 = tpu.memref_slice %arg3[%multiple_of3A_626] : memref<320000xi32, #tpu.memory_space<hbm>> -> memref<128xi32, #tpu.memory_space<hbm>>
      tpu.enqueue_dma source(%dma_start3A_628 : memref<128xi32, #tpu.memory_space<hbm>>) target(%arg10 : memref<128xi32, #tpu.memory_space<vmem>>) target_semaphore(%arg31 : memref<!tpu.dma_semaphore, #tpu.memory_space<semaphore_mem>>)
      %dma_start3A_629 = tpu.memref_slice %arg4[%multiple_of3A_626] : memref<320000xi32, #tpu.memory_space<hbm>> -> memref<128xi32, #tpu.memory_space<hbm>>
      %dma_start3A_630 = tpu.memref_slice %arg4[%multiple_of3A_626] : memref<320000xi32, #tpu.memory_space<hbm>> -> memref<128xi32, #tpu.memory_space<hbm>>
      tpu.enqueue_dma source(%dma_start3A_630 : memref<128xi32, #tpu.memory_space<hbm>>) target(%arg14 : memref<128xi32, #tpu.memory_space<vmem>>) target_semaphore(%arg31 : memref<!tpu.dma_semaphore, #tpu.memory_space<semaphore_mem>>)
      %add3A_631 = arith.constant 2 : i32
      %add3A_632 = arith.addi %add3A_550, %add3A_631 : i32
      %dma_wait3A_633 = arith.constant 0 : i32
      %dma_wait3A_634 = arith.constant 0 : i32
      %dma_wait3A_635 = tpu.memref_slice %arg2[%dma_wait3A_633, %dma_wait3A_634] : memref<10000x128xf32, #tpu.memory_space<hbm>> -> memref<128x128xf32, #tpu.memory_space<hbm>>
      %dma_wait3A_636 = arith.constant 0 : i32
      %dma_wait3A_637 = arith.constant 0 : i32
      %dma_wait3A_638 = tpu.memref_slice %arg2[%dma_wait3A_636, %dma_wait3A_637] : memref<10000x128xf32, #tpu.memory_space<hbm>> -> memref<128x128xf32, #tpu.memory_space<hbm>>
      tpu.wait_dma2 semaphore(%arg25 : memref<!tpu.dma_semaphore, #tpu.memory_space<semaphore_mem>>) src(%dma_wait3A_638 : memref<128x128xf32, #tpu.memory_space<hbm>>) dst(%arg16 : memref<128x128xf32, #tpu.memory_space<vmem>>)
      %dma_start3A_639 = arith.constant 0 : i32
      %dma_start3A_640 = arith.constant 0 : i32
      %dma_start3A_641 = tpu.memref_slice %arg23[%dma_start3A_639, %dma_start3A_640] : memref<10112x128xf32, #tpu.memory_space<vmem_shared>> -> memref<10112x128xf32, #tpu.memory_space<vmem_shared>>
      tpu.enqueue_indirect_dma source(%arg16 : memref<128x128xf32, #tpu.memory_space<vmem>>) target(%dma_start3A_641 : memref<10112x128xf32, #tpu.memory_space<vmem_shared>>) offsets(%arg12 : memref<128xi32, #tpu.memory_space<vmem>>) semaphore(%arg27 : memref<!tpu.dma_semaphore, #tpu.memory_space<semaphore_mem>>) {add = true}
      %dma_start3A_642 = arith.constant 0 : i32
      %dma_start3A_643 = tpu.memref_slice %arg24[%dma_start3A_642] : memref<10112xf32, #tpu.memory_space<vmem_shared>> -> memref<10112xf32, #tpu.memory_space<vmem_shared>>
      tpu.enqueue_indirect_dma source(%arg21 : memref<128xf32, #tpu.memory_space<vmem>>) target(%dma_start3A_643 : memref<10112xf32, #tpu.memory_space<vmem_shared>>) offsets(%arg12 : memref<128xi32, #tpu.memory_space<vmem>>) semaphore(%arg33 : memref<!tpu.dma_semaphore, #tpu.memory_space<semaphore_mem>>) {add = true}
      %dma_wait3A_644 = arith.constant 0 : i32
      %dma_wait3A_645 = arith.constant 0 : i32
      %dma_wait3A_646 = tpu.memref_slice %arg23[%dma_wait3A_644, %dma_wait3A_645] : memref<10112x128xf32, #tpu.memory_space<vmem_shared>> -> memref<128x128xf32, #tpu.memory_space<vmem_shared>>
      %dma_wait3A_647 = arith.constant 0 : i32
      %dma_wait3A_648 = arith.constant 0 : i32
      %dma_wait3A_649 = tpu.memref_slice %arg23[%dma_wait3A_647, %dma_wait3A_648] : memref<10112x128xf32, #tpu.memory_space<vmem_shared>> -> memref<128x128xf32, #tpu.memory_space<vmem_shared>>
      tpu.wait_dma2 semaphore(%arg28 : memref<!tpu.dma_semaphore, #tpu.memory_space<semaphore_mem>>) src(%arg17 : memref<128x128xf32, #tpu.memory_space<vmem>>) dst(%dma_wait3A_649 : memref<128x128xf32, #tpu.memory_space<vmem_shared>>)
      %dma_wait3A_650 = arith.constant 0 : i32
      %dma_wait3A_651 = tpu.memref_slice %arg3[%dma_wait3A_650] : memref<320000xi32, #tpu.memory_space<hbm>> -> memref<128xi32, #tpu.memory_space<hbm>>
      %dma_wait3A_652 = arith.constant 0 : i32
      %dma_wait3A_653 = tpu.memref_slice %arg3[%dma_wait3A_652] : memref<320000xi32, #tpu.memory_space<hbm>> -> memref<128xi32, #tpu.memory_space<hbm>>
      tpu.wait_dma2 semaphore(%arg30 : memref<!tpu.dma_semaphore, #tpu.memory_space<semaphore_mem>>) src(%dma_wait3A_653 : memref<128xi32, #tpu.memory_space<hbm>>) dst(%arg9 : memref<128xi32, #tpu.memory_space<vmem>>)
      %dma_wait3A_654 = arith.constant 0 : i32
      %dma_wait3A_655 = tpu.memref_slice %arg4[%dma_wait3A_654] : memref<320000xi32, #tpu.memory_space<hbm>> -> memref<128xi32, #tpu.memory_space<hbm>>
      %dma_wait3A_656 = arith.constant 0 : i32
      %dma_wait3A_657 = tpu.memref_slice %arg4[%dma_wait3A_656] : memref<320000xi32, #tpu.memory_space<hbm>> -> memref<128xi32, #tpu.memory_space<hbm>>
      tpu.wait_dma2 semaphore(%arg30 : memref<!tpu.dma_semaphore, #tpu.memory_space<semaphore_mem>>) src(%dma_wait3A_657 : memref<128xi32, #tpu.memory_space<hbm>>) dst(%arg13 : memref<128xi32, #tpu.memory_space<vmem>>)
      %dma_start3A_658 = arith.constant 0 : i32
      %dma_start3A_659 = arith.constant 0 : i32
      %dma_start3A_660 = tpu.memref_slice %arg2[%dma_start3A_658, %dma_start3A_659] : memref<10000x128xf32, #tpu.memory_space<hbm>> -> memref<10000x128xf32, #tpu.memory_space<hbm>>
      tpu.enqueue_indirect_dma source(%dma_start3A_660 : memref<10000x128xf32, #tpu.memory_space<hbm>>) target(%arg17 : memref<128x128xf32, #tpu.memory_space<vmem>>) offsets(%arg9 : memref<128xi32, #tpu.memory_space<vmem>>) semaphore(%arg26 : memref<!tpu.dma_semaphore, #tpu.memory_space<semaphore_mem>>)
      %add3A_661 = arith.constant 3 : i32
      %add3A_662 = arith.addi %add3A_632, %add3A_661 : i32
      %mul3A_663 = arith.constant 128 : i32
      %mul3A_664 = arith.muli %add3A_662, %mul3A_663 : i32
      %add3A_665 = arith.addi %mul3A_2, %mul3A_664 : i32
      %multiple_of3A_666 = tpu.assume_multiple %add3A_665, 16 : i32
      %dma_start3A_667 = tpu.memref_slice %arg3[%multiple_of3A_666] : memref<320000xi32, #tpu.memory_space<hbm>> -> memref<128xi32, #tpu.memory_space<hbm>>
      %dma_start3A_668 = tpu.memref_slice %arg3[%multiple_of3A_666] : memref<320000xi32, #tpu.memory_space<hbm>> -> memref<128xi32, #tpu.memory_space<hbm>>
      tpu.enqueue_dma source(%dma_start3A_668 : memref<128xi32, #tpu.memory_space<hbm>>) target(%arg11 : memref<128xi32, #tpu.memory_space<vmem>>) target_semaphore(%arg32 : memref<!tpu.dma_semaphore, #tpu.memory_space<semaphore_mem>>)
      %dma_start3A_669 = tpu.memref_slice %arg4[%multiple_of3A_666] : memref<320000xi32, #tpu.memory_space<hbm>> -> memref<128xi32, #tpu.memory_space<hbm>>
      %dma_start3A_670 = tpu.memref_slice %arg4[%multiple_of3A_666] : memref<320000xi32, #tpu.memory_space<hbm>> -> memref<128xi32, #tpu.memory_space<hbm>>
      tpu.enqueue_dma source(%dma_start3A_670 : memref<128xi32, #tpu.memory_space<hbm>>) target(%arg15 : memref<128xi32, #tpu.memory_space<vmem>>) target_semaphore(%arg32 : memref<!tpu.dma_semaphore, #tpu.memory_space<semaphore_mem>>)
      %add3A_671 = arith.constant 3 : i32
      %add3A_672 = arith.addi %add3A_550, %add3A_671 : i32
      %dma_wait3A_673 = arith.constant 0 : i32
      %dma_wait3A_674 = arith.constant 0 : i32
      %dma_wait3A_675 = tpu.memref_slice %arg2[%dma_wait3A_673, %dma_wait3A_674] : memref<10000x128xf32, #tpu.memory_space<hbm>> -> memref<128x128xf32, #tpu.memory_space<hbm>>
      %dma_wait3A_676 = arith.constant 0 : i32
      %dma_wait3A_677 = arith.constant 0 : i32
      %dma_wait3A_678 = tpu.memref_slice %arg2[%dma_wait3A_676, %dma_wait3A_677] : memref<10000x128xf32, #tpu.memory_space<hbm>> -> memref<128x128xf32, #tpu.memory_space<hbm>>
      tpu.wait_dma2 semaphore(%arg26 : memref<!tpu.dma_semaphore, #tpu.memory_space<semaphore_mem>>) src(%dma_wait3A_678 : memref<128x128xf32, #tpu.memory_space<hbm>>) dst(%arg17 : memref<128x128xf32, #tpu.memory_space<vmem>>)
      %dma_start3A_679 = arith.constant 0 : i32
      %dma_start3A_680 = arith.constant 0 : i32
      %dma_start3A_681 = tpu.memref_slice %arg23[%dma_start3A_679, %dma_start3A_680] : memref<10112x128xf32, #tpu.memory_space<vmem_shared>> -> memref<10112x128xf32, #tpu.memory_space<vmem_shared>>
      tpu.enqueue_indirect_dma source(%arg17 : memref<128x128xf32, #tpu.memory_space<vmem>>) target(%dma_start3A_681 : memref<10112x128xf32, #tpu.memory_space<vmem_shared>>) offsets(%arg13 : memref<128xi32, #tpu.memory_space<vmem>>) semaphore(%arg28 : memref<!tpu.dma_semaphore, #tpu.memory_space<semaphore_mem>>) {add = true}
      %dma_start3A_682 = arith.constant 0 : i32
      %dma_start3A_683 = tpu.memref_slice %arg24[%dma_start3A_682] : memref<10112xf32, #tpu.memory_space<vmem_shared>> -> memref<10112xf32, #tpu.memory_space<vmem_shared>>
      tpu.enqueue_indirect_dma source(%arg21 : memref<128xf32, #tpu.memory_space<vmem>>) target(%dma_start3A_683 : memref<10112xf32, #tpu.memory_space<vmem_shared>>) offsets(%arg13 : memref<128xi32, #tpu.memory_space<vmem>>) semaphore(%arg33 : memref<!tpu.dma_semaphore, #tpu.memory_space<semaphore_mem>>) {add = true}
      %dma_wait3A_684 = arith.constant 0 : i32
      %dma_wait3A_685 = arith.constant 0 : i32
      %dma_wait3A_686 = tpu.memref_slice %arg23[%dma_wait3A_684, %dma_wait3A_685] : memref<10112x128xf32, #tpu.memory_space<vmem_shared>> -> memref<128x128xf32, #tpu.memory_space<vmem_shared>>
      %dma_wait3A_687 = arith.constant 0 : i32
      %dma_wait3A_688 = arith.constant 0 : i32
      %dma_wait3A_689 = tpu.memref_slice %arg23[%dma_wait3A_687, %dma_wait3A_688] : memref<10112x128xf32, #tpu.memory_space<vmem_shared>> -> memref<128x128xf32, #tpu.memory_space<vmem_shared>>
      tpu.wait_dma2 semaphore(%arg27 : memref<!tpu.dma_semaphore, #tpu.memory_space<semaphore_mem>>) src(%arg16 : memref<128x128xf32, #tpu.memory_space<vmem>>) dst(%dma_wait3A_689 : memref<128x128xf32, #tpu.memory_space<vmem_shared>>)
      %dma_wait3A_690 = arith.constant 0 : i32
      %dma_wait3A_691 = tpu.memref_slice %arg3[%dma_wait3A_690] : memref<320000xi32, #tpu.memory_space<hbm>> -> memref<128xi32, #tpu.memory_space<hbm>>
      %dma_wait3A_692 = arith.constant 0 : i32
      %dma_wait3A_693 = tpu.memref_slice %arg3[%dma_wait3A_692] : memref<320000xi32, #tpu.memory_space<hbm>> -> memref<128xi32, #tpu.memory_space<hbm>>
      tpu.wait_dma2 semaphore(%arg31 : memref<!tpu.dma_semaphore, #tpu.memory_space<semaphore_mem>>) src(%dma_wait3A_693 : memref<128xi32, #tpu.memory_space<hbm>>) dst(%arg10 : memref<128xi32, #tpu.memory_space<vmem>>)
      %dma_wait3A_694 = arith.constant 0 : i32
      %dma_wait3A_695 = tpu.memref_slice %arg4[%dma_wait3A_694] : memref<320000xi32, #tpu.memory_space<hbm>> -> memref<128xi32, #tpu.memory_space<hbm>>
      %dma_wait3A_696 = arith.constant 0 : i32
      %dma_wait3A_697 = tpu.memref_slice %arg4[%dma_wait3A_696] : memref<320000xi32, #tpu.memory_space<hbm>> -> memref<128xi32, #tpu.memory_space<hbm>>
      tpu.wait_dma2 semaphore(%arg31 : memref<!tpu.dma_semaphore, #tpu.memory_space<semaphore_mem>>) src(%dma_wait3A_697 : memref<128xi32, #tpu.memory_space<hbm>>) dst(%arg14 : memref<128xi32, #tpu.memory_space<vmem>>)
      %dma_start3A_698 = arith.constant 0 : i32
      %dma_start3A_699 = arith.constant 0 : i32
      %dma_start3A_700 = tpu.memref_slice %arg2[%dma_start3A_698, %dma_start3A_699] : memref<10000x128xf32, #tpu.memory_space<hbm>> -> memref<10000x128xf32, #tpu.memory_space<hbm>>
      tpu.enqueue_indirect_dma source(%dma_start3A_700 : memref<10000x128xf32, #tpu.memory_space<hbm>>) target(%arg16 : memref<128x128xf32, #tpu.memory_space<vmem>>) offsets(%arg10 : memref<128xi32, #tpu.memory_space<vmem>>) semaphore(%arg25 : memref<!tpu.dma_semaphore, #tpu.memory_space<semaphore_mem>>)
      %add3A_701 = arith.constant 3 : i32
      %add3A_702 = arith.addi %add3A_672, %add3A_701 : i32
      %mul3A_703 = arith.constant 128 : i32
      %mul3A_704 = arith.muli %add3A_702, %mul3A_703 : i32
      %add3A_705 = arith.addi %mul3A_2, %mul3A_704 : i32
      %multiple_of3A_706 = tpu.assume_multiple %add3A_705, 16 : i32
      %dma_start3A_707 = tpu.memref_slice %arg3[%multiple_of3A_706] : memref<320000xi32, #tpu.memory_space<hbm>> -> memref<128xi32, #tpu.memory_space<hbm>>
      %dma_start3A_708 = tpu.memref_slice %arg3[%multiple_of3A_706] : memref<320000xi32, #tpu.memory_space<hbm>> -> memref<128xi32, #tpu.memory_space<hbm>>
      tpu.enqueue_dma source(%dma_start3A_708 : memref<128xi32, #tpu.memory_space<hbm>>) target(%arg8 : memref<128xi32, #tpu.memory_space<vmem>>) target_semaphore(%arg29 : memref<!tpu.dma_semaphore, #tpu.memory_space<semaphore_mem>>)
      %dma_start3A_709 = tpu.memref_slice %arg4[%multiple_of3A_706] : memref<320000xi32, #tpu.memory_space<hbm>> -> memref<128xi32, #tpu.memory_space<hbm>>
      %dma_start3A_710 = tpu.memref_slice %arg4[%multiple_of3A_706] : memref<320000xi32, #tpu.memory_space<hbm>> -> memref<128xi32, #tpu.memory_space<hbm>>
      tpu.enqueue_dma source(%dma_start3A_710 : memref<128xi32, #tpu.memory_space<hbm>>) target(%arg12 : memref<128xi32, #tpu.memory_space<vmem>>) target_semaphore(%arg29 : memref<!tpu.dma_semaphore, #tpu.memory_space<semaphore_mem>>)
    }
    %scan3A_413 = arith.constant 18 : i32
    %dma_wait3A_414 = arith.constant 0 : i32
    %dma_wait3A_415 = arith.constant 0 : i32
    %dma_wait3A_416 = tpu.memref_slice %arg2[%dma_wait3A_414, %dma_wait3A_415] : memref<10000x128xf32, #tpu.memory_space<hbm>> -> memref<128x128xf32, #tpu.memory_space<hbm>>
    %dma_wait3A_417 = arith.constant 0 : i32
    %dma_wait3A_418 = arith.constant 0 : i32
    %dma_wait3A_419 = tpu.memref_slice %arg2[%dma_wait3A_417, %dma_wait3A_418] : memref<10000x128xf32, #tpu.memory_space<hbm>> -> memref<128x128xf32, #tpu.memory_space<hbm>>
    tpu.wait_dma2 semaphore(%arg25 : memref<!tpu.dma_semaphore, #tpu.memory_space<semaphore_mem>>) src(%dma_wait3A_419 : memref<128x128xf32, #tpu.memory_space<hbm>>) dst(%arg16 : memref<128x128xf32, #tpu.memory_space<vmem>>)
    %dma_start3A_420 = arith.constant 0 : i32
    %dma_start3A_421 = arith.constant 0 : i32
    %dma_start3A_422 = tpu.memref_slice %arg23[%dma_start3A_420, %dma_start3A_421] : memref<10112x128xf32, #tpu.memory_space<vmem_shared>> -> memref<10112x128xf32, #tpu.memory_space<vmem_shared>>
    tpu.enqueue_indirect_dma source(%arg16 : memref<128x128xf32, #tpu.memory_space<vmem>>) target(%dma_start3A_422 : memref<10112x128xf32, #tpu.memory_space<vmem_shared>>) offsets(%arg14 : memref<128xi32, #tpu.memory_space<vmem>>) semaphore(%arg27 : memref<!tpu.dma_semaphore, #tpu.memory_space<semaphore_mem>>) {add = true}
    %dma_start3A_423 = arith.constant 0 : i32
    %dma_start3A_424 = tpu.memref_slice %arg24[%dma_start3A_423] : memref<10112xf32, #tpu.memory_space<vmem_shared>> -> memref<10112xf32, #tpu.memory_space<vmem_shared>>
    tpu.enqueue_indirect_dma source(%arg21 : memref<128xf32, #tpu.memory_space<vmem>>) target(%dma_start3A_424 : memref<10112xf32, #tpu.memory_space<vmem_shared>>) offsets(%arg14 : memref<128xi32, #tpu.memory_space<vmem>>) semaphore(%arg33 : memref<!tpu.dma_semaphore, #tpu.memory_space<semaphore_mem>>) {add = true}
    %dma_wait3A_425 = arith.constant 0 : i32
    %dma_wait3A_426 = arith.constant 0 : i32
    %dma_wait3A_427 = tpu.memref_slice %arg23[%dma_wait3A_425, %dma_wait3A_426] : memref<10112x128xf32, #tpu.memory_space<vmem_shared>> -> memref<128x128xf32, #tpu.memory_space<vmem_shared>>
    %dma_wait3A_428 = arith.constant 0 : i32
    %dma_wait3A_429 = arith.constant 0 : i32
    %dma_wait3A_430 = tpu.memref_slice %arg23[%dma_wait3A_428, %dma_wait3A_429] : memref<10112x128xf32, #tpu.memory_space<vmem_shared>> -> memref<128x128xf32, #tpu.memory_space<vmem_shared>>
    tpu.wait_dma2 semaphore(%arg28 : memref<!tpu.dma_semaphore, #tpu.memory_space<semaphore_mem>>) src(%arg17 : memref<128x128xf32, #tpu.memory_space<vmem>>) dst(%dma_wait3A_430 : memref<128x128xf32, #tpu.memory_space<vmem_shared>>)
    %dma_wait3A_431 = arith.constant 0 : i32
    %dma_wait3A_432 = tpu.memref_slice %arg3[%dma_wait3A_431] : memref<320000xi32, #tpu.memory_space<hbm>> -> memref<128xi32, #tpu.memory_space<hbm>>
    %dma_wait3A_433 = arith.constant 0 : i32
    %dma_wait3A_434 = tpu.memref_slice %arg3[%dma_wait3A_433] : memref<320000xi32, #tpu.memory_space<hbm>> -> memref<128xi32, #tpu.memory_space<hbm>>
    tpu.wait_dma2 semaphore(%arg32 : memref<!tpu.dma_semaphore, #tpu.memory_space<semaphore_mem>>) src(%dma_wait3A_434 : memref<128xi32, #tpu.memory_space<hbm>>) dst(%arg11 : memref<128xi32, #tpu.memory_space<vmem>>)
    %dma_wait3A_435 = arith.constant 0 : i32
    %dma_wait3A_436 = tpu.memref_slice %arg4[%dma_wait3A_435] : memref<320000xi32, #tpu.memory_space<hbm>> -> memref<128xi32, #tpu.memory_space<hbm>>
    %dma_wait3A_437 = arith.constant 0 : i32
    %dma_wait3A_438 = tpu.memref_slice %arg4[%dma_wait3A_437] : memref<320000xi32, #tpu.memory_space<hbm>> -> memref<128xi32, #tpu.memory_space<hbm>>
    tpu.wait_dma2 semaphore(%arg32 : memref<!tpu.dma_semaphore, #tpu.memory_space<semaphore_mem>>) src(%dma_wait3A_438 : memref<128xi32, #tpu.memory_space<hbm>>) dst(%arg15 : memref<128xi32, #tpu.memory_space<vmem>>)
    %dma_start3A_439 = arith.constant 0 : i32
    %dma_start3A_440 = arith.constant 0 : i32
    %dma_start3A_441 = tpu.memref_slice %arg2[%dma_start3A_439, %dma_start3A_440] : memref<10000x128xf32, #tpu.memory_space<hbm>> -> memref<10000x128xf32, #tpu.memory_space<hbm>>
    tpu.enqueue_indirect_dma source(%dma_start3A_441 : memref<10000x128xf32, #tpu.memory_space<hbm>>) target(%arg17 : memref<128x128xf32, #tpu.memory_space<vmem>>) offsets(%arg11 : memref<128xi32, #tpu.memory_space<vmem>>) semaphore(%arg26 : memref<!tpu.dma_semaphore, #tpu.memory_space<semaphore_mem>>)
    %add3A_442 = arith.constant 9856 : i32
    %add3A_443 = arith.addi %mul3A_2, %add3A_442 : i32
    %multiple_of3A_444 = tpu.assume_multiple %add3A_443, 16 : i32
    %dma_start3A_445 = tpu.memref_slice %arg3[%multiple_of3A_444] : memref<320000xi32, #tpu.memory_space<hbm>> -> memref<128xi32, #tpu.memory_space<hbm>>
    %dma_start3A_446 = tpu.memref_slice %arg3[%multiple_of3A_444] : memref<320000xi32, #tpu.memory_space<hbm>> -> memref<128xi32, #tpu.memory_space<hbm>>
    tpu.enqueue_dma source(%dma_start3A_446 : memref<128xi32, #tpu.memory_space<hbm>>) target(%arg9 : memref<128xi32, #tpu.memory_space<vmem>>) target_semaphore(%arg30 : memref<!tpu.dma_semaphore, #tpu.memory_space<semaphore_mem>>)
    %dma_start3A_447 = tpu.memref_slice %arg4[%multiple_of3A_444] : memref<320000xi32, #tpu.memory_space<hbm>> -> memref<128xi32, #tpu.memory_space<hbm>>
    %dma_start3A_448 = tpu.memref_slice %arg4[%multiple_of3A_444] : memref<320000xi32, #tpu.memory_space<hbm>> -> memref<128xi32, #tpu.memory_space<hbm>>
    tpu.enqueue_dma source(%dma_start3A_448 : memref<128xi32, #tpu.memory_space<hbm>>) target(%arg13 : memref<128xi32, #tpu.memory_space<vmem>>) target_semaphore(%arg30 : memref<!tpu.dma_semaphore, #tpu.memory_space<semaphore_mem>>)
    %dma_wait3A_449 = arith.constant 0 : i32
    %dma_wait3A_450 = arith.constant 0 : i32
    %dma_wait3A_451 = tpu.memref_slice %arg2[%dma_wait3A_449, %dma_wait3A_450] : memref<10000x128xf32, #tpu.memory_space<hbm>> -> memref<128x128xf32, #tpu.memory_space<hbm>>
    %dma_wait3A_452 = arith.constant 0 : i32
    %dma_wait3A_453 = arith.constant 0 : i32
    %dma_wait3A_454 = tpu.memref_slice %arg2[%dma_wait3A_452, %dma_wait3A_453] : memref<10000x128xf32, #tpu.memory_space<hbm>> -> memref<128x128xf32, #tpu.memory_space<hbm>>
    tpu.wait_dma2 semaphore(%arg26 : memref<!tpu.dma_semaphore, #tpu.memory_space<semaphore_mem>>) src(%dma_wait3A_454 : memref<128x128xf32, #tpu.memory_space<hbm>>) dst(%arg17 : memref<128x128xf32, #tpu.memory_space<vmem>>)
    %dma_start3A_455 = arith.constant 0 : i32
    %dma_start3A_456 = arith.constant 0 : i32
    %dma_start3A_457 = tpu.memref_slice %arg23[%dma_start3A_455, %dma_start3A_456] : memref<10112x128xf32, #tpu.memory_space<vmem_shared>> -> memref<10112x128xf32, #tpu.memory_space<vmem_shared>>
    tpu.enqueue_indirect_dma source(%arg17 : memref<128x128xf32, #tpu.memory_space<vmem>>) target(%dma_start3A_457 : memref<10112x128xf32, #tpu.memory_space<vmem_shared>>) offsets(%arg15 : memref<128xi32, #tpu.memory_space<vmem>>) semaphore(%arg28 : memref<!tpu.dma_semaphore, #tpu.memory_space<semaphore_mem>>) {add = true}
    %dma_start3A_458 = arith.constant 0 : i32
    %dma_start3A_459 = tpu.memref_slice %arg24[%dma_start3A_458] : memref<10112xf32, #tpu.memory_space<vmem_shared>> -> memref<10112xf32, #tpu.memory_space<vmem_shared>>
    tpu.enqueue_indirect_dma source(%arg21 : memref<128xf32, #tpu.memory_space<vmem>>) target(%dma_start3A_459 : memref<10112xf32, #tpu.memory_space<vmem_shared>>) offsets(%arg15 : memref<128xi32, #tpu.memory_space<vmem>>) semaphore(%arg33 : memref<!tpu.dma_semaphore, #tpu.memory_space<semaphore_mem>>) {add = true}
    %dma_wait3A_460 = arith.constant 0 : i32
    %dma_wait3A_461 = arith.constant 0 : i32
    %dma_wait3A_462 = tpu.memref_slice %arg23[%dma_wait3A_460, %dma_wait3A_461] : memref<10112x128xf32, #tpu.memory_space<vmem_shared>> -> memref<128x128xf32, #tpu.memory_space<vmem_shared>>
    %dma_wait3A_463 = arith.constant 0 : i32
    %dma_wait3A_464 = arith.constant 0 : i32
    %dma_wait3A_465 = tpu.memref_slice %arg23[%dma_wait3A_463, %dma_wait3A_464] : memref<10112x128xf32, #tpu.memory_space<vmem_shared>> -> memref<128x128xf32, #tpu.memory_space<vmem_shared>>
    tpu.wait_dma2 semaphore(%arg27 : memref<!tpu.dma_semaphore, #tpu.memory_space<semaphore_mem>>) src(%arg16 : memref<128x128xf32, #tpu.memory_space<vmem>>) dst(%dma_wait3A_465 : memref<128x128xf32, #tpu.memory_space<vmem_shared>>)
    %dma_wait3A_466 = arith.constant 0 : i32
    %dma_wait3A_467 = tpu.memref_slice %arg3[%dma_wait3A_466] : memref<320000xi32, #tpu.memory_space<hbm>> -> memref<128xi32, #tpu.memory_space<hbm>>
    %dma_wait3A_468 = arith.constant 0 : i32
    %dma_wait3A_469 = tpu.memref_slice %arg3[%dma_wait3A_468] : memref<320000xi32, #tpu.memory_space<hbm>> -> memref<128xi32, #tpu.memory_space<hbm>>
    tpu.wait_dma2 semaphore(%arg29 : memref<!tpu.dma_semaphore, #tpu.memory_space<semaphore_mem>>) src(%dma_wait3A_469 : memref<128xi32, #tpu.memory_space<hbm>>) dst(%arg8 : memref<128xi32, #tpu.memory_space<vmem>>)
    %dma_wait3A_470 = arith.constant 0 : i32
    %dma_wait3A_471 = tpu.memref_slice %arg4[%dma_wait3A_470] : memref<320000xi32, #tpu.memory_space<hbm>> -> memref<128xi32, #tpu.memory_space<hbm>>
    %dma_wait3A_472 = arith.constant 0 : i32
    %dma_wait3A_473 = tpu.memref_slice %arg4[%dma_wait3A_472] : memref<320000xi32, #tpu.memory_space<hbm>> -> memref<128xi32, #tpu.memory_space<hbm>>
    tpu.wait_dma2 semaphore(%arg29 : memref<!tpu.dma_semaphore, #tpu.memory_space<semaphore_mem>>) src(%dma_wait3A_473 : memref<128xi32, #tpu.memory_space<hbm>>) dst(%arg12 : memref<128xi32, #tpu.memory_space<vmem>>)
    %dma_start3A_474 = arith.constant 0 : i32
    %dma_start3A_475 = arith.constant 0 : i32
    %dma_start3A_476 = tpu.memref_slice %arg2[%dma_start3A_474, %dma_start3A_475] : memref<10000x128xf32, #tpu.memory_space<hbm>> -> memref<10000x128xf32, #tpu.memory_space<hbm>>
    tpu.enqueue_indirect_dma source(%dma_start3A_476 : memref<10000x128xf32, #tpu.memory_space<hbm>>) target(%arg16 : memref<128x128xf32, #tpu.memory_space<vmem>>) offsets(%arg8 : memref<128xi32, #tpu.memory_space<vmem>>) semaphore(%arg25 : memref<!tpu.dma_semaphore, #tpu.memory_space<semaphore_mem>>)
    %dma_wait3A_477 = arith.constant 0 : i32
    %dma_wait3A_478 = arith.constant 0 : i32
    %dma_wait3A_479 = tpu.memref_slice %arg2[%dma_wait3A_477, %dma_wait3A_478] : memref<10000x128xf32, #tpu.memory_space<hbm>> -> memref<128x128xf32, #tpu.memory_space<hbm>>
    %dma_wait3A_480 = arith.constant 0 : i32
    %dma_wait3A_481 = arith.constant 0 : i32
    %dma_wait3A_482 = tpu.memref_slice %arg2[%dma_wait3A_480, %dma_wait3A_481] : memref<10000x128xf32, #tpu.memory_space<hbm>> -> memref<128x128xf32, #tpu.memory_space<hbm>>
    tpu.wait_dma2 semaphore(%arg25 : memref<!tpu.dma_semaphore, #tpu.memory_space<semaphore_mem>>) src(%dma_wait3A_482 : memref<128x128xf32, #tpu.memory_space<hbm>>) dst(%arg16 : memref<128x128xf32, #tpu.memory_space<vmem>>)
    %dma_start3A_483 = arith.constant 0 : i32
    %dma_start3A_484 = arith.constant 0 : i32
    %dma_start3A_485 = tpu.memref_slice %arg23[%dma_start3A_483, %dma_start3A_484] : memref<10112x128xf32, #tpu.memory_space<vmem_shared>> -> memref<10112x128xf32, #tpu.memory_space<vmem_shared>>
    tpu.enqueue_indirect_dma source(%arg16 : memref<128x128xf32, #tpu.memory_space<vmem>>) target(%dma_start3A_485 : memref<10112x128xf32, #tpu.memory_space<vmem_shared>>) offsets(%arg12 : memref<128xi32, #tpu.memory_space<vmem>>) semaphore(%arg27 : memref<!tpu.dma_semaphore, #tpu.memory_space<semaphore_mem>>) {add = true}
    %dma_start3A_486 = arith.constant 0 : i32
    %dma_start3A_487 = tpu.memref_slice %arg24[%dma_start3A_486] : memref<10112xf32, #tpu.memory_space<vmem_shared>> -> memref<10112xf32, #tpu.memory_space<vmem_shared>>
    tpu.enqueue_indirect_dma source(%arg21 : memref<128xf32, #tpu.memory_space<vmem>>) target(%dma_start3A_487 : memref<10112xf32, #tpu.memory_space<vmem_shared>>) offsets(%arg12 : memref<128xi32, #tpu.memory_space<vmem>>) semaphore(%arg33 : memref<!tpu.dma_semaphore, #tpu.memory_space<semaphore_mem>>) {add = true}
    %dma_wait3A_488 = arith.constant 0 : i32
    %dma_wait3A_489 = arith.constant 0 : i32
    %dma_wait3A_490 = tpu.memref_slice %arg23[%dma_wait3A_488, %dma_wait3A_489] : memref<10112x128xf32, #tpu.memory_space<vmem_shared>> -> memref<128x128xf32, #tpu.memory_space<vmem_shared>>
    %dma_wait3A_491 = arith.constant 0 : i32
    %dma_wait3A_492 = arith.constant 0 : i32
    %dma_wait3A_493 = tpu.memref_slice %arg23[%dma_wait3A_491, %dma_wait3A_492] : memref<10112x128xf32, #tpu.memory_space<vmem_shared>> -> memref<128x128xf32, #tpu.memory_space<vmem_shared>>
    tpu.wait_dma2 semaphore(%arg28 : memref<!tpu.dma_semaphore, #tpu.memory_space<semaphore_mem>>) src(%arg17 : memref<128x128xf32, #tpu.memory_space<vmem>>) dst(%dma_wait3A_493 : memref<128x128xf32, #tpu.memory_space<vmem_shared>>)
    %dma_wait3A_494 = arith.constant 0 : i32
    %dma_wait3A_495 = tpu.memref_slice %arg3[%dma_wait3A_494] : memref<320000xi32, #tpu.memory_space<hbm>> -> memref<128xi32, #tpu.memory_space<hbm>>
    %dma_wait3A_496 = arith.constant 0 : i32
    %dma_wait3A_497 = tpu.memref_slice %arg3[%dma_wait3A_496] : memref<320000xi32, #tpu.memory_space<hbm>> -> memref<128xi32, #tpu.memory_space<hbm>>
    tpu.wait_dma2 semaphore(%arg30 : memref<!tpu.dma_semaphore, #tpu.memory_space<semaphore_mem>>) src(%dma_wait3A_497 : memref<128xi32, #tpu.memory_space<hbm>>) dst(%arg9 : memref<128xi32, #tpu.memory_space<vmem>>)
    %dma_wait3A_498 = arith.constant 0 : i32
    %dma_wait3A_499 = tpu.memref_slice %arg4[%dma_wait3A_498] : memref<320000xi32, #tpu.memory_space<hbm>> -> memref<128xi32, #tpu.memory_space<hbm>>
    %dma_wait3A_500 = arith.constant 0 : i32
    %dma_wait3A_501 = tpu.memref_slice %arg4[%dma_wait3A_500] : memref<320000xi32, #tpu.memory_space<hbm>> -> memref<128xi32, #tpu.memory_space<hbm>>
    tpu.wait_dma2 semaphore(%arg30 : memref<!tpu.dma_semaphore, #tpu.memory_space<semaphore_mem>>) src(%dma_wait3A_501 : memref<128xi32, #tpu.memory_space<hbm>>) dst(%arg13 : memref<128xi32, #tpu.memory_space<vmem>>)
    %dma_start3A_502 = arith.constant 0 : i32
    %dma_start3A_503 = arith.constant 0 : i32
    %dma_start3A_504 = tpu.memref_slice %arg2[%dma_start3A_502, %dma_start3A_503] : memref<10000x128xf32, #tpu.memory_space<hbm>> -> memref<10000x128xf32, #tpu.memory_space<hbm>>
    tpu.enqueue_indirect_dma source(%dma_start3A_504 : memref<10000x128xf32, #tpu.memory_space<hbm>>) target(%arg17 : memref<128x128xf32, #tpu.memory_space<vmem>>) offsets(%arg9 : memref<128xi32, #tpu.memory_space<vmem>>) semaphore(%arg26 : memref<!tpu.dma_semaphore, #tpu.memory_space<semaphore_mem>>)
    %dma_wait3A_505 = arith.constant 0 : i32
    %dma_wait3A_506 = arith.constant 0 : i32
    %dma_wait3A_507 = tpu.memref_slice %arg2[%dma_wait3A_505, %dma_wait3A_506] : memref<10000x128xf32, #tpu.memory_space<hbm>> -> memref<128x128xf32, #tpu.memory_space<hbm>>
    %dma_wait3A_508 = arith.constant 0 : i32
    %dma_wait3A_509 = arith.constant 0 : i32
    %dma_wait3A_510 = tpu.memref_slice %arg2[%dma_wait3A_508, %dma_wait3A_509] : memref<10000x128xf32, #tpu.memory_space<hbm>> -> memref<128x128xf32, #tpu.memory_space<hbm>>
    tpu.wait_dma2 semaphore(%arg26 : memref<!tpu.dma_semaphore, #tpu.memory_space<semaphore_mem>>) src(%dma_wait3A_510 : memref<128x128xf32, #tpu.memory_space<hbm>>) dst(%arg17 : memref<128x128xf32, #tpu.memory_space<vmem>>)
    %dma_start3A_511 = arith.constant 0 : i32
    %dma_start3A_512 = arith.constant 0 : i32
    %dma_start3A_513 = tpu.memref_slice %arg23[%dma_start3A_511, %dma_start3A_512] : memref<10112x128xf32, #tpu.memory_space<vmem_shared>> -> memref<10112x128xf32, #tpu.memory_space<vmem_shared>>
    tpu.enqueue_indirect_dma source(%arg17 : memref<128x128xf32, #tpu.memory_space<vmem>>) target(%dma_start3A_513 : memref<10112x128xf32, #tpu.memory_space<vmem_shared>>) offsets(%arg13 : memref<128xi32, #tpu.memory_space<vmem>>) semaphore(%arg28 : memref<!tpu.dma_semaphore, #tpu.memory_space<semaphore_mem>>) {add = true}
    %dma_start3A_514 = arith.constant 0 : i32
    %dma_start3A_515 = tpu.memref_slice %arg24[%dma_start3A_514] : memref<10112xf32, #tpu.memory_space<vmem_shared>> -> memref<10112xf32, #tpu.memory_space<vmem_shared>>
    tpu.enqueue_indirect_dma source(%arg21 : memref<128xf32, #tpu.memory_space<vmem>>) target(%dma_start3A_515 : memref<10112xf32, #tpu.memory_space<vmem_shared>>) offsets(%arg13 : memref<128xi32, #tpu.memory_space<vmem>>) semaphore(%arg33 : memref<!tpu.dma_semaphore, #tpu.memory_space<semaphore_mem>>) {add = true}
    %dma_wait3A_516 = arith.constant 0 : i32
    %dma_wait3A_517 = arith.constant 0 : i32
    %dma_wait3A_518 = tpu.memref_slice %arg23[%dma_wait3A_516, %dma_wait3A_517] : memref<10112x128xf32, #tpu.memory_space<vmem_shared>> -> memref<128x128xf32, #tpu.memory_space<vmem_shared>>
    %dma_wait3A_519 = arith.constant 0 : i32
    %dma_wait3A_520 = arith.constant 0 : i32
    %dma_wait3A_521 = tpu.memref_slice %arg23[%dma_wait3A_519, %dma_wait3A_520] : memref<10112x128xf32, #tpu.memory_space<vmem_shared>> -> memref<128x128xf32, #tpu.memory_space<vmem_shared>>
    tpu.wait_dma2 semaphore(%arg27 : memref<!tpu.dma_semaphore, #tpu.memory_space<semaphore_mem>>) src(%arg16 : memref<128x128xf32, #tpu.memory_space<vmem>>) dst(%dma_wait3A_521 : memref<128x128xf32, #tpu.memory_space<vmem_shared>>)
    %dma_wait3A_522 = arith.constant 0 : i32
    %dma_wait3A_523 = arith.constant 0 : i32
    %dma_wait3A_524 = tpu.memref_slice %arg23[%dma_wait3A_522, %dma_wait3A_523] : memref<10112x128xf32, #tpu.memory_space<vmem_shared>> -> memref<128x128xf32, #tpu.memory_space<vmem_shared>>
    %dma_wait3A_525 = arith.constant 0 : i32
    %dma_wait3A_526 = arith.constant 0 : i32
    %dma_wait3A_527 = tpu.memref_slice %arg23[%dma_wait3A_525, %dma_wait3A_526] : memref<10112x128xf32, #tpu.memory_space<vmem_shared>> -> memref<128x128xf32, #tpu.memory_space<vmem_shared>>
    tpu.wait_dma2 semaphore(%arg28 : memref<!tpu.dma_semaphore, #tpu.memory_space<semaphore_mem>>) src(%arg17 : memref<128x128xf32, #tpu.memory_space<vmem>>) dst(%dma_wait3A_527 : memref<128x128xf32, #tpu.memory_space<vmem_shared>>)
    %scan3A_528 = arith.constant 0 : i32
    %scan3A_529 = arith.constant 0 : i32
    %scan3A_530 = arith.constant 78 : i32
    %scan3A_531 = arith.addi %scan3A_529, %scan3A_530 : i32
    %scan3A_532 = arith.constant 1 : i32
    scf.for %scan3A_546 = %scan3A_529 to %scan3A_531 step %scan3A_532  : i32 {
      %dma_wait3A_547 = arith.constant 0 : i32
      %dma_wait3A_548 = tpu.memref_slice %arg24[%dma_wait3A_547] : memref<10112xf32, #tpu.memory_space<vmem_shared>> -> memref<128xf32, #tpu.memory_space<vmem_shared>>
      %dma_wait3A_549 = arith.constant 0 : i32
      %dma_wait3A_550 = tpu.memref_slice %arg24[%dma_wait3A_549] : memref<10112xf32, #tpu.memory_space<vmem_shared>> -> memref<128xf32, #tpu.memory_space<vmem_shared>>
      tpu.wait_dma2 semaphore(%arg33 : memref<!tpu.dma_semaphore, #tpu.memory_space<semaphore_mem>>) src(%arg21 : memref<128xf32, #tpu.memory_space<vmem>>) dst(%dma_wait3A_550 : memref<128xf32, #tpu.memory_space<vmem_shared>>)
    }
    %scan3A_533 = arith.constant 78 : i32
    %barrier3A_534 = arith.constant 0 : index
    tpu.barrier barrier_id(%barrier3A_534)
    %mul3A_535 = arith.constant 632 : i32
    %mul3A_536 = arith.muli %arg1, %mul3A_535 : i32
    %mul3A_537 = arith.constant 632 : i32
    %mul3A_538 = arith.muli %arg1, %mul3A_537 : i32
    "tpu.region"() ({
      %run_scoped3A = tpu.sem_alloc : memref<!tpu.dma_semaphore, #tpu.memory_space<semaphore_mem>>
      %dma_start3A_546 = arith.constant 0 : i32
      %dma_start3A_547 = tpu.memref_slice %arg6[%arg0, %mul3A_538, %dma_start3A_546] : memref<2x10112x128xf32, #tpu.memory_space<hbm>> -> memref<1x632x128xf32, #tpu.memory_space<hbm>>
      %dma_start3A_548 = tpu.memref_squeeze %dma_start3A_547 : memref<1x632x128xf32, #tpu.memory_space<hbm>> -> memref<632x128xf32, #tpu.memory_space<hbm>>
      %dma_start3A_549 = arith.constant 0 : i32
      %dma_start3A_550 = tpu.memref_slice %arg23[%mul3A_536, %dma_start3A_549] : memref<10112x128xf32, #tpu.memory_space<vmem_shared>> -> memref<632x128xf32, #tpu.memory_space<vmem_shared>>
      tpu.enqueue_dma source(%dma_start3A_550 : memref<632x128xf32, #tpu.memory_space<vmem_shared>>) target(%dma_start3A_548 : memref<632x128xf32, #tpu.memory_space<hbm>>) target_semaphore(%run_scoped3A : memref<!tpu.dma_semaphore, #tpu.memory_space<semaphore_mem>>)
      %dma_wait3A_551 = arith.constant 0 : i32
      %dma_wait3A_552 = tpu.memref_slice %arg6[%arg0, %mul3A_538, %dma_wait3A_551] : memref<2x10112x128xf32, #tpu.memory_space<hbm>> -> memref<1x632x128xf32, #tpu.memory_space<hbm>>
      %dma_wait3A_553 = tpu.memref_squeeze %dma_wait3A_552 : memref<1x632x128xf32, #tpu.memory_space<hbm>> -> memref<632x128xf32, #tpu.memory_space<hbm>>
      %dma_wait3A_554 = arith.constant 0 : i32
      %dma_wait3A_555 = tpu.memref_slice %arg23[%mul3A_536, %dma_wait3A_554] : memref<10112x128xf32, #tpu.memory_space<vmem_shared>> -> memref<632x128xf32, #tpu.memory_space<vmem_shared>>
      tpu.wait_dma2 semaphore(%run_scoped3A : memref<!tpu.dma_semaphore, #tpu.memory_space<semaphore_mem>>) src(%dma_wait3A_555 : memref<632x128xf32, #tpu.memory_space<vmem_shared>>) dst(%dma_wait3A_553 : memref<632x128xf32, #tpu.memory_space<hbm>>)
      tpu.yield
    }) : () -> ()
    %mul3A_539 = arith.constant 632 : i32
    %mul3A_540 = arith.muli %arg1, %mul3A_539 : i32
    "tpu.region"() ({
      %run_scoped3A = tpu.sem_alloc : memref<!tpu.dma_semaphore, #tpu.memory_space<semaphore_mem>>
      %dma_start3A_546 = tpu.memref_slice %arg24[%mul3A_540] : memref<10112xf32, #tpu.memory_space<vmem_shared>> -> memref<632xf32, #tpu.memory_space<vmem_shared>>
      %dma_start3A_547 = tpu.memref_slice %arg24[%mul3A_540] : memref<10112xf32, #tpu.memory_space<vmem_shared>> -> memref<632xf32, #tpu.memory_space<vmem_shared>>
      tpu.enqueue_dma source(%dma_start3A_547 : memref<632xf32, #tpu.memory_space<vmem_shared>>) target(%arg22 : memref<632xf32, #tpu.memory_space<vmem>>) target_semaphore(%run_scoped3A : memref<!tpu.dma_semaphore, #tpu.memory_space<semaphore_mem>>)
      %dma_wait3A_548 = tpu.memref_slice %arg24[%mul3A_540] : memref<10112xf32, #tpu.memory_space<vmem_shared>> -> memref<632xf32, #tpu.memory_space<vmem_shared>>
      %dma_wait3A_549 = tpu.memref_slice %arg24[%mul3A_540] : memref<10112xf32, #tpu.memory_space<vmem_shared>> -> memref<632xf32, #tpu.memory_space<vmem_shared>>
      tpu.wait_dma2 semaphore(%run_scoped3A : memref<!tpu.dma_semaphore, #tpu.memory_space<semaphore_mem>>) src(%dma_wait3A_549 : memref<632xf32, #tpu.memory_space<vmem_shared>>) dst(%arg22 : memref<632xf32, #tpu.memory_space<vmem>>)
      tpu.yield
    }) : () -> ()
    %mul3A_541 = arith.constant 10112 : i32
    %mul3A_542 = arith.muli %arg0, %mul3A_541 : i32
    %mul3A_543 = arith.constant 632 : i32
    %mul3A_544 = arith.muli %arg1, %mul3A_543 : i32
    %add3A_545 = arith.addi %mul3A_542, %mul3A_544 : i32
    "tpu.region"() ({
      %run_scoped3A = tpu.sem_alloc : memref<!tpu.dma_semaphore, #tpu.memory_space<semaphore_mem>>
      %dma_start3A_546 = tpu.memref_slice %arg7[%add3A_545] : memref<20224xf32, #tpu.memory_space<hbm>> -> memref<632xf32, #tpu.memory_space<hbm>>
      %dma_start3A_547 = tpu.memref_slice %arg7[%add3A_545] : memref<20224xf32, #tpu.memory_space<hbm>> -> memref<632xf32, #tpu.memory_space<hbm>>
      tpu.enqueue_dma source(%arg22 : memref<632xf32, #tpu.memory_space<vmem>>) target(%dma_start3A_547 : memref<632xf32, #tpu.memory_space<hbm>>) target_semaphore(%run_scoped3A : memref<!tpu.dma_semaphore, #tpu.memory_space<semaphore_mem>>)
      %dma_wait3A_548 = tpu.memref_slice %arg7[%add3A_545] : memref<20224xf32, #tpu.memory_space<hbm>> -> memref<632xf32, #tpu.memory_space<hbm>>
      %dma_wait3A_549 = tpu.memref_slice %arg7[%add3A_545] : memref<20224xf32, #tpu.memory_space<hbm>> -> memref<632xf32, #tpu.memory_space<hbm>>
      tpu.wait_dma2 semaphore(%run_scoped3A : memref<!tpu.dma_semaphore, #tpu.memory_space<semaphore_mem>>) src(%arg22 : memref<632xf32, #tpu.memory_space<vmem>>) dst(%dma_wait3A_549 : memref<632xf32, #tpu.memory_space<hbm>>)
      tpu.yield
    }) : () -> ()
    return
  }
}

#map = affine_map<(d0, d1) -> (0, 0)>
#map1 = affine_map<(d0, d1) -> (0)>
#map2 = affine_map<(d0, d1) -> (0, 0, 0)>
module attributes {stable_mosaic.version = 14 : i64} {
  func.func @seg(%arg0: i32, %arg1: i32, %arg2: memref<10000x128xf32, #tpu.memory_space<hbm>>, %arg3: memref<320000xi32, #tpu.memory_space<hbm>>, %arg4: memref<320000xi32, #tpu.memory_space<hbm>>, %arg5: memref<632x128xf32, #tpu.memory_space<hbm>>, %arg6: memref<2x10112x128xf32, #tpu.memory_space<hbm>>, %arg7: memref<128xi32, #tpu.memory_space<vmem>>, %arg8: memref<128xi32, #tpu.memory_space<vmem>>, %arg9: memref<128xi32, #tpu.memory_space<vmem>>, %arg10: memref<128xi32, #tpu.memory_space<vmem>>, %arg11: memref<128xi32, #tpu.memory_space<vmem>>, %arg12: memref<128xi32, #tpu.memory_space<vmem>>, %arg13: memref<128xi32, #tpu.memory_space<vmem>>, %arg14: memref<128xi32, #tpu.memory_space<vmem>>, %arg15: memref<128x128xf32, #tpu.memory_space<vmem>>, %arg16: memref<128x128xf32, #tpu.memory_space<vmem>>, %arg17: memref<16xi32, #tpu.memory_space<vmem>>, %arg18: memref<16xi32, #tpu.memory_space<vmem>>, %arg19: memref<16x128xf32, #tpu.memory_space<vmem>>, %arg20: memref<128xf32, #tpu.memory_space<vmem>>, %arg21: memref<632xf32, #tpu.memory_space<vmem>>, %arg22: memref<10112x128xf32, #tpu.memory_space<vmem_shared>>, %arg23: memref<10112xf32, #tpu.memory_space<vmem_shared>>, %arg24: memref<!tpu.dma_semaphore, #tpu.memory_space<semaphore_mem>>, %arg25: memref<!tpu.dma_semaphore, #tpu.memory_space<semaphore_mem>>, %arg26: memref<!tpu.dma_semaphore, #tpu.memory_space<semaphore_mem>>, %arg27: memref<!tpu.dma_semaphore, #tpu.memory_space<semaphore_mem>>, %arg28: memref<!tpu.dma_semaphore, #tpu.memory_space<semaphore_mem>>, %arg29: memref<!tpu.dma_semaphore, #tpu.memory_space<semaphore_mem>>, %arg30: memref<!tpu.dma_semaphore, #tpu.memory_space<semaphore_mem>>, %arg31: memref<!tpu.dma_semaphore, #tpu.memory_space<semaphore_mem>>, %arg32: memref<!tpu.dma_semaphore, #tpu.memory_space<semaphore_mem>>) attributes {dimension_semantics = [#tpu.dimension_semantics<core_parallel>, #tpu.dimension_semantics<subcore_parallel>], iteration_bounds = array<i64: 2, 16>, scalar_prefetch = 0 : i64, scratch_operands = 26 : i64, tpu.core_type = #tpu.core_type<sc_vector_subcore>, window_params = [{transform_indices = #map}, {transform_indices = #map1}, {transform_indices = #map1}, {transform_indices = #map}, {transform_indices = #map2}]} {
    %mul3A = arith.constant 16 : i32
    %mul3A_0 = arith.muli %arg0, %mul3A : i32
    %add3A = arith.addi %mul3A_0, %arg1 : i32
    %mul3A_1 = arith.constant 10000 : i32
    %mul3A_2 = arith.muli %add3A, %mul3A_1 : i32
    %mul3A_3 = arith.constant 632 : i32
    %mul3A_4 = arith.muli %arg1, %mul3A_3 : i32
    "tpu.region"() ({
      %run_scoped3A = tpu.sem_alloc : memref<!tpu.dma_semaphore, #tpu.memory_space<semaphore_mem>>
      %dma_start3A_225 = arith.constant 0 : i32
      %dma_start3A_226 = tpu.memref_slice %arg22[%mul3A_4, %dma_start3A_225] : memref<10112x128xf32, #tpu.memory_space<vmem_shared>> -> memref<632x128xf32, #tpu.memory_space<vmem_shared>>
      tpu.enqueue_dma source(%arg5 : memref<632x128xf32, #tpu.memory_space<hbm>>) target(%dma_start3A_226 : memref<632x128xf32, #tpu.memory_space<vmem_shared>>) target_semaphore(%run_scoped3A : memref<!tpu.dma_semaphore, #tpu.memory_space<semaphore_mem>>)
      %dma_wait3A_227 = arith.constant 0 : i32
      %dma_wait3A_228 = tpu.memref_slice %arg22[%mul3A_4, %dma_wait3A_227] : memref<10112x128xf32, #tpu.memory_space<vmem_shared>> -> memref<632x128xf32, #tpu.memory_space<vmem_shared>>
      tpu.wait_dma2 semaphore(%run_scoped3A : memref<!tpu.dma_semaphore, #tpu.memory_space<semaphore_mem>>) src(%arg5 : memref<632x128xf32, #tpu.memory_space<hbm>>) dst(%dma_wait3A_228 : memref<632x128xf32, #tpu.memory_space<vmem_shared>>)
      tpu.yield
    }) : () -> ()
    %barrier3A = arith.constant 0 : index
    tpu.barrier barrier_id(%barrier3A)
    %add3A_5 = arith.constant 9984 : i32
    %add3A_6 = arith.addi %mul3A_2, %add3A_5 : i32
    %multiple_of3A = tpu.assume_multiple %add3A_6, 16 : i32
    "tpu.region"() ({
      %run_scoped3A = tpu.sem_alloc : memref<!tpu.dma_semaphore, #tpu.memory_space<semaphore_mem>>
      %dma_start3A_225 = tpu.memref_slice %arg3[%multiple_of3A] : memref<320000xi32, #tpu.memory_space<hbm>> -> memref<16xi32, #tpu.memory_space<hbm>>
      %dma_start3A_226 = tpu.memref_slice %arg3[%multiple_of3A] : memref<320000xi32, #tpu.memory_space<hbm>> -> memref<16xi32, #tpu.memory_space<hbm>>
      tpu.enqueue_dma source(%dma_start3A_226 : memref<16xi32, #tpu.memory_space<hbm>>) target(%arg17 : memref<16xi32, #tpu.memory_space<vmem>>) target_semaphore(%run_scoped3A : memref<!tpu.dma_semaphore, #tpu.memory_space<semaphore_mem>>)
      %dma_wait3A_227 = tpu.memref_slice %arg3[%multiple_of3A] : memref<320000xi32, #tpu.memory_space<hbm>> -> memref<16xi32, #tpu.memory_space<hbm>>
      %dma_wait3A_228 = tpu.memref_slice %arg3[%multiple_of3A] : memref<320000xi32, #tpu.memory_space<hbm>> -> memref<16xi32, #tpu.memory_space<hbm>>
      tpu.wait_dma2 semaphore(%run_scoped3A : memref<!tpu.dma_semaphore, #tpu.memory_space<semaphore_mem>>) src(%dma_wait3A_228 : memref<16xi32, #tpu.memory_space<hbm>>) dst(%arg17 : memref<16xi32, #tpu.memory_space<vmem>>)
      tpu.yield
    }) : () -> ()
    "tpu.region"() ({
      %run_scoped3A = tpu.sem_alloc : memref<!tpu.dma_semaphore, #tpu.memory_space<semaphore_mem>>
      %dma_start3A_225 = tpu.memref_slice %arg4[%multiple_of3A] : memref<320000xi32, #tpu.memory_space<hbm>> -> memref<16xi32, #tpu.memory_space<hbm>>
      %dma_start3A_226 = tpu.memref_slice %arg4[%multiple_of3A] : memref<320000xi32, #tpu.memory_space<hbm>> -> memref<16xi32, #tpu.memory_space<hbm>>
      tpu.enqueue_dma source(%dma_start3A_226 : memref<16xi32, #tpu.memory_space<hbm>>) target(%arg18 : memref<16xi32, #tpu.memory_space<vmem>>) target_semaphore(%run_scoped3A : memref<!tpu.dma_semaphore, #tpu.memory_space<semaphore_mem>>)
      %dma_wait3A_227 = tpu.memref_slice %arg4[%multiple_of3A] : memref<320000xi32, #tpu.memory_space<hbm>> -> memref<16xi32, #tpu.memory_space<hbm>>
      %dma_wait3A_228 = tpu.memref_slice %arg4[%multiple_of3A] : memref<320000xi32, #tpu.memory_space<hbm>> -> memref<16xi32, #tpu.memory_space<hbm>>
      tpu.wait_dma2 semaphore(%run_scoped3A : memref<!tpu.dma_semaphore, #tpu.memory_space<semaphore_mem>>) src(%dma_wait3A_228 : memref<16xi32, #tpu.memory_space<hbm>>) dst(%arg18 : memref<16xi32, #tpu.memory_space<vmem>>)
      tpu.yield
    }) : () -> ()
    %dma_start3A = arith.constant 0 : i32
    %dma_start3A_7 = arith.constant 0 : i32
    %dma_start3A_8 = tpu.memref_slice %arg2[%dma_start3A, %dma_start3A_7] : memref<10000x128xf32, #tpu.memory_space<hbm>> -> memref<10000x128xf32, #tpu.memory_space<hbm>>
    tpu.enqueue_indirect_dma source(%dma_start3A_8 : memref<10000x128xf32, #tpu.memory_space<hbm>>) target(%arg19 : memref<16x128xf32, #tpu.memory_space<vmem>>) offsets(%arg17 : memref<16xi32, #tpu.memory_space<vmem>>) semaphore(%arg24 : memref<!tpu.dma_semaphore, #tpu.memory_space<semaphore_mem>>)
    %dma_wait3A = arith.constant 0 : i32
    %dma_wait3A_9 = arith.constant 0 : i32
    %dma_wait3A_10 = tpu.memref_slice %arg2[%dma_wait3A, %dma_wait3A_9] : memref<10000x128xf32, #tpu.memory_space<hbm>> -> memref<10000x128xf32, #tpu.memory_space<hbm>>
    tpu.wait_indirect_dma semaphore(%arg24 : memref<!tpu.dma_semaphore, #tpu.memory_space<semaphore_mem>>) src(%dma_wait3A_10 : memref<10000x128xf32, #tpu.memory_space<hbm>>) dst(%arg19 : memref<16x128xf32, #tpu.memory_space<vmem>>)
    %dma_start3A_11 = arith.constant 0 : i32
    %dma_start3A_12 = arith.constant 0 : i32
    %dma_start3A_13 = tpu.memref_slice %arg22[%dma_start3A_11, %dma_start3A_12] : memref<10112x128xf32, #tpu.memory_space<vmem_shared>> -> memref<10112x128xf32, #tpu.memory_space<vmem_shared>>
    tpu.enqueue_indirect_dma source(%arg19 : memref<16x128xf32, #tpu.memory_space<vmem>>) target(%dma_start3A_13 : memref<10112x128xf32, #tpu.memory_space<vmem_shared>>) offsets(%arg18 : memref<16xi32, #tpu.memory_space<vmem>>) semaphore(%arg26 : memref<!tpu.dma_semaphore, #tpu.memory_space<semaphore_mem>>) {add = true}
    %dma_wait3A_14 = arith.constant 0 : i32
    %dma_wait3A_15 = arith.constant 0 : i32
    %dma_wait3A_16 = tpu.memref_slice %arg22[%dma_wait3A_14, %dma_wait3A_15] : memref<10112x128xf32, #tpu.memory_space<vmem_shared>> -> memref<10112x128xf32, #tpu.memory_space<vmem_shared>>
    tpu.wait_indirect_dma semaphore(%arg26 : memref<!tpu.dma_semaphore, #tpu.memory_space<semaphore_mem>>) src(%arg19 : memref<16x128xf32, #tpu.memory_space<vmem>>) dst(%dma_wait3A_16 : memref<10112x128xf32, #tpu.memory_space<vmem_shared>>)
    %add3A_17 = arith.constant 0 : i32
    %add3A_18 = arith.addi %mul3A_2, %add3A_17 : i32
    %multiple_of3A_19 = tpu.assume_multiple %add3A_18, 16 : i32
    %dma_start3A_20 = tpu.memref_slice %arg3[%multiple_of3A_19] : memref<320000xi32, #tpu.memory_space<hbm>> -> memref<128xi32, #tpu.memory_space<hbm>>
    %dma_start3A_21 = tpu.memref_slice %arg3[%multiple_of3A_19] : memref<320000xi32, #tpu.memory_space<hbm>> -> memref<128xi32, #tpu.memory_space<hbm>>
    tpu.enqueue_dma source(%dma_start3A_21 : memref<128xi32, #tpu.memory_space<hbm>>) target(%arg7 : memref<128xi32, #tpu.memory_space<vmem>>) target_semaphore(%arg28 : memref<!tpu.dma_semaphore, #tpu.memory_space<semaphore_mem>>)
    %dma_start3A_22 = tpu.memref_slice %arg4[%multiple_of3A_19] : memref<320000xi32, #tpu.memory_space<hbm>> -> memref<128xi32, #tpu.memory_space<hbm>>
    %dma_start3A_23 = tpu.memref_slice %arg4[%multiple_of3A_19] : memref<320000xi32, #tpu.memory_space<hbm>> -> memref<128xi32, #tpu.memory_space<hbm>>
    tpu.enqueue_dma source(%dma_start3A_23 : memref<128xi32, #tpu.memory_space<hbm>>) target(%arg11 : memref<128xi32, #tpu.memory_space<vmem>>) target_semaphore(%arg28 : memref<!tpu.dma_semaphore, #tpu.memory_space<semaphore_mem>>)
    %add3A_24 = arith.constant 128 : i32
    %add3A_25 = arith.addi %mul3A_2, %add3A_24 : i32
    %multiple_of3A_26 = tpu.assume_multiple %add3A_25, 16 : i32
    %dma_start3A_27 = tpu.memref_slice %arg3[%multiple_of3A_26] : memref<320000xi32, #tpu.memory_space<hbm>> -> memref<128xi32, #tpu.memory_space<hbm>>
    %dma_start3A_28 = tpu.memref_slice %arg3[%multiple_of3A_26] : memref<320000xi32, #tpu.memory_space<hbm>> -> memref<128xi32, #tpu.memory_space<hbm>>
    tpu.enqueue_dma source(%dma_start3A_28 : memref<128xi32, #tpu.memory_space<hbm>>) target(%arg8 : memref<128xi32, #tpu.memory_space<vmem>>) target_semaphore(%arg29 : memref<!tpu.dma_semaphore, #tpu.memory_space<semaphore_mem>>)
    %dma_start3A_29 = tpu.memref_slice %arg4[%multiple_of3A_26] : memref<320000xi32, #tpu.memory_space<hbm>> -> memref<128xi32, #tpu.memory_space<hbm>>
    %dma_start3A_30 = tpu.memref_slice %arg4[%multiple_of3A_26] : memref<320000xi32, #tpu.memory_space<hbm>> -> memref<128xi32, #tpu.memory_space<hbm>>
    tpu.enqueue_dma source(%dma_start3A_30 : memref<128xi32, #tpu.memory_space<hbm>>) target(%arg12 : memref<128xi32, #tpu.memory_space<vmem>>) target_semaphore(%arg29 : memref<!tpu.dma_semaphore, #tpu.memory_space<semaphore_mem>>)
    %add3A_31 = arith.constant 256 : i32
    %add3A_32 = arith.addi %mul3A_2, %add3A_31 : i32
    %multiple_of3A_33 = tpu.assume_multiple %add3A_32, 16 : i32
    %dma_start3A_34 = tpu.memref_slice %arg3[%multiple_of3A_33] : memref<320000xi32, #tpu.memory_space<hbm>> -> memref<128xi32, #tpu.memory_space<hbm>>
    %dma_start3A_35 = tpu.memref_slice %arg3[%multiple_of3A_33] : memref<320000xi32, #tpu.memory_space<hbm>> -> memref<128xi32, #tpu.memory_space<hbm>>
    tpu.enqueue_dma source(%dma_start3A_35 : memref<128xi32, #tpu.memory_space<hbm>>) target(%arg9 : memref<128xi32, #tpu.memory_space<vmem>>) target_semaphore(%arg30 : memref<!tpu.dma_semaphore, #tpu.memory_space<semaphore_mem>>)
    %dma_start3A_36 = tpu.memref_slice %arg4[%multiple_of3A_33] : memref<320000xi32, #tpu.memory_space<hbm>> -> memref<128xi32, #tpu.memory_space<hbm>>
    %dma_start3A_37 = tpu.memref_slice %arg4[%multiple_of3A_33] : memref<320000xi32, #tpu.memory_space<hbm>> -> memref<128xi32, #tpu.memory_space<hbm>>
    tpu.enqueue_dma source(%dma_start3A_37 : memref<128xi32, #tpu.memory_space<hbm>>) target(%arg13 : memref<128xi32, #tpu.memory_space<vmem>>) target_semaphore(%arg30 : memref<!tpu.dma_semaphore, #tpu.memory_space<semaphore_mem>>)
    %dma_wait3A_38 = arith.constant 0 : i32
    %dma_wait3A_39 = tpu.memref_slice %arg3[%dma_wait3A_38] : memref<320000xi32, #tpu.memory_space<hbm>> -> memref<128xi32, #tpu.memory_space<hbm>>
    %dma_wait3A_40 = arith.constant 0 : i32
    %dma_wait3A_41 = tpu.memref_slice %arg3[%dma_wait3A_40] : memref<320000xi32, #tpu.memory_space<hbm>> -> memref<128xi32, #tpu.memory_space<hbm>>
    tpu.wait_dma2 semaphore(%arg28 : memref<!tpu.dma_semaphore, #tpu.memory_space<semaphore_mem>>) src(%dma_wait3A_41 : memref<128xi32, #tpu.memory_space<hbm>>) dst(%arg7 : memref<128xi32, #tpu.memory_space<vmem>>)
    %dma_wait3A_42 = arith.constant 0 : i32
    %dma_wait3A_43 = tpu.memref_slice %arg4[%dma_wait3A_42] : memref<320000xi32, #tpu.memory_space<hbm>> -> memref<128xi32, #tpu.memory_space<hbm>>
    %dma_wait3A_44 = arith.constant 0 : i32
    %dma_wait3A_45 = tpu.memref_slice %arg4[%dma_wait3A_44] : memref<320000xi32, #tpu.memory_space<hbm>> -> memref<128xi32, #tpu.memory_space<hbm>>
    tpu.wait_dma2 semaphore(%arg28 : memref<!tpu.dma_semaphore, #tpu.memory_space<semaphore_mem>>) src(%dma_wait3A_45 : memref<128xi32, #tpu.memory_space<hbm>>) dst(%arg11 : memref<128xi32, #tpu.memory_space<vmem>>)
    %dma_start3A_46 = arith.constant 0 : i32
    %dma_start3A_47 = arith.constant 0 : i32
    %dma_start3A_48 = tpu.memref_slice %arg2[%dma_start3A_46, %dma_start3A_47] : memref<10000x128xf32, #tpu.memory_space<hbm>> -> memref<10000x128xf32, #tpu.memory_space<hbm>>
    tpu.enqueue_indirect_dma source(%dma_start3A_48 : memref<10000x128xf32, #tpu.memory_space<hbm>>) target(%arg15 : memref<128x128xf32, #tpu.memory_space<vmem>>) offsets(%arg7 : memref<128xi32, #tpu.memory_space<vmem>>) semaphore(%arg24 : memref<!tpu.dma_semaphore, #tpu.memory_space<semaphore_mem>>)
    %dma_wait3A_49 = arith.constant 0 : i32
    %dma_wait3A_50 = arith.constant 0 : i32
    %dma_wait3A_51 = tpu.memref_slice %arg2[%dma_wait3A_49, %dma_wait3A_50] : memref<10000x128xf32, #tpu.memory_space<hbm>> -> memref<128x128xf32, #tpu.memory_space<hbm>>
    %dma_wait3A_52 = arith.constant 0 : i32
    %dma_wait3A_53 = arith.constant 0 : i32
    %dma_wait3A_54 = tpu.memref_slice %arg2[%dma_wait3A_52, %dma_wait3A_53] : memref<10000x128xf32, #tpu.memory_space<hbm>> -> memref<128x128xf32, #tpu.memory_space<hbm>>
    tpu.wait_dma2 semaphore(%arg24 : memref<!tpu.dma_semaphore, #tpu.memory_space<semaphore_mem>>) src(%dma_wait3A_54 : memref<128x128xf32, #tpu.memory_space<hbm>>) dst(%arg15 : memref<128x128xf32, #tpu.memory_space<vmem>>)
    %dma_start3A_55 = arith.constant 0 : i32
    %dma_start3A_56 = arith.constant 0 : i32
    %dma_start3A_57 = tpu.memref_slice %arg22[%dma_start3A_55, %dma_start3A_56] : memref<10112x128xf32, #tpu.memory_space<vmem_shared>> -> memref<10112x128xf32, #tpu.memory_space<vmem_shared>>
    tpu.enqueue_indirect_dma source(%arg15 : memref<128x128xf32, #tpu.memory_space<vmem>>) target(%dma_start3A_57 : memref<10112x128xf32, #tpu.memory_space<vmem_shared>>) offsets(%arg11 : memref<128xi32, #tpu.memory_space<vmem>>) semaphore(%arg26 : memref<!tpu.dma_semaphore, #tpu.memory_space<semaphore_mem>>) {add = true}
    %dma_wait3A_58 = arith.constant 0 : i32
    %dma_wait3A_59 = tpu.memref_slice %arg3[%dma_wait3A_58] : memref<320000xi32, #tpu.memory_space<hbm>> -> memref<128xi32, #tpu.memory_space<hbm>>
    %dma_wait3A_60 = arith.constant 0 : i32
    %dma_wait3A_61 = tpu.memref_slice %arg3[%dma_wait3A_60] : memref<320000xi32, #tpu.memory_space<hbm>> -> memref<128xi32, #tpu.memory_space<hbm>>
    tpu.wait_dma2 semaphore(%arg29 : memref<!tpu.dma_semaphore, #tpu.memory_space<semaphore_mem>>) src(%dma_wait3A_61 : memref<128xi32, #tpu.memory_space<hbm>>) dst(%arg8 : memref<128xi32, #tpu.memory_space<vmem>>)
    %dma_wait3A_62 = arith.constant 0 : i32
    %dma_wait3A_63 = tpu.memref_slice %arg4[%dma_wait3A_62] : memref<320000xi32, #tpu.memory_space<hbm>> -> memref<128xi32, #tpu.memory_space<hbm>>
    %dma_wait3A_64 = arith.constant 0 : i32
    %dma_wait3A_65 = tpu.memref_slice %arg4[%dma_wait3A_64] : memref<320000xi32, #tpu.memory_space<hbm>> -> memref<128xi32, #tpu.memory_space<hbm>>
    tpu.wait_dma2 semaphore(%arg29 : memref<!tpu.dma_semaphore, #tpu.memory_space<semaphore_mem>>) src(%dma_wait3A_65 : memref<128xi32, #tpu.memory_space<hbm>>) dst(%arg12 : memref<128xi32, #tpu.memory_space<vmem>>)
    %dma_start3A_66 = arith.constant 0 : i32
    %dma_start3A_67 = arith.constant 0 : i32
    %dma_start3A_68 = tpu.memref_slice %arg2[%dma_start3A_66, %dma_start3A_67] : memref<10000x128xf32, #tpu.memory_space<hbm>> -> memref<10000x128xf32, #tpu.memory_space<hbm>>
    tpu.enqueue_indirect_dma source(%dma_start3A_68 : memref<10000x128xf32, #tpu.memory_space<hbm>>) target(%arg16 : memref<128x128xf32, #tpu.memory_space<vmem>>) offsets(%arg8 : memref<128xi32, #tpu.memory_space<vmem>>) semaphore(%arg25 : memref<!tpu.dma_semaphore, #tpu.memory_space<semaphore_mem>>)
    %add3A_69 = arith.constant 384 : i32
    %add3A_70 = arith.addi %mul3A_2, %add3A_69 : i32
    %multiple_of3A_71 = tpu.assume_multiple %add3A_70, 16 : i32
    %dma_start3A_72 = tpu.memref_slice %arg3[%multiple_of3A_71] : memref<320000xi32, #tpu.memory_space<hbm>> -> memref<128xi32, #tpu.memory_space<hbm>>
    %dma_start3A_73 = tpu.memref_slice %arg3[%multiple_of3A_71] : memref<320000xi32, #tpu.memory_space<hbm>> -> memref<128xi32, #tpu.memory_space<hbm>>
    tpu.enqueue_dma source(%dma_start3A_73 : memref<128xi32, #tpu.memory_space<hbm>>) target(%arg10 : memref<128xi32, #tpu.memory_space<vmem>>) target_semaphore(%arg31 : memref<!tpu.dma_semaphore, #tpu.memory_space<semaphore_mem>>)
    %dma_start3A_74 = tpu.memref_slice %arg4[%multiple_of3A_71] : memref<320000xi32, #tpu.memory_space<hbm>> -> memref<128xi32, #tpu.memory_space<hbm>>
    %dma_start3A_75 = tpu.memref_slice %arg4[%multiple_of3A_71] : memref<320000xi32, #tpu.memory_space<hbm>> -> memref<128xi32, #tpu.memory_space<hbm>>
    tpu.enqueue_dma source(%dma_start3A_75 : memref<128xi32, #tpu.memory_space<hbm>>) target(%arg14 : memref<128xi32, #tpu.memory_space<vmem>>) target_semaphore(%arg31 : memref<!tpu.dma_semaphore, #tpu.memory_space<semaphore_mem>>)
    %dma_wait3A_76 = arith.constant 0 : i32
    %dma_wait3A_77 = arith.constant 0 : i32
    %dma_wait3A_78 = tpu.memref_slice %arg2[%dma_wait3A_76, %dma_wait3A_77] : memref<10000x128xf32, #tpu.memory_space<hbm>> -> memref<128x128xf32, #tpu.memory_space<hbm>>
    %dma_wait3A_79 = arith.constant 0 : i32
    %dma_wait3A_80 = arith.constant 0 : i32
    %dma_wait3A_81 = tpu.memref_slice %arg2[%dma_wait3A_79, %dma_wait3A_80] : memref<10000x128xf32, #tpu.memory_space<hbm>> -> memref<128x128xf32, #tpu.memory_space<hbm>>
    tpu.wait_dma2 semaphore(%arg25 : memref<!tpu.dma_semaphore, #tpu.memory_space<semaphore_mem>>) src(%dma_wait3A_81 : memref<128x128xf32, #tpu.memory_space<hbm>>) dst(%arg16 : memref<128x128xf32, #tpu.memory_space<vmem>>)
    %dma_start3A_82 = arith.constant 0 : i32
    %dma_start3A_83 = arith.constant 0 : i32
    %dma_start3A_84 = tpu.memref_slice %arg22[%dma_start3A_82, %dma_start3A_83] : memref<10112x128xf32, #tpu.memory_space<vmem_shared>> -> memref<10112x128xf32, #tpu.memory_space<vmem_shared>>
    tpu.enqueue_indirect_dma source(%arg16 : memref<128x128xf32, #tpu.memory_space<vmem>>) target(%dma_start3A_84 : memref<10112x128xf32, #tpu.memory_space<vmem_shared>>) offsets(%arg12 : memref<128xi32, #tpu.memory_space<vmem>>) semaphore(%arg27 : memref<!tpu.dma_semaphore, #tpu.memory_space<semaphore_mem>>) {add = true}
    %dma_wait3A_85 = arith.constant 0 : i32
    %dma_wait3A_86 = arith.constant 0 : i32
    %dma_wait3A_87 = tpu.memref_slice %arg22[%dma_wait3A_85, %dma_wait3A_86] : memref<10112x128xf32, #tpu.memory_space<vmem_shared>> -> memref<128x128xf32, #tpu.memory_space<vmem_shared>>
    %dma_wait3A_88 = arith.constant 0 : i32
    %dma_wait3A_89 = arith.constant 0 : i32
    %dma_wait3A_90 = tpu.memref_slice %arg22[%dma_wait3A_88, %dma_wait3A_89] : memref<10112x128xf32, #tpu.memory_space<vmem_shared>> -> memref<128x128xf32, #tpu.memory_space<vmem_shared>>
    tpu.wait_dma2 semaphore(%arg26 : memref<!tpu.dma_semaphore, #tpu.memory_space<semaphore_mem>>) src(%arg15 : memref<128x128xf32, #tpu.memory_space<vmem>>) dst(%dma_wait3A_90 : memref<128x128xf32, #tpu.memory_space<vmem_shared>>)
    %dma_wait3A_91 = arith.constant 0 : i32
    %dma_wait3A_92 = tpu.memref_slice %arg3[%dma_wait3A_91] : memref<320000xi32, #tpu.memory_space<hbm>> -> memref<128xi32, #tpu.memory_space<hbm>>
    %dma_wait3A_93 = arith.constant 0 : i32
    %dma_wait3A_94 = tpu.memref_slice %arg3[%dma_wait3A_93] : memref<320000xi32, #tpu.memory_space<hbm>> -> memref<128xi32, #tpu.memory_space<hbm>>
    tpu.wait_dma2 semaphore(%arg30 : memref<!tpu.dma_semaphore, #tpu.memory_space<semaphore_mem>>) src(%dma_wait3A_94 : memref<128xi32, #tpu.memory_space<hbm>>) dst(%arg9 : memref<128xi32, #tpu.memory_space<vmem>>)
    %dma_wait3A_95 = arith.constant 0 : i32
    %dma_wait3A_96 = tpu.memref_slice %arg4[%dma_wait3A_95] : memref<320000xi32, #tpu.memory_space<hbm>> -> memref<128xi32, #tpu.memory_space<hbm>>
    %dma_wait3A_97 = arith.constant 0 : i32
    %dma_wait3A_98 = tpu.memref_slice %arg4[%dma_wait3A_97] : memref<320000xi32, #tpu.memory_space<hbm>> -> memref<128xi32, #tpu.memory_space<hbm>>
    tpu.wait_dma2 semaphore(%arg30 : memref<!tpu.dma_semaphore, #tpu.memory_space<semaphore_mem>>) src(%dma_wait3A_98 : memref<128xi32, #tpu.memory_space<hbm>>) dst(%arg13 : memref<128xi32, #tpu.memory_space<vmem>>)
    %dma_start3A_99 = arith.constant 0 : i32
    %dma_start3A_100 = arith.constant 0 : i32
    %dma_start3A_101 = tpu.memref_slice %arg2[%dma_start3A_99, %dma_start3A_100] : memref<10000x128xf32, #tpu.memory_space<hbm>> -> memref<10000x128xf32, #tpu.memory_space<hbm>>
    tpu.enqueue_indirect_dma source(%dma_start3A_101 : memref<10000x128xf32, #tpu.memory_space<hbm>>) target(%arg15 : memref<128x128xf32, #tpu.memory_space<vmem>>) offsets(%arg9 : memref<128xi32, #tpu.memory_space<vmem>>) semaphore(%arg24 : memref<!tpu.dma_semaphore, #tpu.memory_space<semaphore_mem>>)
    %add3A_102 = arith.constant 512 : i32
    %add3A_103 = arith.addi %mul3A_2, %add3A_102 : i32
    %multiple_of3A_104 = tpu.assume_multiple %add3A_103, 16 : i32
    %dma_start3A_105 = tpu.memref_slice %arg3[%multiple_of3A_104] : memref<320000xi32, #tpu.memory_space<hbm>> -> memref<128xi32, #tpu.memory_space<hbm>>
    %dma_start3A_106 = tpu.memref_slice %arg3[%multiple_of3A_104] : memref<320000xi32, #tpu.memory_space<hbm>> -> memref<128xi32, #tpu.memory_space<hbm>>
    tpu.enqueue_dma source(%dma_start3A_106 : memref<128xi32, #tpu.memory_space<hbm>>) target(%arg7 : memref<128xi32, #tpu.memory_space<vmem>>) target_semaphore(%arg28 : memref<!tpu.dma_semaphore, #tpu.memory_space<semaphore_mem>>)
    %dma_start3A_107 = tpu.memref_slice %arg4[%multiple_of3A_104] : memref<320000xi32, #tpu.memory_space<hbm>> -> memref<128xi32, #tpu.memory_space<hbm>>
    %dma_start3A_108 = tpu.memref_slice %arg4[%multiple_of3A_104] : memref<320000xi32, #tpu.memory_space<hbm>> -> memref<128xi32, #tpu.memory_space<hbm>>
    tpu.enqueue_dma source(%dma_start3A_108 : memref<128xi32, #tpu.memory_space<hbm>>) target(%arg11 : memref<128xi32, #tpu.memory_space<vmem>>) target_semaphore(%arg28 : memref<!tpu.dma_semaphore, #tpu.memory_space<semaphore_mem>>)
    %scan3A = arith.constant 0 : i32
    %scan3A_109 = arith.constant 0 : i32
    %scan3A_110 = arith.constant 18 : i32
    %scan3A_111 = arith.addi %scan3A_109, %scan3A_110 : i32
    %scan3A_112 = arith.constant 1 : i32
    scf.for %scan3A_225 = %scan3A_109 to %scan3A_111 step %scan3A_112  : i32 {
      %mul3A_226 = arith.constant 4 : i32
      %mul3A_227 = arith.muli %mul3A_226, %scan3A_225 : i32
      %add3A_228 = arith.constant 2 : i32
      %add3A_229 = arith.addi %mul3A_227, %add3A_228 : i32
      %add3A_230 = arith.constant 0 : i32
      %add3A_231 = arith.addi %add3A_229, %add3A_230 : i32
      %dma_wait3A_232 = arith.constant 0 : i32
      %dma_wait3A_233 = arith.constant 0 : i32
      %dma_wait3A_234 = tpu.memref_slice %arg2[%dma_wait3A_232, %dma_wait3A_233] : memref<10000x128xf32, #tpu.memory_space<hbm>> -> memref<128x128xf32, #tpu.memory_space<hbm>>
      %dma_wait3A_235 = arith.constant 0 : i32
      %dma_wait3A_236 = arith.constant 0 : i32
      %dma_wait3A_237 = tpu.memref_slice %arg2[%dma_wait3A_235, %dma_wait3A_236] : memref<10000x128xf32, #tpu.memory_space<hbm>> -> memref<128x128xf32, #tpu.memory_space<hbm>>
      tpu.wait_dma2 semaphore(%arg24 : memref<!tpu.dma_semaphore, #tpu.memory_space<semaphore_mem>>) src(%dma_wait3A_237 : memref<128x128xf32, #tpu.memory_space<hbm>>) dst(%arg15 : memref<128x128xf32, #tpu.memory_space<vmem>>)
      %dma_start3A_238 = arith.constant 0 : i32
      %dma_start3A_239 = arith.constant 0 : i32
      %dma_start3A_240 = tpu.memref_slice %arg22[%dma_start3A_238, %dma_start3A_239] : memref<10112x128xf32, #tpu.memory_space<vmem_shared>> -> memref<10112x128xf32, #tpu.memory_space<vmem_shared>>
      tpu.enqueue_indirect_dma source(%arg15 : memref<128x128xf32, #tpu.memory_space<vmem>>) target(%dma_start3A_240 : memref<10112x128xf32, #tpu.memory_space<vmem_shared>>) offsets(%arg13 : memref<128xi32, #tpu.memory_space<vmem>>) semaphore(%arg26 : memref<!tpu.dma_semaphore, #tpu.memory_space<semaphore_mem>>) {add = true}
      %dma_wait3A_241 = arith.constant 0 : i32
      %dma_wait3A_242 = arith.constant 0 : i32
      %dma_wait3A_243 = tpu.memref_slice %arg22[%dma_wait3A_241, %dma_wait3A_242] : memref<10112x128xf32, #tpu.memory_space<vmem_shared>> -> memref<128x128xf32, #tpu.memory_space<vmem_shared>>
      %dma_wait3A_244 = arith.constant 0 : i32
      %dma_wait3A_245 = arith.constant 0 : i32
      %dma_wait3A_246 = tpu.memref_slice %arg22[%dma_wait3A_244, %dma_wait3A_245] : memref<10112x128xf32, #tpu.memory_space<vmem_shared>> -> memref<128x128xf32, #tpu.memory_space<vmem_shared>>
      tpu.wait_dma2 semaphore(%arg27 : memref<!tpu.dma_semaphore, #tpu.memory_space<semaphore_mem>>) src(%arg16 : memref<128x128xf32, #tpu.memory_space<vmem>>) dst(%dma_wait3A_246 : memref<128x128xf32, #tpu.memory_space<vmem_shared>>)
      %dma_wait3A_247 = arith.constant 0 : i32
      %dma_wait3A_248 = tpu.memref_slice %arg3[%dma_wait3A_247] : memref<320000xi32, #tpu.memory_space<hbm>> -> memref<128xi32, #tpu.memory_space<hbm>>
      %dma_wait3A_249 = arith.constant 0 : i32
      %dma_wait3A_250 = tpu.memref_slice %arg3[%dma_wait3A_249] : memref<320000xi32, #tpu.memory_space<hbm>> -> memref<128xi32, #tpu.memory_space<hbm>>
      tpu.wait_dma2 semaphore(%arg31 : memref<!tpu.dma_semaphore, #tpu.memory_space<semaphore_mem>>) src(%dma_wait3A_250 : memref<128xi32, #tpu.memory_space<hbm>>) dst(%arg10 : memref<128xi32, #tpu.memory_space<vmem>>)
      %dma_wait3A_251 = arith.constant 0 : i32
      %dma_wait3A_252 = tpu.memref_slice %arg4[%dma_wait3A_251] : memref<320000xi32, #tpu.memory_space<hbm>> -> memref<128xi32, #tpu.memory_space<hbm>>
      %dma_wait3A_253 = arith.constant 0 : i32
      %dma_wait3A_254 = tpu.memref_slice %arg4[%dma_wait3A_253] : memref<320000xi32, #tpu.memory_space<hbm>> -> memref<128xi32, #tpu.memory_space<hbm>>
      tpu.wait_dma2 semaphore(%arg31 : memref<!tpu.dma_semaphore, #tpu.memory_space<semaphore_mem>>) src(%dma_wait3A_254 : memref<128xi32, #tpu.memory_space<hbm>>) dst(%arg14 : memref<128xi32, #tpu.memory_space<vmem>>)
      %dma_start3A_255 = arith.constant 0 : i32
      %dma_start3A_256 = arith.constant 0 : i32
      %dma_start3A_257 = tpu.memref_slice %arg2[%dma_start3A_255, %dma_start3A_256] : memref<10000x128xf32, #tpu.memory_space<hbm>> -> memref<10000x128xf32, #tpu.memory_space<hbm>>
      tpu.enqueue_indirect_dma source(%dma_start3A_257 : memref<10000x128xf32, #tpu.memory_space<hbm>>) target(%arg16 : memref<128x128xf32, #tpu.memory_space<vmem>>) offsets(%arg10 : memref<128xi32, #tpu.memory_space<vmem>>) semaphore(%arg25 : memref<!tpu.dma_semaphore, #tpu.memory_space<semaphore_mem>>)
      %add3A_258 = arith.constant 3 : i32
      %add3A_259 = arith.addi %add3A_231, %add3A_258 : i32
      %mul3A_260 = arith.constant 128 : i32
      %mul3A_261 = arith.muli %add3A_259, %mul3A_260 : i32
      %add3A_262 = arith.addi %mul3A_2, %mul3A_261 : i32
      %multiple_of3A_263 = tpu.assume_multiple %add3A_262, 16 : i32
      %dma_start3A_264 = tpu.memref_slice %arg3[%multiple_of3A_263] : memref<320000xi32, #tpu.memory_space<hbm>> -> memref<128xi32, #tpu.memory_space<hbm>>
      %dma_start3A_265 = tpu.memref_slice %arg3[%multiple_of3A_263] : memref<320000xi32, #tpu.memory_space<hbm>> -> memref<128xi32, #tpu.memory_space<hbm>>
      tpu.enqueue_dma source(%dma_start3A_265 : memref<128xi32, #tpu.memory_space<hbm>>) target(%arg8 : memref<128xi32, #tpu.memory_space<vmem>>) target_semaphore(%arg29 : memref<!tpu.dma_semaphore, #tpu.memory_space<semaphore_mem>>)
      %dma_start3A_266 = tpu.memref_slice %arg4[%multiple_of3A_263] : memref<320000xi32, #tpu.memory_space<hbm>> -> memref<128xi32, #tpu.memory_space<hbm>>
      %dma_start3A_267 = tpu.memref_slice %arg4[%multiple_of3A_263] : memref<320000xi32, #tpu.memory_space<hbm>> -> memref<128xi32, #tpu.memory_space<hbm>>
      tpu.enqueue_dma source(%dma_start3A_267 : memref<128xi32, #tpu.memory_space<hbm>>) target(%arg12 : memref<128xi32, #tpu.memory_space<vmem>>) target_semaphore(%arg29 : memref<!tpu.dma_semaphore, #tpu.memory_space<semaphore_mem>>)
      %add3A_268 = arith.constant 1 : i32
      %add3A_269 = arith.addi %add3A_229, %add3A_268 : i32
      %dma_wait3A_270 = arith.constant 0 : i32
      %dma_wait3A_271 = arith.constant 0 : i32
      %dma_wait3A_272 = tpu.memref_slice %arg2[%dma_wait3A_270, %dma_wait3A_271] : memref<10000x128xf32, #tpu.memory_space<hbm>> -> memref<128x128xf32, #tpu.memory_space<hbm>>
      %dma_wait3A_273 = arith.constant 0 : i32
      %dma_wait3A_274 = arith.constant 0 : i32
      %dma_wait3A_275 = tpu.memref_slice %arg2[%dma_wait3A_273, %dma_wait3A_274] : memref<10000x128xf32, #tpu.memory_space<hbm>> -> memref<128x128xf32, #tpu.memory_space<hbm>>
      tpu.wait_dma2 semaphore(%arg25 : memref<!tpu.dma_semaphore, #tpu.memory_space<semaphore_mem>>) src(%dma_wait3A_275 : memref<128x128xf32, #tpu.memory_space<hbm>>) dst(%arg16 : memref<128x128xf32, #tpu.memory_space<vmem>>)
      %dma_start3A_276 = arith.constant 0 : i32
      %dma_start3A_277 = arith.constant 0 : i32
      %dma_start3A_278 = tpu.memref_slice %arg22[%dma_start3A_276, %dma_start3A_277] : memref<10112x128xf32, #tpu.memory_space<vmem_shared>> -> memref<10112x128xf32, #tpu.memory_space<vmem_shared>>
      tpu.enqueue_indirect_dma source(%arg16 : memref<128x128xf32, #tpu.memory_space<vmem>>) target(%dma_start3A_278 : memref<10112x128xf32, #tpu.memory_space<vmem_shared>>) offsets(%arg14 : memref<128xi32, #tpu.memory_space<vmem>>) semaphore(%arg27 : memref<!tpu.dma_semaphore, #tpu.memory_space<semaphore_mem>>) {add = true}
      %dma_wait3A_279 = arith.constant 0 : i32
      %dma_wait3A_280 = arith.constant 0 : i32
      %dma_wait3A_281 = tpu.memref_slice %arg22[%dma_wait3A_279, %dma_wait3A_280] : memref<10112x128xf32, #tpu.memory_space<vmem_shared>> -> memref<128x128xf32, #tpu.memory_space<vmem_shared>>
      %dma_wait3A_282 = arith.constant 0 : i32
      %dma_wait3A_283 = arith.constant 0 : i32
      %dma_wait3A_284 = tpu.memref_slice %arg22[%dma_wait3A_282, %dma_wait3A_283] : memref<10112x128xf32, #tpu.memory_space<vmem_shared>> -> memref<128x128xf32, #tpu.memory_space<vmem_shared>>
      tpu.wait_dma2 semaphore(%arg26 : memref<!tpu.dma_semaphore, #tpu.memory_space<semaphore_mem>>) src(%arg15 : memref<128x128xf32, #tpu.memory_space<vmem>>) dst(%dma_wait3A_284 : memref<128x128xf32, #tpu.memory_space<vmem_shared>>)
      %dma_wait3A_285 = arith.constant 0 : i32
      %dma_wait3A_286 = tpu.memref_slice %arg3[%dma_wait3A_285] : memref<320000xi32, #tpu.memory_space<hbm>> -> memref<128xi32, #tpu.memory_space<hbm>>
      %dma_wait3A_287 = arith.constant 0 : i32
      %dma_wait3A_288 = tpu.memref_slice %arg3[%dma_wait3A_287] : memref<320000xi32, #tpu.memory_space<hbm>> -> memref<128xi32, #tpu.memory_space<hbm>>
      tpu.wait_dma2 semaphore(%arg28 : memref<!tpu.dma_semaphore, #tpu.memory_space<semaphore_mem>>) src(%dma_wait3A_288 : memref<128xi32, #tpu.memory_space<hbm>>) dst(%arg7 : memref<128xi32, #tpu.memory_space<vmem>>)
      %dma_wait3A_289 = arith.constant 0 : i32
      %dma_wait3A_290 = tpu.memref_slice %arg4[%dma_wait3A_289] : memref<320000xi32, #tpu.memory_space<hbm>> -> memref<128xi32, #tpu.memory_space<hbm>>
      %dma_wait3A_291 = arith.constant 0 : i32
      %dma_wait3A_292 = tpu.memref_slice %arg4[%dma_wait3A_291] : memref<320000xi32, #tpu.memory_space<hbm>> -> memref<128xi32, #tpu.memory_space<hbm>>
      tpu.wait_dma2 semaphore(%arg28 : memref<!tpu.dma_semaphore, #tpu.memory_space<semaphore_mem>>) src(%dma_wait3A_292 : memref<128xi32, #tpu.memory_space<hbm>>) dst(%arg11 : memref<128xi32, #tpu.memory_space<vmem>>)
      %dma_start3A_293 = arith.constant 0 : i32
      %dma_start3A_294 = arith.constant 0 : i32
      %dma_start3A_295 = tpu.memref_slice %arg2[%dma_start3A_293, %dma_start3A_294] : memref<10000x128xf32, #tpu.memory_space<hbm>> -> memref<10000x128xf32, #tpu.memory_space<hbm>>
      tpu.enqueue_indirect_dma source(%dma_start3A_295 : memref<10000x128xf32, #tpu.memory_space<hbm>>) target(%arg15 : memref<128x128xf32, #tpu.memory_space<vmem>>) offsets(%arg7 : memref<128xi32, #tpu.memory_space<vmem>>) semaphore(%arg24 : memref<!tpu.dma_semaphore, #tpu.memory_space<semaphore_mem>>)
      %add3A_296 = arith.constant 3 : i32
      %add3A_297 = arith.addi %add3A_269, %add3A_296 : i32
      %mul3A_298 = arith.constant 128 : i32
      %mul3A_299 = arith.muli %add3A_297, %mul3A_298 : i32
      %add3A_300 = arith.addi %mul3A_2, %mul3A_299 : i32
      %multiple_of3A_301 = tpu.assume_multiple %add3A_300, 16 : i32
      %dma_start3A_302 = tpu.memref_slice %arg3[%multiple_of3A_301] : memref<320000xi32, #tpu.memory_space<hbm>> -> memref<128xi32, #tpu.memory_space<hbm>>
      %dma_start3A_303 = tpu.memref_slice %arg3[%multiple_of3A_301] : memref<320000xi32, #tpu.memory_space<hbm>> -> memref<128xi32, #tpu.memory_space<hbm>>
      tpu.enqueue_dma source(%dma_start3A_303 : memref<128xi32, #tpu.memory_space<hbm>>) target(%arg9 : memref<128xi32, #tpu.memory_space<vmem>>) target_semaphore(%arg30 : memref<!tpu.dma_semaphore, #tpu.memory_space<semaphore_mem>>)
      %dma_start3A_304 = tpu.memref_slice %arg4[%multiple_of3A_301] : memref<320000xi32, #tpu.memory_space<hbm>> -> memref<128xi32, #tpu.memory_space<hbm>>
      %dma_start3A_305 = tpu.memref_slice %arg4[%multiple_of3A_301] : memref<320000xi32, #tpu.memory_space<hbm>> -> memref<128xi32, #tpu.memory_space<hbm>>
      tpu.enqueue_dma source(%dma_start3A_305 : memref<128xi32, #tpu.memory_space<hbm>>) target(%arg13 : memref<128xi32, #tpu.memory_space<vmem>>) target_semaphore(%arg30 : memref<!tpu.dma_semaphore, #tpu.memory_space<semaphore_mem>>)
      %add3A_306 = arith.constant 2 : i32
      %add3A_307 = arith.addi %add3A_229, %add3A_306 : i32
      %dma_wait3A_308 = arith.constant 0 : i32
      %dma_wait3A_309 = arith.constant 0 : i32
      %dma_wait3A_310 = tpu.memref_slice %arg2[%dma_wait3A_308, %dma_wait3A_309] : memref<10000x128xf32, #tpu.memory_space<hbm>> -> memref<128x128xf32, #tpu.memory_space<hbm>>
      %dma_wait3A_311 = arith.constant 0 : i32
      %dma_wait3A_312 = arith.constant 0 : i32
      %dma_wait3A_313 = tpu.memref_slice %arg2[%dma_wait3A_311, %dma_wait3A_312] : memref<10000x128xf32, #tpu.memory_space<hbm>> -> memref<128x128xf32, #tpu.memory_space<hbm>>
      tpu.wait_dma2 semaphore(%arg24 : memref<!tpu.dma_semaphore, #tpu.memory_space<semaphore_mem>>) src(%dma_wait3A_313 : memref<128x128xf32, #tpu.memory_space<hbm>>) dst(%arg15 : memref<128x128xf32, #tpu.memory_space<vmem>>)
      %dma_start3A_314 = arith.constant 0 : i32
      %dma_start3A_315 = arith.constant 0 : i32
      %dma_start3A_316 = tpu.memref_slice %arg22[%dma_start3A_314, %dma_start3A_315] : memref<10112x128xf32, #tpu.memory_space<vmem_shared>> -> memref<10112x128xf32, #tpu.memory_space<vmem_shared>>
      tpu.enqueue_indirect_dma source(%arg15 : memref<128x128xf32, #tpu.memory_space<vmem>>) target(%dma_start3A_316 : memref<10112x128xf32, #tpu.memory_space<vmem_shared>>) offsets(%arg11 : memref<128xi32, #tpu.memory_space<vmem>>) semaphore(%arg26 : memref<!tpu.dma_semaphore, #tpu.memory_space<semaphore_mem>>) {add = true}
      %dma_wait3A_317 = arith.constant 0 : i32
      %dma_wait3A_318 = arith.constant 0 : i32
      %dma_wait3A_319 = tpu.memref_slice %arg22[%dma_wait3A_317, %dma_wait3A_318] : memref<10112x128xf32, #tpu.memory_space<vmem_shared>> -> memref<128x128xf32, #tpu.memory_space<vmem_shared>>
      %dma_wait3A_320 = arith.constant 0 : i32
      %dma_wait3A_321 = arith.constant 0 : i32
      %dma_wait3A_322 = tpu.memref_slice %arg22[%dma_wait3A_320, %dma_wait3A_321] : memref<10112x128xf32, #tpu.memory_space<vmem_shared>> -> memref<128x128xf32, #tpu.memory_space<vmem_shared>>
      tpu.wait_dma2 semaphore(%arg27 : memref<!tpu.dma_semaphore, #tpu.memory_space<semaphore_mem>>) src(%arg16 : memref<128x128xf32, #tpu.memory_space<vmem>>) dst(%dma_wait3A_322 : memref<128x128xf32, #tpu.memory_space<vmem_shared>>)
      %dma_wait3A_323 = arith.constant 0 : i32
      %dma_wait3A_324 = tpu.memref_slice %arg3[%dma_wait3A_323] : memref<320000xi32, #tpu.memory_space<hbm>> -> memref<128xi32, #tpu.memory_space<hbm>>
      %dma_wait3A_325 = arith.constant 0 : i32
      %dma_wait3A_326 = tpu.memref_slice %arg3[%dma_wait3A_325] : memref<320000xi32, #tpu.memory_space<hbm>> -> memref<128xi32, #tpu.memory_space<hbm>>
      tpu.wait_dma2 semaphore(%arg29 : memref<!tpu.dma_semaphore, #tpu.memory_space<semaphore_mem>>) src(%dma_wait3A_326 : memref<128xi32, #tpu.memory_space<hbm>>) dst(%arg8 : memref<128xi32, #tpu.memory_space<vmem>>)
      %dma_wait3A_327 = arith.constant 0 : i32
      %dma_wait3A_328 = tpu.memref_slice %arg4[%dma_wait3A_327] : memref<320000xi32, #tpu.memory_space<hbm>> -> memref<128xi32, #tpu.memory_space<hbm>>
      %dma_wait3A_329 = arith.constant 0 : i32
      %dma_wait3A_330 = tpu.memref_slice %arg4[%dma_wait3A_329] : memref<320000xi32, #tpu.memory_space<hbm>> -> memref<128xi32, #tpu.memory_space<hbm>>
      tpu.wait_dma2 semaphore(%arg29 : memref<!tpu.dma_semaphore, #tpu.memory_space<semaphore_mem>>) src(%dma_wait3A_330 : memref<128xi32, #tpu.memory_space<hbm>>) dst(%arg12 : memref<128xi32, #tpu.memory_space<vmem>>)
      %dma_start3A_331 = arith.constant 0 : i32
      %dma_start3A_332 = arith.constant 0 : i32
      %dma_start3A_333 = tpu.memref_slice %arg2[%dma_start3A_331, %dma_start3A_332] : memref<10000x128xf32, #tpu.memory_space<hbm>> -> memref<10000x128xf32, #tpu.memory_space<hbm>>
      tpu.enqueue_indirect_dma source(%dma_start3A_333 : memref<10000x128xf32, #tpu.memory_space<hbm>>) target(%arg16 : memref<128x128xf32, #tpu.memory_space<vmem>>) offsets(%arg8 : memref<128xi32, #tpu.memory_space<vmem>>) semaphore(%arg25 : memref<!tpu.dma_semaphore, #tpu.memory_space<semaphore_mem>>)
      %add3A_334 = arith.constant 3 : i32
      %add3A_335 = arith.addi %add3A_307, %add3A_334 : i32
      %mul3A_336 = arith.constant 128 : i32
      %mul3A_337 = arith.muli %add3A_335, %mul3A_336 : i32
      %add3A_338 = arith.addi %mul3A_2, %mul3A_337 : i32
      %multiple_of3A_339 = tpu.assume_multiple %add3A_338, 16 : i32
      %dma_start3A_340 = tpu.memref_slice %arg3[%multiple_of3A_339] : memref<320000xi32, #tpu.memory_space<hbm>> -> memref<128xi32, #tpu.memory_space<hbm>>
      %dma_start3A_341 = tpu.memref_slice %arg3[%multiple_of3A_339] : memref<320000xi32, #tpu.memory_space<hbm>> -> memref<128xi32, #tpu.memory_space<hbm>>
      tpu.enqueue_dma source(%dma_start3A_341 : memref<128xi32, #tpu.memory_space<hbm>>) target(%arg10 : memref<128xi32, #tpu.memory_space<vmem>>) target_semaphore(%arg31 : memref<!tpu.dma_semaphore, #tpu.memory_space<semaphore_mem>>)
      %dma_start3A_342 = tpu.memref_slice %arg4[%multiple_of3A_339] : memref<320000xi32, #tpu.memory_space<hbm>> -> memref<128xi32, #tpu.memory_space<hbm>>
      %dma_start3A_343 = tpu.memref_slice %arg4[%multiple_of3A_339] : memref<320000xi32, #tpu.memory_space<hbm>> -> memref<128xi32, #tpu.memory_space<hbm>>
      tpu.enqueue_dma source(%dma_start3A_343 : memref<128xi32, #tpu.memory_space<hbm>>) target(%arg14 : memref<128xi32, #tpu.memory_space<vmem>>) target_semaphore(%arg31 : memref<!tpu.dma_semaphore, #tpu.memory_space<semaphore_mem>>)
      %add3A_344 = arith.constant 3 : i32
      %add3A_345 = arith.addi %add3A_229, %add3A_344 : i32
      %dma_wait3A_346 = arith.constant 0 : i32
      %dma_wait3A_347 = arith.constant 0 : i32
      %dma_wait3A_348 = tpu.memref_slice %arg2[%dma_wait3A_346, %dma_wait3A_347] : memref<10000x128xf32, #tpu.memory_space<hbm>> -> memref<128x128xf32, #tpu.memory_space<hbm>>
      %dma_wait3A_349 = arith.constant 0 : i32
      %dma_wait3A_350 = arith.constant 0 : i32
      %dma_wait3A_351 = tpu.memref_slice %arg2[%dma_wait3A_349, %dma_wait3A_350] : memref<10000x128xf32, #tpu.memory_space<hbm>> -> memref<128x128xf32, #tpu.memory_space<hbm>>
      tpu.wait_dma2 semaphore(%arg25 : memref<!tpu.dma_semaphore, #tpu.memory_space<semaphore_mem>>) src(%dma_wait3A_351 : memref<128x128xf32, #tpu.memory_space<hbm>>) dst(%arg16 : memref<128x128xf32, #tpu.memory_space<vmem>>)
      %dma_start3A_352 = arith.constant 0 : i32
      %dma_start3A_353 = arith.constant 0 : i32
      %dma_start3A_354 = tpu.memref_slice %arg22[%dma_start3A_352, %dma_start3A_353] : memref<10112x128xf32, #tpu.memory_space<vmem_shared>> -> memref<10112x128xf32, #tpu.memory_space<vmem_shared>>
      tpu.enqueue_indirect_dma source(%arg16 : memref<128x128xf32, #tpu.memory_space<vmem>>) target(%dma_start3A_354 : memref<10112x128xf32, #tpu.memory_space<vmem_shared>>) offsets(%arg12 : memref<128xi32, #tpu.memory_space<vmem>>) semaphore(%arg27 : memref<!tpu.dma_semaphore, #tpu.memory_space<semaphore_mem>>) {add = true}
      %dma_wait3A_355 = arith.constant 0 : i32
      %dma_wait3A_356 = arith.constant 0 : i32
      %dma_wait3A_357 = tpu.memref_slice %arg22[%dma_wait3A_355, %dma_wait3A_356] : memref<10112x128xf32, #tpu.memory_space<vmem_shared>> -> memref<128x128xf32, #tpu.memory_space<vmem_shared>>
      %dma_wait3A_358 = arith.constant 0 : i32
      %dma_wait3A_359 = arith.constant 0 : i32
      %dma_wait3A_360 = tpu.memref_slice %arg22[%dma_wait3A_358, %dma_wait3A_359] : memref<10112x128xf32, #tpu.memory_space<vmem_shared>> -> memref<128x128xf32, #tpu.memory_space<vmem_shared>>
      tpu.wait_dma2 semaphore(%arg26 : memref<!tpu.dma_semaphore, #tpu.memory_space<semaphore_mem>>) src(%arg15 : memref<128x128xf32, #tpu.memory_space<vmem>>) dst(%dma_wait3A_360 : memref<128x128xf32, #tpu.memory_space<vmem_shared>>)
      %dma_wait3A_361 = arith.constant 0 : i32
      %dma_wait3A_362 = tpu.memref_slice %arg3[%dma_wait3A_361] : memref<320000xi32, #tpu.memory_space<hbm>> -> memref<128xi32, #tpu.memory_space<hbm>>
      %dma_wait3A_363 = arith.constant 0 : i32
      %dma_wait3A_364 = tpu.memref_slice %arg3[%dma_wait3A_363] : memref<320000xi32, #tpu.memory_space<hbm>> -> memref<128xi32, #tpu.memory_space<hbm>>
      tpu.wait_dma2 semaphore(%arg30 : memref<!tpu.dma_semaphore, #tpu.memory_space<semaphore_mem>>) src(%dma_wait3A_364 : memref<128xi32, #tpu.memory_space<hbm>>) dst(%arg9 : memref<128xi32, #tpu.memory_space<vmem>>)
      %dma_wait3A_365 = arith.constant 0 : i32
      %dma_wait3A_366 = tpu.memref_slice %arg4[%dma_wait3A_365] : memref<320000xi32, #tpu.memory_space<hbm>> -> memref<128xi32, #tpu.memory_space<hbm>>
      %dma_wait3A_367 = arith.constant 0 : i32
      %dma_wait3A_368 = tpu.memref_slice %arg4[%dma_wait3A_367] : memref<320000xi32, #tpu.memory_space<hbm>> -> memref<128xi32, #tpu.memory_space<hbm>>
      tpu.wait_dma2 semaphore(%arg30 : memref<!tpu.dma_semaphore, #tpu.memory_space<semaphore_mem>>) src(%dma_wait3A_368 : memref<128xi32, #tpu.memory_space<hbm>>) dst(%arg13 : memref<128xi32, #tpu.memory_space<vmem>>)
      %dma_start3A_369 = arith.constant 0 : i32
      %dma_start3A_370 = arith.constant 0 : i32
      %dma_start3A_371 = tpu.memref_slice %arg2[%dma_start3A_369, %dma_start3A_370] : memref<10000x128xf32, #tpu.memory_space<hbm>> -> memref<10000x128xf32, #tpu.memory_space<hbm>>
      tpu.enqueue_indirect_dma source(%dma_start3A_371 : memref<10000x128xf32, #tpu.memory_space<hbm>>) target(%arg15 : memref<128x128xf32, #tpu.memory_space<vmem>>) offsets(%arg9 : memref<128xi32, #tpu.memory_space<vmem>>) semaphore(%arg24 : memref<!tpu.dma_semaphore, #tpu.memory_space<semaphore_mem>>)
      %add3A_372 = arith.constant 3 : i32
      %add3A_373 = arith.addi %add3A_345, %add3A_372 : i32
      %mul3A_374 = arith.constant 128 : i32
      %mul3A_375 = arith.muli %add3A_373, %mul3A_374 : i32
      %add3A_376 = arith.addi %mul3A_2, %mul3A_375 : i32
      %multiple_of3A_377 = tpu.assume_multiple %add3A_376, 16 : i32
      %dma_start3A_378 = tpu.memref_slice %arg3[%multiple_of3A_377] : memref<320000xi32, #tpu.memory_space<hbm>> -> memref<128xi32, #tpu.memory_space<hbm>>
      %dma_start3A_379 = tpu.memref_slice %arg3[%multiple_of3A_377] : memref<320000xi32, #tpu.memory_space<hbm>> -> memref<128xi32, #tpu.memory_space<hbm>>
      tpu.enqueue_dma source(%dma_start3A_379 : memref<128xi32, #tpu.memory_space<hbm>>) target(%arg7 : memref<128xi32, #tpu.memory_space<vmem>>) target_semaphore(%arg28 : memref<!tpu.dma_semaphore, #tpu.memory_space<semaphore_mem>>)
      %dma_start3A_380 = tpu.memref_slice %arg4[%multiple_of3A_377] : memref<320000xi32, #tpu.memory_space<hbm>> -> memref<128xi32, #tpu.memory_space<hbm>>
      %dma_start3A_381 = tpu.memref_slice %arg4[%multiple_of3A_377] : memref<320000xi32, #tpu.memory_space<hbm>> -> memref<128xi32, #tpu.memory_space<hbm>>
      tpu.enqueue_dma source(%dma_start3A_381 : memref<128xi32, #tpu.memory_space<hbm>>) target(%arg11 : memref<128xi32, #tpu.memory_space<vmem>>) target_semaphore(%arg28 : memref<!tpu.dma_semaphore, #tpu.memory_space<semaphore_mem>>)
    }
    %scan3A_113 = arith.constant 18 : i32
    %dma_wait3A_114 = arith.constant 0 : i32
    %dma_wait3A_115 = arith.constant 0 : i32
    %dma_wait3A_116 = tpu.memref_slice %arg2[%dma_wait3A_114, %dma_wait3A_115] : memref<10000x128xf32, #tpu.memory_space<hbm>> -> memref<128x128xf32, #tpu.memory_space<hbm>>
    %dma_wait3A_117 = arith.constant 0 : i32
    %dma_wait3A_118 = arith.constant 0 : i32
    %dma_wait3A_119 = tpu.memref_slice %arg2[%dma_wait3A_117, %dma_wait3A_118] : memref<10000x128xf32, #tpu.memory_space<hbm>> -> memref<128x128xf32, #tpu.memory_space<hbm>>
    tpu.wait_dma2 semaphore(%arg24 : memref<!tpu.dma_semaphore, #tpu.memory_space<semaphore_mem>>) src(%dma_wait3A_119 : memref<128x128xf32, #tpu.memory_space<hbm>>) dst(%arg15 : memref<128x128xf32, #tpu.memory_space<vmem>>)
    %dma_start3A_120 = arith.constant 0 : i32
    %dma_start3A_121 = arith.constant 0 : i32
    %dma_start3A_122 = tpu.memref_slice %arg22[%dma_start3A_120, %dma_start3A_121] : memref<10112x128xf32, #tpu.memory_space<vmem_shared>> -> memref<10112x128xf32, #tpu.memory_space<vmem_shared>>
    tpu.enqueue_indirect_dma source(%arg15 : memref<128x128xf32, #tpu.memory_space<vmem>>) target(%dma_start3A_122 : memref<10112x128xf32, #tpu.memory_space<vmem_shared>>) offsets(%arg13 : memref<128xi32, #tpu.memory_space<vmem>>) semaphore(%arg26 : memref<!tpu.dma_semaphore, #tpu.memory_space<semaphore_mem>>) {add = true}
    %dma_wait3A_123 = arith.constant 0 : i32
    %dma_wait3A_124 = arith.constant 0 : i32
    %dma_wait3A_125 = tpu.memref_slice %arg22[%dma_wait3A_123, %dma_wait3A_124] : memref<10112x128xf32, #tpu.memory_space<vmem_shared>> -> memref<128x128xf32, #tpu.memory_space<vmem_shared>>
    %dma_wait3A_126 = arith.constant 0 : i32
    %dma_wait3A_127 = arith.constant 0 : i32
    %dma_wait3A_128 = tpu.memref_slice %arg22[%dma_wait3A_126, %dma_wait3A_127] : memref<10112x128xf32, #tpu.memory_space<vmem_shared>> -> memref<128x128xf32, #tpu.memory_space<vmem_shared>>
    tpu.wait_dma2 semaphore(%arg27 : memref<!tpu.dma_semaphore, #tpu.memory_space<semaphore_mem>>) src(%arg16 : memref<128x128xf32, #tpu.memory_space<vmem>>) dst(%dma_wait3A_128 : memref<128x128xf32, #tpu.memory_space<vmem_shared>>)
    %dma_wait3A_129 = arith.constant 0 : i32
    %dma_wait3A_130 = tpu.memref_slice %arg3[%dma_wait3A_129] : memref<320000xi32, #tpu.memory_space<hbm>> -> memref<128xi32, #tpu.memory_space<hbm>>
    %dma_wait3A_131 = arith.constant 0 : i32
    %dma_wait3A_132 = tpu.memref_slice %arg3[%dma_wait3A_131] : memref<320000xi32, #tpu.memory_space<hbm>> -> memref<128xi32, #tpu.memory_space<hbm>>
    tpu.wait_dma2 semaphore(%arg31 : memref<!tpu.dma_semaphore, #tpu.memory_space<semaphore_mem>>) src(%dma_wait3A_132 : memref<128xi32, #tpu.memory_space<hbm>>) dst(%arg10 : memref<128xi32, #tpu.memory_space<vmem>>)
    %dma_wait3A_133 = arith.constant 0 : i32
    %dma_wait3A_134 = tpu.memref_slice %arg4[%dma_wait3A_133] : memref<320000xi32, #tpu.memory_space<hbm>> -> memref<128xi32, #tpu.memory_space<hbm>>
    %dma_wait3A_135 = arith.constant 0 : i32
    %dma_wait3A_136 = tpu.memref_slice %arg4[%dma_wait3A_135] : memref<320000xi32, #tpu.memory_space<hbm>> -> memref<128xi32, #tpu.memory_space<hbm>>
    tpu.wait_dma2 semaphore(%arg31 : memref<!tpu.dma_semaphore, #tpu.memory_space<semaphore_mem>>) src(%dma_wait3A_136 : memref<128xi32, #tpu.memory_space<hbm>>) dst(%arg14 : memref<128xi32, #tpu.memory_space<vmem>>)
    %dma_start3A_137 = arith.constant 0 : i32
    %dma_start3A_138 = arith.constant 0 : i32
    %dma_start3A_139 = tpu.memref_slice %arg2[%dma_start3A_137, %dma_start3A_138] : memref<10000x128xf32, #tpu.memory_space<hbm>> -> memref<10000x128xf32, #tpu.memory_space<hbm>>
    tpu.enqueue_indirect_dma source(%dma_start3A_139 : memref<10000x128xf32, #tpu.memory_space<hbm>>) target(%arg16 : memref<128x128xf32, #tpu.memory_space<vmem>>) offsets(%arg10 : memref<128xi32, #tpu.memory_space<vmem>>) semaphore(%arg25 : memref<!tpu.dma_semaphore, #tpu.memory_space<semaphore_mem>>)
    %add3A_140 = arith.constant 9856 : i32
    %add3A_141 = arith.addi %mul3A_2, %add3A_140 : i32
    %multiple_of3A_142 = tpu.assume_multiple %add3A_141, 16 : i32
    %dma_start3A_143 = tpu.memref_slice %arg3[%multiple_of3A_142] : memref<320000xi32, #tpu.memory_space<hbm>> -> memref<128xi32, #tpu.memory_space<hbm>>
    %dma_start3A_144 = tpu.memref_slice %arg3[%multiple_of3A_142] : memref<320000xi32, #tpu.memory_space<hbm>> -> memref<128xi32, #tpu.memory_space<hbm>>
    tpu.enqueue_dma source(%dma_start3A_144 : memref<128xi32, #tpu.memory_space<hbm>>) target(%arg8 : memref<128xi32, #tpu.memory_space<vmem>>) target_semaphore(%arg29 : memref<!tpu.dma_semaphore, #tpu.memory_space<semaphore_mem>>)
    %dma_start3A_145 = tpu.memref_slice %arg4[%multiple_of3A_142] : memref<320000xi32, #tpu.memory_space<hbm>> -> memref<128xi32, #tpu.memory_space<hbm>>
    %dma_start3A_146 = tpu.memref_slice %arg4[%multiple_of3A_142] : memref<320000xi32, #tpu.memory_space<hbm>> -> memref<128xi32, #tpu.memory_space<hbm>>
    tpu.enqueue_dma source(%dma_start3A_146 : memref<128xi32, #tpu.memory_space<hbm>>) target(%arg12 : memref<128xi32, #tpu.memory_space<vmem>>) target_semaphore(%arg29 : memref<!tpu.dma_semaphore, #tpu.memory_space<semaphore_mem>>)
    %dma_wait3A_147 = arith.constant 0 : i32
    %dma_wait3A_148 = arith.constant 0 : i32
    %dma_wait3A_149 = tpu.memref_slice %arg2[%dma_wait3A_147, %dma_wait3A_148] : memref<10000x128xf32, #tpu.memory_space<hbm>> -> memref<128x128xf32, #tpu.memory_space<hbm>>
    %dma_wait3A_150 = arith.constant 0 : i32
    %dma_wait3A_151 = arith.constant 0 : i32
    %dma_wait3A_152 = tpu.memref_slice %arg2[%dma_wait3A_150, %dma_wait3A_151] : memref<10000x128xf32, #tpu.memory_space<hbm>> -> memref<128x128xf32, #tpu.memory_space<hbm>>
    tpu.wait_dma2 semaphore(%arg25 : memref<!tpu.dma_semaphore, #tpu.memory_space<semaphore_mem>>) src(%dma_wait3A_152 : memref<128x128xf32, #tpu.memory_space<hbm>>) dst(%arg16 : memref<128x128xf32, #tpu.memory_space<vmem>>)
    %dma_start3A_153 = arith.constant 0 : i32
    %dma_start3A_154 = arith.constant 0 : i32
    %dma_start3A_155 = tpu.memref_slice %arg22[%dma_start3A_153, %dma_start3A_154] : memref<10112x128xf32, #tpu.memory_space<vmem_shared>> -> memref<10112x128xf32, #tpu.memory_space<vmem_shared>>
    tpu.enqueue_indirect_dma source(%arg16 : memref<128x128xf32, #tpu.memory_space<vmem>>) target(%dma_start3A_155 : memref<10112x128xf32, #tpu.memory_space<vmem_shared>>) offsets(%arg14 : memref<128xi32, #tpu.memory_space<vmem>>) semaphore(%arg27 : memref<!tpu.dma_semaphore, #tpu.memory_space<semaphore_mem>>) {add = true}
    %dma_wait3A_156 = arith.constant 0 : i32
    %dma_wait3A_157 = arith.constant 0 : i32
    %dma_wait3A_158 = tpu.memref_slice %arg22[%dma_wait3A_156, %dma_wait3A_157] : memref<10112x128xf32, #tpu.memory_space<vmem_shared>> -> memref<128x128xf32, #tpu.memory_space<vmem_shared>>
    %dma_wait3A_159 = arith.constant 0 : i32
    %dma_wait3A_160 = arith.constant 0 : i32
    %dma_wait3A_161 = tpu.memref_slice %arg22[%dma_wait3A_159, %dma_wait3A_160] : memref<10112x128xf32, #tpu.memory_space<vmem_shared>> -> memref<128x128xf32, #tpu.memory_space<vmem_shared>>
    tpu.wait_dma2 semaphore(%arg26 : memref<!tpu.dma_semaphore, #tpu.memory_space<semaphore_mem>>) src(%arg15 : memref<128x128xf32, #tpu.memory_space<vmem>>) dst(%dma_wait3A_161 : memref<128x128xf32, #tpu.memory_space<vmem_shared>>)
    %dma_wait3A_162 = arith.constant 0 : i32
    %dma_wait3A_163 = tpu.memref_slice %arg3[%dma_wait3A_162] : memref<320000xi32, #tpu.memory_space<hbm>> -> memref<128xi32, #tpu.memory_space<hbm>>
    %dma_wait3A_164 = arith.constant 0 : i32
    %dma_wait3A_165 = tpu.memref_slice %arg3[%dma_wait3A_164] : memref<320000xi32, #tpu.memory_space<hbm>> -> memref<128xi32, #tpu.memory_space<hbm>>
    tpu.wait_dma2 semaphore(%arg28 : memref<!tpu.dma_semaphore, #tpu.memory_space<semaphore_mem>>) src(%dma_wait3A_165 : memref<128xi32, #tpu.memory_space<hbm>>) dst(%arg7 : memref<128xi32, #tpu.memory_space<vmem>>)
    %dma_wait3A_166 = arith.constant 0 : i32
    %dma_wait3A_167 = tpu.memref_slice %arg4[%dma_wait3A_166] : memref<320000xi32, #tpu.memory_space<hbm>> -> memref<128xi32, #tpu.memory_space<hbm>>
    %dma_wait3A_168 = arith.constant 0 : i32
    %dma_wait3A_169 = tpu.memref_slice %arg4[%dma_wait3A_168] : memref<320000xi32, #tpu.memory_space<hbm>> -> memref<128xi32, #tpu.memory_space<hbm>>
    tpu.wait_dma2 semaphore(%arg28 : memref<!tpu.dma_semaphore, #tpu.memory_space<semaphore_mem>>) src(%dma_wait3A_169 : memref<128xi32, #tpu.memory_space<hbm>>) dst(%arg11 : memref<128xi32, #tpu.memory_space<vmem>>)
    %dma_start3A_170 = arith.constant 0 : i32
    %dma_start3A_171 = arith.constant 0 : i32
    %dma_start3A_172 = tpu.memref_slice %arg2[%dma_start3A_170, %dma_start3A_171] : memref<10000x128xf32, #tpu.memory_space<hbm>> -> memref<10000x128xf32, #tpu.memory_space<hbm>>
    tpu.enqueue_indirect_dma source(%dma_start3A_172 : memref<10000x128xf32, #tpu.memory_space<hbm>>) target(%arg15 : memref<128x128xf32, #tpu.memory_space<vmem>>) offsets(%arg7 : memref<128xi32, #tpu.memory_space<vmem>>) semaphore(%arg24 : memref<!tpu.dma_semaphore, #tpu.memory_space<semaphore_mem>>)
    %dma_wait3A_173 = arith.constant 0 : i32
    %dma_wait3A_174 = arith.constant 0 : i32
    %dma_wait3A_175 = tpu.memref_slice %arg2[%dma_wait3A_173, %dma_wait3A_174] : memref<10000x128xf32, #tpu.memory_space<hbm>> -> memref<128x128xf32, #tpu.memory_space<hbm>>
    %dma_wait3A_176 = arith.constant 0 : i32
    %dma_wait3A_177 = arith.constant 0 : i32
    %dma_wait3A_178 = tpu.memref_slice %arg2[%dma_wait3A_176, %dma_wait3A_177] : memref<10000x128xf32, #tpu.memory_space<hbm>> -> memref<128x128xf32, #tpu.memory_space<hbm>>
    tpu.wait_dma2 semaphore(%arg24 : memref<!tpu.dma_semaphore, #tpu.memory_space<semaphore_mem>>) src(%dma_wait3A_178 : memref<128x128xf32, #tpu.memory_space<hbm>>) dst(%arg15 : memref<128x128xf32, #tpu.memory_space<vmem>>)
    %dma_start3A_179 = arith.constant 0 : i32
    %dma_start3A_180 = arith.constant 0 : i32
    %dma_start3A_181 = tpu.memref_slice %arg22[%dma_start3A_179, %dma_start3A_180] : memref<10112x128xf32, #tpu.memory_space<vmem_shared>> -> memref<10112x128xf32, #tpu.memory_space<vmem_shared>>
    tpu.enqueue_indirect_dma source(%arg15 : memref<128x128xf32, #tpu.memory_space<vmem>>) target(%dma_start3A_181 : memref<10112x128xf32, #tpu.memory_space<vmem_shared>>) offsets(%arg11 : memref<128xi32, #tpu.memory_space<vmem>>) semaphore(%arg26 : memref<!tpu.dma_semaphore, #tpu.memory_space<semaphore_mem>>) {add = true}
    %dma_wait3A_182 = arith.constant 0 : i32
    %dma_wait3A_183 = arith.constant 0 : i32
    %dma_wait3A_184 = tpu.memref_slice %arg22[%dma_wait3A_182, %dma_wait3A_183] : memref<10112x128xf32, #tpu.memory_space<vmem_shared>> -> memref<128x128xf32, #tpu.memory_space<vmem_shared>>
    %dma_wait3A_185 = arith.constant 0 : i32
    %dma_wait3A_186 = arith.constant 0 : i32
    %dma_wait3A_187 = tpu.memref_slice %arg22[%dma_wait3A_185, %dma_wait3A_186] : memref<10112x128xf32, #tpu.memory_space<vmem_shared>> -> memref<128x128xf32, #tpu.memory_space<vmem_shared>>
    tpu.wait_dma2 semaphore(%arg27 : memref<!tpu.dma_semaphore, #tpu.memory_space<semaphore_mem>>) src(%arg16 : memref<128x128xf32, #tpu.memory_space<vmem>>) dst(%dma_wait3A_187 : memref<128x128xf32, #tpu.memory_space<vmem_shared>>)
    %dma_wait3A_188 = arith.constant 0 : i32
    %dma_wait3A_189 = tpu.memref_slice %arg3[%dma_wait3A_188] : memref<320000xi32, #tpu.memory_space<hbm>> -> memref<128xi32, #tpu.memory_space<hbm>>
    %dma_wait3A_190 = arith.constant 0 : i32
    %dma_wait3A_191 = tpu.memref_slice %arg3[%dma_wait3A_190] : memref<320000xi32, #tpu.memory_space<hbm>> -> memref<128xi32, #tpu.memory_space<hbm>>
    tpu.wait_dma2 semaphore(%arg29 : memref<!tpu.dma_semaphore, #tpu.memory_space<semaphore_mem>>) src(%dma_wait3A_191 : memref<128xi32, #tpu.memory_space<hbm>>) dst(%arg8 : memref<128xi32, #tpu.memory_space<vmem>>)
    %dma_wait3A_192 = arith.constant 0 : i32
    %dma_wait3A_193 = tpu.memref_slice %arg4[%dma_wait3A_192] : memref<320000xi32, #tpu.memory_space<hbm>> -> memref<128xi32, #tpu.memory_space<hbm>>
    %dma_wait3A_194 = arith.constant 0 : i32
    %dma_wait3A_195 = tpu.memref_slice %arg4[%dma_wait3A_194] : memref<320000xi32, #tpu.memory_space<hbm>> -> memref<128xi32, #tpu.memory_space<hbm>>
    tpu.wait_dma2 semaphore(%arg29 : memref<!tpu.dma_semaphore, #tpu.memory_space<semaphore_mem>>) src(%dma_wait3A_195 : memref<128xi32, #tpu.memory_space<hbm>>) dst(%arg12 : memref<128xi32, #tpu.memory_space<vmem>>)
    %dma_start3A_196 = arith.constant 0 : i32
    %dma_start3A_197 = arith.constant 0 : i32
    %dma_start3A_198 = tpu.memref_slice %arg2[%dma_start3A_196, %dma_start3A_197] : memref<10000x128xf32, #tpu.memory_space<hbm>> -> memref<10000x128xf32, #tpu.memory_space<hbm>>
    tpu.enqueue_indirect_dma source(%dma_start3A_198 : memref<10000x128xf32, #tpu.memory_space<hbm>>) target(%arg16 : memref<128x128xf32, #tpu.memory_space<vmem>>) offsets(%arg8 : memref<128xi32, #tpu.memory_space<vmem>>) semaphore(%arg25 : memref<!tpu.dma_semaphore, #tpu.memory_space<semaphore_mem>>)
    %dma_wait3A_199 = arith.constant 0 : i32
    %dma_wait3A_200 = arith.constant 0 : i32
    %dma_wait3A_201 = tpu.memref_slice %arg2[%dma_wait3A_199, %dma_wait3A_200] : memref<10000x128xf32, #tpu.memory_space<hbm>> -> memref<128x128xf32, #tpu.memory_space<hbm>>
    %dma_wait3A_202 = arith.constant 0 : i32
    %dma_wait3A_203 = arith.constant 0 : i32
    %dma_wait3A_204 = tpu.memref_slice %arg2[%dma_wait3A_202, %dma_wait3A_203] : memref<10000x128xf32, #tpu.memory_space<hbm>> -> memref<128x128xf32, #tpu.memory_space<hbm>>
    tpu.wait_dma2 semaphore(%arg25 : memref<!tpu.dma_semaphore, #tpu.memory_space<semaphore_mem>>) src(%dma_wait3A_204 : memref<128x128xf32, #tpu.memory_space<hbm>>) dst(%arg16 : memref<128x128xf32, #tpu.memory_space<vmem>>)
    %dma_start3A_205 = arith.constant 0 : i32
    %dma_start3A_206 = arith.constant 0 : i32
    %dma_start3A_207 = tpu.memref_slice %arg22[%dma_start3A_205, %dma_start3A_206] : memref<10112x128xf32, #tpu.memory_space<vmem_shared>> -> memref<10112x128xf32, #tpu.memory_space<vmem_shared>>
    tpu.enqueue_indirect_dma source(%arg16 : memref<128x128xf32, #tpu.memory_space<vmem>>) target(%dma_start3A_207 : memref<10112x128xf32, #tpu.memory_space<vmem_shared>>) offsets(%arg12 : memref<128xi32, #tpu.memory_space<vmem>>) semaphore(%arg27 : memref<!tpu.dma_semaphore, #tpu.memory_space<semaphore_mem>>) {add = true}
    %dma_wait3A_208 = arith.constant 0 : i32
    %dma_wait3A_209 = arith.constant 0 : i32
    %dma_wait3A_210 = tpu.memref_slice %arg22[%dma_wait3A_208, %dma_wait3A_209] : memref<10112x128xf32, #tpu.memory_space<vmem_shared>> -> memref<128x128xf32, #tpu.memory_space<vmem_shared>>
    %dma_wait3A_211 = arith.constant 0 : i32
    %dma_wait3A_212 = arith.constant 0 : i32
    %dma_wait3A_213 = tpu.memref_slice %arg22[%dma_wait3A_211, %dma_wait3A_212] : memref<10112x128xf32, #tpu.memory_space<vmem_shared>> -> memref<128x128xf32, #tpu.memory_space<vmem_shared>>
    tpu.wait_dma2 semaphore(%arg26 : memref<!tpu.dma_semaphore, #tpu.memory_space<semaphore_mem>>) src(%arg15 : memref<128x128xf32, #tpu.memory_space<vmem>>) dst(%dma_wait3A_213 : memref<128x128xf32, #tpu.memory_space<vmem_shared>>)
    %dma_wait3A_214 = arith.constant 0 : i32
    %dma_wait3A_215 = arith.constant 0 : i32
    %dma_wait3A_216 = tpu.memref_slice %arg22[%dma_wait3A_214, %dma_wait3A_215] : memref<10112x128xf32, #tpu.memory_space<vmem_shared>> -> memref<128x128xf32, #tpu.memory_space<vmem_shared>>
    %dma_wait3A_217 = arith.constant 0 : i32
    %dma_wait3A_218 = arith.constant 0 : i32
    %dma_wait3A_219 = tpu.memref_slice %arg22[%dma_wait3A_217, %dma_wait3A_218] : memref<10112x128xf32, #tpu.memory_space<vmem_shared>> -> memref<128x128xf32, #tpu.memory_space<vmem_shared>>
    tpu.wait_dma2 semaphore(%arg27 : memref<!tpu.dma_semaphore, #tpu.memory_space<semaphore_mem>>) src(%arg16 : memref<128x128xf32, #tpu.memory_space<vmem>>) dst(%dma_wait3A_219 : memref<128x128xf32, #tpu.memory_space<vmem_shared>>)
    %barrier3A_220 = arith.constant 0 : index
    tpu.barrier barrier_id(%barrier3A_220)
    %mul3A_221 = arith.constant 632 : i32
    %mul3A_222 = arith.muli %arg1, %mul3A_221 : i32
    %mul3A_223 = arith.constant 632 : i32
    %mul3A_224 = arith.muli %arg1, %mul3A_223 : i32
    "tpu.region"() ({
      %run_scoped3A = tpu.sem_alloc : memref<!tpu.dma_semaphore, #tpu.memory_space<semaphore_mem>>
      %dma_start3A_225 = arith.constant 0 : i32
      %dma_start3A_226 = tpu.memref_slice %arg6[%arg0, %mul3A_224, %dma_start3A_225] : memref<2x10112x128xf32, #tpu.memory_space<hbm>> -> memref<1x632x128xf32, #tpu.memory_space<hbm>>
      %dma_start3A_227 = tpu.memref_squeeze %dma_start3A_226 : memref<1x632x128xf32, #tpu.memory_space<hbm>> -> memref<632x128xf32, #tpu.memory_space<hbm>>
      %dma_start3A_228 = arith.constant 0 : i32
      %dma_start3A_229 = tpu.memref_slice %arg22[%mul3A_222, %dma_start3A_228] : memref<10112x128xf32, #tpu.memory_space<vmem_shared>> -> memref<632x128xf32, #tpu.memory_space<vmem_shared>>
      tpu.enqueue_dma source(%dma_start3A_229 : memref<632x128xf32, #tpu.memory_space<vmem_shared>>) target(%dma_start3A_227 : memref<632x128xf32, #tpu.memory_space<hbm>>) target_semaphore(%run_scoped3A : memref<!tpu.dma_semaphore, #tpu.memory_space<semaphore_mem>>)
      %dma_wait3A_230 = arith.constant 0 : i32
      %dma_wait3A_231 = tpu.memref_slice %arg6[%arg0, %mul3A_224, %dma_wait3A_230] : memref<2x10112x128xf32, #tpu.memory_space<hbm>> -> memref<1x632x128xf32, #tpu.memory_space<hbm>>
      %dma_wait3A_232 = tpu.memref_squeeze %dma_wait3A_231 : memref<1x632x128xf32, #tpu.memory_space<hbm>> -> memref<632x128xf32, #tpu.memory_space<hbm>>
      %dma_wait3A_233 = arith.constant 0 : i32
      %dma_wait3A_234 = tpu.memref_slice %arg22[%mul3A_222, %dma_wait3A_233] : memref<10112x128xf32, #tpu.memory_space<vmem_shared>> -> memref<632x128xf32, #tpu.memory_space<vmem_shared>>
      tpu.wait_dma2 semaphore(%run_scoped3A : memref<!tpu.dma_semaphore, #tpu.memory_space<semaphore_mem>>) src(%dma_wait3A_234 : memref<632x128xf32, #tpu.memory_space<vmem_shared>>) dst(%dma_wait3A_232 : memref<632x128xf32, #tpu.memory_space<hbm>>)
      tpu.yield
    }) : () -> ()
    return
  }
}

module attributes {stable_mosaic.version = 14 : i64} {
  func.func @_tc1_body(%arg0: i32, %arg1: memref<1000x128xf32, #tpu.memory_space<vmem>>, %arg2: memref<2x1000x128xf32, #tpu.memory_space<vmem>>, %arg3: memref<1000x2xf32, #tpu.memory_space<vmem>>, %arg4: memref<128x256xf32, #tpu.memory_space<vmem>>, %arg5: memref<128x256xf32, #tpu.memory_space<vmem>>, %arg6: memref<1x256xf32, #tpu.memory_space<vmem>>, %arg7: memref<256x128xf32, #tpu.memory_space<vmem>>, %arg8: memref<256x128xf32, #tpu.memory_space<vmem>>, %arg9: memref<1x128xf32, #tpu.memory_space<vmem>>, %arg10: memref<1000x128xf32, #tpu.memory_space<vmem>>, %arg11: memref<1000x128xf32, #tpu.memory_space<vmem>>) attributes {dimension_semantics = [#tpu.dimension_semantics<arbitrary>], iteration_bounds = array<i64: 10>, scalar_prefetch = 0 : i64, scratch_operands = 0 : i64, tpu.core_type = #tpu.core_type<tc>, window_params = [{transform_indices = @transform_0, window_bounds = array<i64: 1000, 128>}, {transform_indices = @transform_1, window_bounds = array<i64: 2, 1000, 128>}, {transform_indices = @transform_2, window_bounds = array<i64: 1000, 2>}, {pipeline_mode = #tpu.pipeline_mode<synchronous>, transform_indices = @transform_3, window_bounds = array<i64: 128, 256>}, {pipeline_mode = #tpu.pipeline_mode<synchronous>, transform_indices = @transform_4, window_bounds = array<i64: 128, 256>}, {pipeline_mode = #tpu.pipeline_mode<synchronous>, transform_indices = @transform_5, window_bounds = array<i64: 1, 256>}, {pipeline_mode = #tpu.pipeline_mode<synchronous>, transform_indices = @transform_6, window_bounds = array<i64: 256, 128>}, {pipeline_mode = #tpu.pipeline_mode<synchronous>, transform_indices = @transform_7, window_bounds = array<i64: 256, 128>}, {pipeline_mode = #tpu.pipeline_mode<synchronous>, transform_indices = @transform_8, window_bounds = array<i64: 1, 128>}, {transform_indices = @transform_9, window_bounds = array<i64: 1000, 128>}, {transform_indices = @transform_10, window_bounds = array<i64: 1000, 128>}]} {
    %get3A = arith.constant 0 : index
    %get3A_0 = arith.constant 0 : index
    %get3A_1 = vector.load %arg3[%get3A, %get3A_0] : memref<1000x2xf32, #tpu.memory_space<vmem>>, vector<1000x1xf32>
    %get3A_2 = vector.shape_cast %get3A_1 : vector<1000x1xf32> to vector<1000xf32>
    %get3A_3 = arith.constant 0 : index
    %get3A_4 = arith.constant 1 : index
    %get3A_5 = vector.load %arg3[%get3A_3, %get3A_4] : memref<1000x2xf32, #tpu.memory_space<vmem>>, vector<1000x1xf32>
    %get3A_6 = vector.shape_cast %get3A_5 : vector<1000x1xf32> to vector<1000xf32>
    %add3A = arith.addf %get3A_2, %get3A_6 : vector<1000xf32>
    %max3A = arith.constant 1.000000e+00 : f32
    %max3A_7 = vector.broadcast %max3A : f32 to vector<1000xf32>
    %max3A_8 = arith.maximumf %add3A, %max3A_7 : vector<1000xf32>
    %div3A = arith.constant 1.000000e+00 : f32
    %div3A_9 = vector.broadcast %div3A : f32 to vector<1000xf32>
    %div3A_10 = arith.divf %div3A_9, %max3A_8 : vector<1000xf32>
    %get3A_11 = arith.constant 0 : index
    %get3A_12 = arith.constant 0 : index
    %get3A_13 = arith.constant 0 : index
    %get3A_14 = vector.load %arg2[%get3A_11, %get3A_12, %get3A_13] : memref<2x1000x128xf32, #tpu.memory_space<vmem>>, vector<1x1000x128xf32>
    %get3A_15 = vector.shape_cast %get3A_14 : vector<1x1000x128xf32> to vector<1000x128xf32>
    %get3A_16 = arith.constant 1 : index
    %get3A_17 = arith.constant 0 : index
    %get3A_18 = arith.constant 0 : index
    %get3A_19 = vector.load %arg2[%get3A_16, %get3A_17, %get3A_18] : memref<2x1000x128xf32, #tpu.memory_space<vmem>>, vector<1x1000x128xf32>
    %get3A_20 = vector.shape_cast %get3A_19 : vector<1x1000x128xf32> to vector<1000x128xf32>
    %add3A_21 = arith.addf %get3A_15, %get3A_20 : vector<1000x128xf32>
    %broadcast_in_dim3A = vector.shape_cast %div3A_10 : vector<1000xf32> to vector<1000x1xf32>
    %mul3A = vector.broadcast %broadcast_in_dim3A : vector<1000x1xf32> to vector<1000x128xf32>
    %mul3A_22 = arith.mulf %add3A_21, %mul3A : vector<1000x128xf32>
    %get3A_23 = arith.constant 0 : index
    %get3A_24 = arith.constant 0 : index
    %get3A_25 = vector.load %arg1[%get3A_23, %get3A_24] : memref<1000x128xf32, #tpu.memory_space<vmem>>, vector<1000x128xf32>
    %get3A_26 = arith.constant 0 : index
    %get3A_27 = arith.constant 0 : index
    %get3A_28 = vector.load %arg4[%get3A_26, %get3A_27] : memref<128x256xf32, #tpu.memory_space<vmem>>, vector<128x256xf32>
    %dot_general3A = arith.constant dense<0.000000e+00> : vector<1000x256xf32>
    %dot_general3A_29 = tpu.matmul %get3A_25, %get3A_28, %dot_general3A {dimension_numbers = #tpu.dot_dimension_numbers<[1], [0], [0], [1], [0, 0, 1, 1], [], []>, transpose_lhs_hint = false} : vector<1000x128xf32>, vector<128x256xf32>, vector<1000x256xf32> -> vector<1000x256xf32>
    %get3A_30 = arith.constant 0 : index
    %get3A_31 = arith.constant 0 : index
    %get3A_32 = vector.load %arg5[%get3A_30, %get3A_31] : memref<128x256xf32, #tpu.memory_space<vmem>>, vector<128x256xf32>
    %dot_general3A_33 = arith.constant dense<0.000000e+00> : vector<1000x256xf32>
    %dot_general3A_34 = tpu.matmul %mul3A_22, %get3A_32, %dot_general3A_33 {dimension_numbers = #tpu.dot_dimension_numbers<[1], [0], [0], [1], [0, 0, 1, 1], [], []>, transpose_lhs_hint = false} : vector<1000x128xf32>, vector<128x256xf32>, vector<1000x256xf32> -> vector<1000x256xf32>
    %add3A_35 = arith.addf %dot_general3A_29, %dot_general3A_34 : vector<1000x256xf32>
    %get3A_36 = arith.constant 0 : index
    %get3A_37 = arith.constant 0 : index
    %get3A_38 = vector.load %arg6[%get3A_36, %get3A_37] : memref<1x256xf32, #tpu.memory_space<vmem>>, vector<1x256xf32>
    %add3A_39 = vector.broadcast %get3A_38 : vector<1x256xf32> to vector<1000x256xf32>
    %add3A_40 = arith.addf %add3A_35, %add3A_39 : vector<1000x256xf32>
    %max3A_41 = arith.constant 0.000000e+00 : f32
    %max3A_42 = vector.broadcast %max3A_41 : f32 to vector<1000x256xf32>
    %max3A_43 = arith.maximumf %add3A_40, %max3A_42 : vector<1000x256xf32>
    %get3A_44 = arith.constant 0 : index
    %get3A_45 = arith.constant 0 : index
    %get3A_46 = vector.load %arg8[%get3A_44, %get3A_45] : memref<256x128xf32, #tpu.memory_space<vmem>>, vector<256x128xf32>
    %dot_general3A_47 = arith.constant dense<0.000000e+00> : vector<1000x128xf32>
    %dot_general3A_48 = tpu.matmul %max3A_43, %get3A_46, %dot_general3A_47 {dimension_numbers = #tpu.dot_dimension_numbers<[1], [0], [0], [1], [0, 0, 1, 1], [], []>, transpose_lhs_hint = false} : vector<1000x256xf32>, vector<256x128xf32>, vector<1000x128xf32> -> vector<1000x128xf32>
    %get3A_49 = arith.constant 0 : index
    %get3A_50 = arith.constant 0 : index
    %get3A_51 = vector.load %arg9[%get3A_49, %get3A_50] : memref<1x128xf32, #tpu.memory_space<vmem>>, vector<1x128xf32>
    %add3A_52 = vector.broadcast %get3A_51 : vector<1x128xf32> to vector<1000x128xf32>
    %add3A_53 = arith.addf %dot_general3A_48, %add3A_52 : vector<1000x128xf32>
    %swap3A = arith.constant 0 : index
    %swap3A_54 = arith.constant 0 : index
    %swap3A_55 = vector.load %arg10[%swap3A, %swap3A_54] : memref<1000x128xf32, #tpu.memory_space<vmem>>, vector<1000x128xf32>
    tpu.vector_store %arg10[%swap3A, %swap3A_54], %add3A_53 {strides = array<i32>} : memref<1000x128xf32, #tpu.memory_space<vmem>>, vector<1000x128xf32>,
    %get3A_56 = arith.constant 0 : index
    %get3A_57 = arith.constant 0 : index
    %get3A_58 = vector.load %arg7[%get3A_56, %get3A_57] : memref<256x128xf32, #tpu.memory_space<vmem>>, vector<256x128xf32>
    %dot_general3A_59 = arith.constant dense<0.000000e+00> : vector<1000x128xf32>
    %dot_general3A_60 = tpu.matmul %max3A_43, %get3A_58, %dot_general3A_59 {dimension_numbers = #tpu.dot_dimension_numbers<[1], [0], [0], [1], [0, 0, 1, 1], [], []>, transpose_lhs_hint = false} : vector<1000x256xf32>, vector<256x128xf32>, vector<1000x128xf32> -> vector<1000x128xf32>
    %swap3A_61 = arith.constant 0 : index
    %swap3A_62 = arith.constant 0 : index
    %swap3A_63 = vector.load %arg11[%swap3A_61, %swap3A_62] : memref<1000x128xf32, #tpu.memory_space<vmem>>, vector<1000x128xf32>
    tpu.vector_store %arg11[%swap3A_61, %swap3A_62], %dot_general3A_60 {strides = array<i32>} : memref<1000x128xf32, #tpu.memory_space<vmem>>, vector<1000x128xf32>,
    return
  }
  func.func @transform_0(%arg0: i32) -> (i32, i32) {
    %c0_i32 = arith.constant 0 : i32
    %c0_i32_0 = arith.constant 0 : i32
    return %arg0, %c0_i32 : i32, i32
  }
  func.func @transform_1(%arg0: i32) -> (i32, i32, i32) {
    %c0_i32 = arith.constant 0 : i32
    %c0_i32_0 = arith.constant 0 : i32
    %c0_i32_1 = arith.constant 0 : i32
    return %c0_i32, %arg0, %c0_i32_0 : i32, i32, i32
  }
  func.func @transform_2(%arg0: i32) -> (i32, i32) {
    %c0_i32 = arith.constant 0 : i32
    %c0_i32_0 = arith.constant 0 : i32
    return %arg0, %c0_i32 : i32, i32
  }
  func.func @transform_3(%arg0: i32) -> (i32, i32) {
    %c0_i32 = arith.constant 0 : i32
    %c0_i32_0 = arith.constant 0 : i32
    %c0_i32_1 = arith.constant 0 : i32
    return %c0_i32, %c0_i32_0 : i32, i32
  }
  func.func @transform_4(%arg0: i32) -> (i32, i32) {
    %c0_i32 = arith.constant 0 : i32
    %c0_i32_0 = arith.constant 0 : i32
    %c0_i32_1 = arith.constant 0 : i32
    return %c0_i32, %c0_i32_0 : i32, i32
  }
  func.func @transform_5(%arg0: i32) -> (i32, i32) {
    %c0_i32 = arith.constant 0 : i32
    %c0_i32_0 = arith.constant 0 : i32
    %c0_i32_1 = arith.constant 0 : i32
    return %c0_i32, %c0_i32_0 : i32, i32
  }
  func.func @transform_6(%arg0: i32) -> (i32, i32) {
    %c0_i32 = arith.constant 0 : i32
    %c0_i32_0 = arith.constant 0 : i32
    %c0_i32_1 = arith.constant 0 : i32
    return %c0_i32, %c0_i32_0 : i32, i32
  }
  func.func @transform_7(%arg0: i32) -> (i32, i32) {
    %c0_i32 = arith.constant 0 : i32
    %c0_i32_0 = arith.constant 0 : i32
    %c0_i32_1 = arith.constant 0 : i32
    return %c0_i32, %c0_i32_0 : i32, i32
  }
  func.func @transform_8(%arg0: i32) -> (i32, i32) {
    %c0_i32 = arith.constant 0 : i32
    %c0_i32_0 = arith.constant 0 : i32
    %c0_i32_1 = arith.constant 0 : i32
    return %c0_i32, %c0_i32_0 : i32, i32
  }
  func.func @transform_9(%arg0: i32) -> (i32, i32) {
    %c0_i32 = arith.constant 0 : i32
    %c0_i32_0 = arith.constant 0 : i32
    return %arg0, %c0_i32 : i32, i32
  }
  func.func @transform_10(%arg0: i32) -> (i32, i32) {
    %c0_i32 = arith.constant 0 : i32
    %c0_i32_0 = arith.constant 0 : i32
    return %arg0, %c0_i32 : i32, i32
  }
}

module attributes {stable_mosaic.version = 14 : i64} {
  func.func @_tc2_body(%arg0: i32, %arg1: memref<1000x128xf32, #tpu.memory_space<vmem>>, %arg2: memref<2x1000x128xf32, #tpu.memory_space<vmem>>, %arg3: memref<1000x2xf32, #tpu.memory_space<vmem>>, %arg4: memref<1000x128xf32, #tpu.memory_space<vmem>>) attributes {dimension_semantics = [#tpu.dimension_semantics<arbitrary>], iteration_bounds = array<i64: 10>, scalar_prefetch = 0 : i64, scratch_operands = 0 : i64, tpu.core_type = #tpu.core_type<tc>, window_params = [{transform_indices = @transform_0, window_bounds = array<i64: 1000, 128>}, {transform_indices = @transform_1, window_bounds = array<i64: 2, 1000, 128>}, {transform_indices = @transform_2, window_bounds = array<i64: 1000, 2>}, {transform_indices = @transform_3, window_bounds = array<i64: 1000, 128>}]} {
    %get3A = arith.constant 0 : index
    %get3A_0 = arith.constant 0 : index
    %get3A_1 = vector.load %arg3[%get3A, %get3A_0] : memref<1000x2xf32, #tpu.memory_space<vmem>>, vector<1000x1xf32>
    %get3A_2 = vector.shape_cast %get3A_1 : vector<1000x1xf32> to vector<1000xf32>
    %get3A_3 = arith.constant 0 : index
    %get3A_4 = arith.constant 1 : index
    %get3A_5 = vector.load %arg3[%get3A_3, %get3A_4] : memref<1000x2xf32, #tpu.memory_space<vmem>>, vector<1000x1xf32>
    %get3A_6 = vector.shape_cast %get3A_5 : vector<1000x1xf32> to vector<1000xf32>
    %add3A = arith.addf %get3A_2, %get3A_6 : vector<1000xf32>
    %max3A = arith.constant 1.000000e+00 : f32
    %max3A_7 = vector.broadcast %max3A : f32 to vector<1000xf32>
    %max3A_8 = arith.maximumf %add3A, %max3A_7 : vector<1000xf32>
    %div3A = arith.constant 1.000000e+00 : f32
    %div3A_9 = vector.broadcast %div3A : f32 to vector<1000xf32>
    %div3A_10 = arith.divf %div3A_9, %max3A_8 : vector<1000xf32>
    %get3A_11 = arith.constant 0 : index
    %get3A_12 = arith.constant 0 : index
    %get3A_13 = vector.load %arg1[%get3A_11, %get3A_12] : memref<1000x128xf32, #tpu.memory_space<vmem>>, vector<1000x128xf32>
    %get3A_14 = arith.constant 0 : index
    %get3A_15 = arith.constant 0 : index
    %get3A_16 = arith.constant 0 : index
    %get3A_17 = vector.load %arg2[%get3A_14, %get3A_15, %get3A_16] : memref<2x1000x128xf32, #tpu.memory_space<vmem>>, vector<1x1000x128xf32>
    %get3A_18 = vector.shape_cast %get3A_17 : vector<1x1000x128xf32> to vector<1000x128xf32>
    %get3A_19 = arith.constant 1 : index
    %get3A_20 = arith.constant 0 : index
    %get3A_21 = arith.constant 0 : index
    %get3A_22 = vector.load %arg2[%get3A_19, %get3A_20, %get3A_21] : memref<2x1000x128xf32, #tpu.memory_space<vmem>>, vector<1x1000x128xf32>
    %get3A_23 = vector.shape_cast %get3A_22 : vector<1x1000x128xf32> to vector<1000x128xf32>
    %add3A_24 = arith.addf %get3A_18, %get3A_23 : vector<1000x128xf32>
    %broadcast_in_dim3A = vector.shape_cast %div3A_10 : vector<1000xf32> to vector<1000x1xf32>
    %mul3A = vector.broadcast %broadcast_in_dim3A : vector<1000x1xf32> to vector<1000x128xf32>
    %mul3A_25 = arith.mulf %add3A_24, %mul3A : vector<1000x128xf32>
    %add3A_26 = arith.addf %get3A_13, %mul3A_25 : vector<1000x128xf32>
    %swap3A = arith.constant 0 : index
    %swap3A_27 = arith.constant 0 : index
    %swap3A_28 = vector.load %arg4[%swap3A, %swap3A_27] : memref<1000x128xf32, #tpu.memory_space<vmem>>, vector<1000x128xf32>
    tpu.vector_store %arg4[%swap3A, %swap3A_27], %add3A_26 {strides = array<i32>} : memref<1000x128xf32, #tpu.memory_space<vmem>>, vector<1000x128xf32>,
    return
  }
  func.func @transform_0(%arg0: i32) -> (i32, i32) {
    %c0_i32 = arith.constant 0 : i32
    %c0_i32_0 = arith.constant 0 : i32
    return %arg0, %c0_i32 : i32, i32
  }
  func.func @transform_1(%arg0: i32) -> (i32, i32, i32) {
    %c0_i32 = arith.constant 0 : i32
    %c0_i32_0 = arith.constant 0 : i32
    %c0_i32_1 = arith.constant 0 : i32
    return %c0_i32, %arg0, %c0_i32_0 : i32, i32, i32
  }
  func.func @transform_2(%arg0: i32) -> (i32, i32) {
    %c0_i32 = arith.constant 0 : i32
    %c0_i32_0 = arith.constant 0 : i32
    return %arg0, %c0_i32 : i32, i32
  }
  func.func @transform_3(%arg0: i32) -> (i32, i32) {
    %c0_i32 = arith.constant 0 : i32
    %c0_i32_0 = arith.constant 0 : i32
    return %arg0, %c0_i32 : i32, i32
  }
}

</mosaic_0001>

<sc_bundles>
// kernel: kernel.6.cloned.1.call-start
scs
__scs_entry_jumppad:
0x0: {  	(pc) =	sbr.rel $0x88, $3  }
0x1: {  	(tag) =	ssettag $0x0;
	lr =	simm.s32 $0x1  }
0x2: {  	[smem:$0x3F99] =	sst lr;
	_ =	strace $0xD0000000  }
0x3: {  	_ = 	snop  }
0x4: {  	_ = 	snop  }
0x5: {  	_ = 	snop  }
0x6: {  	_ = 	snop  }
0x7: {  	_ = 	snop  }
__scs_overlays_trampoline_lowered:
0x8: {  	[smem:$0x3FA8] =	sst s0  }
0x9: {  	[smem:$0x3FA9] =	sst s1  }
0xa: {  	[smem:$0x3FAA] =	sst s2  }
0xb: {  	[smem:$0x3FAB] =	sst s3  }
0xc: {  	[smem:$0x3FAC] =	sst s4  }
0xd: {  	[smem:$0x3FAD] =	sst s5  }
0xe: {  	[smem:$0x3FAE] =	sst s6  }
0xf: {  	[smem:$0x3FAF] =	sst s7  }
0x10: {  	[smem:$0x3FB0] =	sst s8  }
0x11: {  	[smem:$0x3FB1] =	sst s9;
	s0 =	simm.s32 @!p0 $0x0  }
0x12: {  	s1 =	sld [smem:$0x3F97];
	s0 =	simm.s32 @p0 $0x1  }
0x13: {  	[smem:$0x3FB2] =	sst s0;
	s0 =	simm.s32 @!p1 $0x0  }
0x14: {  	s2 =	sld [smem:$0x3F96];
	s0 =	simm.s32 @p1 $0x1  }
0x15: {  	[smem:$0x3FB3] =	sst s0;
	s0 =	simm.s32 @!p2 $0x0  }
0x16: {  	s3 =	sld [smem:$0x3FDB];
	s0 =	simm.s32 @p2 $0x1  }
0x17: {  	s4 =	simm.s32 $0x1BF5;
	[smem:$0x3FB5] =	sst s0  }
0x18: {  	s0 =	sld [smem:$0x3F98];
	_ =	swait.ge [sflag:s4], $0x0  }
0x19: {  	s7 =	sld [smem:$0x3F99]  }
0x1a: {  	s8 =	sadd.s32 $0xFFFFE003, lr  }
0x1b: {  	s9 =	sadd.s32 $0xFFFFFEF7, lr;
	s5 =	simm.s32 $0xFFFFFFFF;
	p2 =	slt.u32 s8, $0xFFFFF086  }
0x1c: {  	p1 =	slt.u32 s9, $0xF7A;
	s5 =	simm.s32 @!p2 $0x0  }
0x1d: {  	s5 =	simm.s32 @p1 $0x1;
	p0 =	seq.s32 s7, s2  }
0x1e: {  	s7 =	smul.u32 @!p0 $0xF7A, s2;
	p2 =	seq.s32 @!p0 s5, $0x0  }
0x1f: {  	s9 =	smul.u32 $0xF7A, s1;
	s8 =	simm.s32 @!p0 $0x1BF5;
	p2 =	por !p2, p0  }
0x20: {  	[sflag:s8] =	ssyncset.s32 @!p0 $0xFFFFF086;
	s6 =	sadd.s32 @!p0 s3, s7;
	s7 =	simm.s32 @!p0 $0x108  }
0x21: {  	s3 =	sadd.s32 s3, s9;
	s6 =	sadd.s32 @!p0 $0x88, s6;
	s7 =	simm.s32 @p2 $0x1082  }
0x22: {  	[simem:s7], [sflag:s8] =	dma.local @!p0 [hbm:s6], $0xF7A  }
0x23: {  	s9 =	sor.u32 $0xD0000000, s2;
	s6 =	simm.s32 $0x108;
	_ =	swait.ge @!p0 [sflag:s8], $0x0  }
0x24: {  	s3 =	sadd.s32 $0x88, s3;
	s6 =	simm.s32 @!p1 $0x1082;
	[sflag:s4] =	ssyncset.s32 $0xFFFFF086  }
0x25: {  	[simem:s6], [sflag:s4] =	dma.local [hbm:s3], $0xF7A  }
0x26: {  	[smem:$0x3F99] =	sst s1;
	(tag) =	ssettag s2;
	_ =	strace s9  }
0x27: {  	s1 =	sld [smem:$0x3FA9]  }
0x28: {  	s2 =	sld [smem:$0x3FAA]  }
0x29: {  	s4 =	sld [smem:$0x3FAC]  }
0x2a: {  	p0 =	seq.s32 s5, $0x0;
	s5 =	sld [smem:$0x3FAD]  }
0x2b: {  	s6 =	sld [smem:$0x3FAE]  }
0x2c: {  	s7 =	sld [smem:$0x3FAF]  }
0x2d: {  	s3 =	simm.s32 $0x108;
	s8 =	sld [smem:$0x3FB0]  }
0x2e: {  	s3 =	simm.s32 @!p0 $0x1082;
	s9 =	sld [smem:$0x3FB1]  }
0x2f: {  	lr =	sadd.s32 s0, s3;
	s0 =	sld [smem:$0x3FA8]  }
0x30: {  	s3 =	sld [smem:$0x3FAB]  }
0x31: {  	[smem:$0x3FB4] =	sst s10  }
0x32: {  	s10 =	sld [smem:$0x3FB2];
	_ =	sdelay $0x3  }
0x33: {  	p0 =	seq.s32 s10, $0x1;
	s10 =	sld [smem:$0x3FB4];
	_ =	sdelay $0x3  }
0x34: {  	[smem:$0x3FB4] =	sst s10  }
0x35: {  	s10 =	sld [smem:$0x3FB3];
	_ =	sdelay $0x3  }
0x36: {  	p1 =	seq.s32 s10, $0x1;
	s10 =	sld [smem:$0x3FB4];
	_ =	sdelay $0x3  }
0x37: {  	[smem:$0x3FB4] =	sst s10  }
0x38: {  	s10 =	sld [smem:$0x3FB5]  }
0x39: {  	_ = 	snop;
	(pc) =	sbr.ind lr, $3  }
0x3a: {  	_ = 	snop  }
0x3b: {  	_ = 	snop  }
0x3c: {  	p2 =	seq.s32 s10, $0x1;
	s10 =	sld [smem:$0x3FB4]  }
0x3d: {  	_ =	shalt  }
0x3e: {  	_ =	shalt  }
0x3f: {  	_ =	shalt  }
0x40: {  	_ =	shalt  }
0x41: {  	_ =	shalt  }
0x42: {  	_ =	shalt  }
0x43: {  	_ =	shalt  }
0x44: {  	_ =	shalt  }
0x45: {  	_ =	shalt  }
0x46: {  	_ =	shalt  }
0x47: {  	_ =	shalt  }
0x48: {  	_ =	shalt  }
0x49: {  	_ =	shalt  }
0x4a: {  	_ =	shalt  }
0x4b: {  	_ =	shalt  }
0x4c: {  	_ =	shalt  }
0x4d: {  	_ =	shalt  }
0x4e: {  	_ =	shalt  }
0x4f: {  	_ =	shalt  }
0x50: {  	_ =	shalt  }
0x51: {  	_ =	shalt  }
0x52: {  	_ =	shalt  }
0x53: {  	_ =	shalt  }
0x54: {  	_ =	shalt  }
0x55: {  	_ =	shalt  }
0x56: {  	_ =	shalt  }
0x57: {  	_ =	shalt  }
0x58: {  	_ =	shalt  }
0x59: {  	_ =	shalt  }
0x5a: {  	_ =	shalt  }
0x5b: {  	_ =	shalt  }
0x5c: {  	_ =	shalt  }
0x5d: {  	_ =	shalt  }
0x5e: {  	_ =	shalt  }
0x5f: {  	_ =	shalt  }
0x60: {  	_ =	shalt  }
0x61: {  	_ =	shalt  }
0x62: {  	_ =	shalt  }
0x63: {  	_ =	shalt  }
0x64: {  	_ =	shalt  }
0x65: {  	_ =	shalt  }
0x66: {  	_ =	shalt  }
0x67: {  	_ =	shalt  }
0x68: {  	_ =	shalt  }
0x69: {  	_ =	shalt  }
0x6a: {  	_ =	shalt  }
0x6b: {  	_ =	shalt  }
0x6c: {  	_ =	shalt  }
0x6d: {  	_ =	shalt  }
0x6e: {  	_ =	shalt  }
0x6f: {  	_ =	shalt  }
0x70: {  	_ =	shalt  }
0x71: {  	_ =	shalt  }
0x72: {  	_ =	shalt  }
0x73: {  	_ =	shalt  }
0x74: {  	_ =	shalt  }
0x75: {  	_ =	shalt  }
0x76: {  	_ =	shalt  }
0x77: {  	_ =	shalt  }
0x78: {  	_ =	shalt  }
0x79: {  	_ =	shalt  }
0x7a: {  	_ =	shalt  }
0x7b: {  	_ =	shalt  }
0x7c: {  	_ =	shalt  }
0x7d: {  	_ =	shalt  }
0x7e: {  	_ =	shalt  }
0x7f: {  	_ =	shalt  }
0x80: {  	_ =	shalt  }
0x81: {  	_ =	shalt  }
0x82: {  	_ =	shalt  }
0x83: {  	_ =	shalt  }
0x84: {  	_ =	shalt  }
0x85: {  	_ =	shalt  }
0x86: {  	_ =	shalt  }
0x87: {  	_ =	shalt  }
.Lfunc_end0:
.L_simem_size_0:
called_computation_lowered:
.L_overlay_start_0:
0x88: {  	s2 =	sld [smem:$0x3FD9]  }
0x89: {  	s3 =	sld [smem:$0x3FFE];
	_ =	sdelay $0x1  }
0x8a: {  	s1 =	srdreg.scid  }
0x8b: {  	s0 =	sand.u32 $0x1, s1  }
0x8c: {  	s17 =	sshll.u32 s0, $0xA;
	s2 =	sadd.s32 s3, s2  }
0x8d: {  	s2 =	sadd.s32 s2, s17  }
0x8e: {  	[smem:$0x3FC0] =	sst s2  }
0x8f: {  	_ = 	snop  }
0x90: {  	s2 =	sld [smem:$0x3FC9]  }
0x91: {  	s18 =	sld [smem:$0x3FD0];
	(tm) =	ssettm $0x1  }
0x92: {  	s4 =	sld [smem:$0x3FFB];
	_ =	sdelay $0x3  }
0x93: {  	_ =	strace s4  }
0x94: {  	s4 =	sld [smem:$0x3FFC];
	_ =	sdelay $0x3  }
0x95: {  	_ =	strace s4  }
0x96: {  	s4 =	sld [smem:$0x3FFD];
	_ =	sdelay $0x3  }
0x97: {  	_ =	strace s4  }
0x98: {  	_ =	strace $0x8FFFFFFF  }
0x99: {  	s19 =	sld [smem:$0x3FDB];
	_ =	sdelay $0x1  }
0x9a: {  	s5 =	simm.s32 $_scs_section_size  }
0x9b: {  	s6 =	simm.s32 $_size__tile_overlayer_lowered;
	s7 =	simm.s32 $_tile_overlayer_lowered  }
0x9c: {  	s22 =	simm.s32 $0x1BFF;
	s21 =	sshll.u32 s7, $0x1;
	s4 =	sadd.s32 s5, s19  }
0x9d: {  	s8 =	simm.s32 $0x0;
	s20 =	sshll.u32 s6, $0x1;
	s6 =	sadd.s32 s21, s4  }
0x9e: {  	[timem:s8], [sflag:s22] =	dma.local [hbm:s6], s20  }
0x9f: {  	_ =	swait.ge [sflag:s22], s20  }
0xa0: {  	s5 =	ssub.s32 $0x0, s20;
	[sflag:s22] =	ssyncset.done $0x0  }
0xa1: {  	[sflag:s22] =	ssyncadd.s32 s5;
	_ =	sdelay $0x1  }
0xa2: {  	s23 =	simm.s32 $0x1B8B  }
0xa3: {  	_ =	swait.ge [sflag:s23], $0x1  }
0xa4: {  	[sflag:s23] =	ssyncset.done $0x0  }
0xa5: {  	s25 =	simm.s32 $0x1B8E;
	s24 =	sld [smem:$0x3FFE];
	[sflag:s23] =	ssyncadd.s32 $0xFFFFFFFF  }
0xa6: {  	s26 =	simm.s32 $execute0_lowered;
	[smem:$0x3FD2] =	sst s25  }
0xa7: {  	s6 =	sshll.u32 s26, $0x1;
	_ =	strace $0x80000046;
	[dreg:$0x1] =	wrdreg $0xFFFFFFFF  }
0xa8: {  	s28 =	simm.s32 $_size_execute0_lowered;
	s4 =	sadd.s32 s4, s6;
	[dreg:$0x0] =	wrdreg $0x0  }
0xa9: {  	s6 =	sshll.u32 s28, $0x1;
	[dreg:$0x2] =	wrdreg s4  }
0xaa: {  	[dreg:$0x3] =	wrdreg s6  }
0xab: {  	[dreg:$0x4] =	wrdreg $0xC0  }
0xac: {  	_ =	task [dreg:s8], $0x5FFFF  }
0xad: {  	[dreg:$0x1] =	wrdreg $0xFFFFFFFF  }
0xae: {  	[dreg:$0x0] =	wrdreg $0x60  }
0xaf: {  	[dreg:$0x2] =	wrdreg s2  }
0xb0: {  	[dreg:$0x3] =	wrdreg s24  }
0xb1: {  	[dreg:$0x4] =	wrdreg s18  }
0xb2: {  	[dreg:$0x5] =	wrdreg $0x90000  }
0xb3: {  	[dreg:$0x6] =	wrdreg $0x1CC000  }
0xb4: {  	[dreg:$0x7] =	wrdreg $0x9  }
0xb5: {  	_ =	task.clear_ibuf [dreg:s8], $0x8FFFF;
	_ =	strace $0x90000046  }
0xb6: {  	s29 =	simm.s32 $0x9;
	_ =	strace $0x80000048  }
0xb7: {  	_ =	swait.ge [sflag:s29], $0x1  }
0xb8: {  	[sflag:s29] =	ssyncadd.s32 $0xFFFFFFFF  }
0xb9: {  	_ =	strace $0x90000048  }
0xba: {  	_ =	sfence  }
0xbb: {  	s30 =	sld [smem:$0x0];
	_ =	sdelay $0x2  }
0xbc: {  	s31 =	sshll.u32 s1, $0xD;
	s1 =	sshrl.u32 s1, $0x2  }
0xbd: {  	s3 =	sand.u32 $0x4000, s31;
	s1 =	sadd.s32 s1, s30  }
0xbe: {  	s0 =	sor.u32 s3, s0;
	s1 =	sshll.u32 s1, $0x11  }
0xbf: {  	s0 =	sor.u32 s1, s0  }
0xc0: {  	s0 =	sadd.s32 $0x8F2B, s0  }
0xc1: {  	[sflag:s0] =	ssyncadd.remote.s32 $0x1  }
0xc2: {  	_ =	sfence.sel $0xFFFF  }
0xc3: {  	[dreg:$0x0] =	wrdreg $0xFFFFFFFF;
	(pc) =	sbr.abs _section_cstart, $3  }
0xc4: {  	[dreg:$0x1] =	wrdreg $0xFFFFFFFF  }
0xc5: {  	_ =	task.clear_ibuf [dreg:s8], $0x2FFFF;
	_ =	strace $0x9FFFFFFF  }
0xc6: {  	(tm) =	ssettm $0x7FFFFFFF  }
0xc7: {  	_ =	shalt  }
tec
execute0_lowered:
.L_overlay_start_1:
0x0: {  	(tag) =	ssettag $0x1  }
0x1: {  	s1 =	rddreg [dreg:$0x0]  }
0x2: {  	s0 =	rddreg [dreg:$0x1]  }
0x3: {  	s4 =	rddreg [dreg:$0x2]  }
0x4: {  	s2 =	rddreg [dreg:$0x3]  }
0x5: {  	s3 =	rddreg [dreg:$0x4]  }
0x6: {  	s6 =	srdreg.scid;
	s5 =	simm.s32 $0x0;
	s18 =	stileid.u32  }
0x7: {  	s28 =	simm.s32 $0xA;
	s31 =	simm.s32 $0x8D80;
	s9 =	smul.u32 $0x13C00, s18  }
0x8: {  	s30 =	simm.s32 $0x7;
	s6 =	sand.u32 $0x1, s6;
	s15 =	smul.u32 $0x2710, s18  }
0x9: {  	[smem:$0x7FF] =	sst s5;
	s10 =	sadd.s32 $0xBC00, s0;
	s7 =	smul.u32 $0x13C000, s6  }
0xa: {  	s11 =	sadd.s32 $0x1E00, s0;
	s8 =	sshll.u32 s6, $0x4;
	s12 =	smul.u32 $0x27100, s6  }
0xb: {  	s26 =	ssub.s32 $0x2, s6;
	s6 =	smul.u32 $0x2780, s6;
	s8 =	sor.u32 s18, s8  }
0xc: {  	_ =	strace $0x80000047;
	s13 =	sshrl.u32 s26, $0x1;
	s8 =	smul.u32 $0x2710, s8  }
0xd: {  	s7 =	sadd.s32 s9, s7;
	s9 =	ssub.s32 s26, s13;
	s12 =	sadd.s32 s15, s12  }
0xe: {  	s13 =	smul.u32 $0x278, s18;
	s15 =	sadd.s32 $0x400, s12;
	s26 =	sadd.s32 $0x300, s12  }
0xf: {  	s7 =	sshrl.u32 s7, $0x3;
	s8 =	sshrl.u32 s8, $0x3;
	s21 =	sshrl.u32 s15, $0x3  }
0x10: {  	s6 =	sadd.s32 s13, s6;
	s29 =	sadd.s32 s13, s3;
	s17 =	sadd.s32 s11, s8  }
0x11: {  	s14 =	sadd.s32 $0x4E0, s8;
	s23 =	sadd.s32 s21, s11;
	[dreg:$0x11] =	wrdreg s17  }
0x12: {  	s13 =	simm.s32 $0x100;
	s16 =	sadd.s32 s10, s14;
	[dreg:$0x6] =	wrdreg s23  }
0x13: {  	s19 =	sadd.s32 $0x10, s8;
	s14 =	sadd.s32 s11, s14;
	[dreg:$0xe] =	wrdreg s16  }
0x14: {  	s22 =	sadd.s32 $0x20, s8;
	s20 =	sadd.s32 s10, s19;
	[dreg:$0xf] =	wrdreg s14  }
0x15: {  	s6 =	sshrl.u32 s6, $0x3;
	s15 =	sadd.s32 s11, s22;
	[dreg:$0x12] =	wrdreg s20  }
0x16: {  	s17 =	sadd.s32 $0x380, s12;
	s4 =	sadd.s32 s4, s6;
	[dreg:$0x15] =	wrdreg s15  }
0x17: {  	s12 =	sadd.s32 $0x280, s12;
	s16 =	sadd.s32 s10, s8;
	[dreg:$0x16] =	wrdreg s4  }
0x18: {  	s14 =	sadd.s32 s11, s19;
	s24 =	sshrl.u32 s17, $0x3;
	[dreg:$0x10] =	wrdreg s16  }
0x19: {  	s19 =	sshrl.u32 s26, $0x3;
	[dreg:$0x13] =	wrdreg s14;
	s14 =	sadd.s32 s21, s10  }
0x1a: {  	s12 =	sshrl.u32 s12, $0x3;
	s25 =	sadd.s32 s24, s11;
	[dreg:$0x7] =	wrdreg s14  }
0x1b: {  	s26 =	sadd.s32 $0x40, s8;
	s16 =	sadd.s32 s24, s10;
	[dreg:$0x8] =	wrdreg s25  }
0x1c: {  	s20 =	sadd.s32 s19, s11;
	s21 =	sadd.s32 s10, s22;
	[dreg:$0x9] =	wrdreg s16  }
0x1d: {  	s22 =	sadd.s32 $0x30, s8;
	s23 =	sadd.s32 s19, s10;
	[dreg:$0x14] =	wrdreg s21  }
0x1e: {  	s24 =	sadd.s32 s12, s11;
	s17 =	sadd.s32 s10, s26;
	[dreg:$0xa] =	wrdreg s20  }
0x1f: {  	s4 =	sadd.s32 s11, s26;
	s26 =	smax.u32 s9, $0x1;
	[dreg:$0xb] =	wrdreg s23  }
0x20: {  	s9 =	simm.s32 $0x9;
	s25 =	sadd.s32 s10, s22;
	[dreg:$0xc] =	wrdreg s24  }
0x21: {  	s15 =	sadd.s32 s11, s22;
	s16 =	sadd.s32 $0x4D0, s8;
	[dreg:$0x19] =	wrdreg s17  }
0x22: {  	[dreg:$0x1a] =	wrdreg s4;
	s20 =	smul.u32 $0x4F000, s18;
	s21 =	sadd.s32 s12, s10  }
0x23: {  	s22 =	sadd.s32 s7, s0;
	s0 =	sadd.s32 $0x15A00, s0;
	s24 =	sshll.u32 s18, $0x6  }
0x24: {  	[smem:$0x7FD] =	sst s26;
	s7 =	simm.s32 $0x3;
	s8 =	simm.s32 $0x8D00  }
0x25: {  	s12 =	simm.s32 $0x280;
	s14 =	simm.s32 $0x300;
	[dreg:$0x17] =	wrdreg s25  }
0x26: {  	s17 =	simm.s32 $0x6;
	s18 =	simm.s32 $0x4400;
	[dreg:$0x18] =	wrdreg s15  }
0x27: {  	s19 =	sadd.s32 s11, s16;
	s6 =	sadd.s32 s10, s16;
	[dreg:$0xd] =	wrdreg s21  }
0x28: {  	[dreg:$0x1d] =	wrdreg s0;
	s25 =	sadd.s32 $0x18200, s22;
	s10 =	simm.s32 $0x200  }
0x29: {  	s11 =	simm.s32 $0x80;
	s15 =	simm.s32 $0x5;
	[dreg:$0x1b] =	wrdreg s19  }
0x2a: {  	s16 =	simm.s32 $0x400;
	s21 =	simm.s32 $0x2;
	[dreg:$0x1c] =	wrdreg s6  }
0x2b: {  	s22 =	simm.s32 $0x4;
	s4 =	sshrl.u32 s20, $0x2;
	[smem:$0x7FC] =	sst s25  }
0x2c: {  	s6 =	simm.s32 $0x1;
	s19 =	simm.s32 $0x180;
	s23 =	sadd.s32 s4, s2  }
0x2d: {  	s20 =	simm.s32 $0x380;
	[dreg:$0x1e] =	wrdreg s23;
	s23 =	sor.u32 $0x1C0A, s24  }
0x2e: {  	v0 =	vimm.f32 $0.0e+00;
	v1 =	vimm.f32 $1.000000000e+00;
	s25 =	simm.s32 $0x0;
	s4 =	simm.s32 $0x8;
	[dreg:$0x1f] =	wrdreg s23  }
.LBB2_1:
0x2f: {  	s0 =	rddreg [dreg:$0x1e]  }
0x30: {  	s24 =	rddreg [dreg:$0x1d];
	s26 =	sshrl.u32 s0, $0x3  }
0x31: {  	[spmem:s26], [sflag:s23] =	dma.local [hbm:s24], $0x2780  }
0x32: {  	_ =	swait.ge [sflag:s28], $0x2780  }
0x33: {  	[sflag:s28] =	ssyncset.done $0x0  }
0x34: {  	[sflag:s28] =	ssyncadd.s32 $0xFFFFD880  }
0x35: {  	[tilespmem:$0x8D80] =	vst v0  }
0x36: {  	[tilespmem:$0x8D90] =	vst v0  }
0x37: {  	[tilespmem:$0x8DA0] =	vst v0  }
0x38: {  	[tilespmem:$0x8DB0] =	vst v0  }
0x39: {  	[tilespmem:$0x8DC0] =	vst v0  }
0x3a: {  	[tilespmem:$0x8DD0] =	vst v0  }
0x3b: {  	[tilespmem:$0x8DE0] =	vst v0  }
0x3c: {  	[tilespmem:$0x8DF0] =	vst v0  }
0x3d: {  	[tilespmem:$0x8E00] =	vst v0  }
0x3e: {  	[tilespmem:$0x8E10] =	vst v0  }
0x3f: {  	[tilespmem:$0x8E20] =	vst v0  }
0x40: {  	[tilespmem:$0x8E30] =	vst v0  }
0x41: {  	[tilespmem:$0x8E40] =	vst v0  }
0x42: {  	[tilespmem:$0x8E50] =	vst v0  }
0x43: {  	[tilespmem:$0x8E60] =	vst v0  }
0x44: {  	[tilespmem:$0x8E70] =	vst v0  }
0x45: {  	[tilespmem:$0x8E80] =	vst v0  }
0x46: {  	[tilespmem:$0x8E90] =	vst v0  }
0x47: {  	[tilespmem:$0x8EA0] =	vst v0  }
0x48: {  	[tilespmem:$0x8EB0] =	vst v0  }
0x49: {  	[tilespmem:$0x8EC0] =	vst v0  }
0x4a: {  	[tilespmem:$0x8ED0] =	vst v0  }
0x4b: {  	[tilespmem:$0x8EE0] =	vst v0  }
0x4c: {  	[tilespmem:$0x8EF0] =	vst v0  }
0x4d: {  	[tilespmem:$0x8F00] =	vst v0  }
0x4e: {  	[tilespmem:$0x8F10] =	vst v0  }
0x4f: {  	[tilespmem:$0x8F20] =	vst v0  }
0x50: {  	[tilespmem:$0x8F30] =	vst v0  }
0x51: {  	[tilespmem:$0x8F40] =	vst v0  }
0x52: {  	[tilespmem:$0x8F50] =	vst v0  }
0x53: {  	[tilespmem:$0x8F60] =	vst v0  }
0x54: {  	[tilespmem:$0x8F70] =	vst v0  }
0x55: {  	[tilespmem:$0x8F80] =	vst v0  }
0x56: {  	[tilespmem:$0x8F90] =	vst v0  }
0x57: {  	[tilespmem:$0x8FA0] =	vst v0  }
0x58: {  	[tilespmem:$0x8FB0] =	vst v0  }
0x59: {  	[tilespmem:$0x8FC0] =	vst v0  }
0x5a: {  	[tilespmem:$0x8FD0] =	vst v0  }
0x5b: {  	[tilespmem:$0x8FE0] =	vst v0  }
0x5c: {  	[tilespmem:$0x8FE8] =	vst v0  }
0x5d: {  	[spmem:s29] =	stream.linear.scatter [tilespmem:s31], [sflag:$0xA], $0x278, $0x38;
	[tilespmem:$0x1CE78] =	vst v63  }
0x5e: {  	_ =	swait.ge [sflag:s28], $0x278  }
0x5f: {  	[sflag:s28] =	ssyncset.done $0x0  }
0x60: {  	[sflag:s28] =	ssyncadd.s32 $0xFFFFFD88  }
0x61: {  	[tilespmem:$0x8D00] =	vst v1  }
0x62: {  	[tilespmem:$0x8D10] =	vst v1  }
0x63: {  	[tilespmem:$0x8D20] =	vst v1  }
0x64: {  	[tilespmem:$0x8D30] =	vst v1  }
0x65: {  	[tilespmem:$0x8D40] =	vst v1  }
0x66: {  	[tilespmem:$0x8D50] =	vst v1  }
0x67: {  	[tilespmem:$0x8D60] =	vst v1  }
0x68: {  	[tilespmem:$0x8D70] =	vst v1  }
0x69: {  	[bflag:$0x0] =	sbarrier.arrive $0xFFFF  }
0x6a: {  	s23 =	simm.s32 $0x8400;
	s0 =	rddreg [dreg:$0xe]  }
0x6b: {  	[tilespmem:s23], [sflag:$0xA] =	stream.linear.gather [hbm4b:s0+s5], $0x10, $0x38;
	[tilespmem:$0x1CE78] =	vst v63  }
0x6c: {  	_ =	swait.ge [sflag:s28], $0x10  }
0x6d: {  	s24 =	smov.u32 s29;
	[sflag:s28] =	ssyncset.done $0x0  }
0x6e: {  	s29 =	simm.s32 $0x8480;
	s0 =	rddreg [dreg:$0xf];
	[sflag:s28] =	ssyncadd.s32 $0xFFFFFFF0  }
0x6f: {  	[tilespmem:s29], [sflag:$0xA] =	stream.linear.gather [hbm4b:s0+s5], $0x10, $0x38;
	[tilespmem:$0x1CE78] =	vst v63  }
0x70: {  	_ =	swait.ge [sflag:s28], $0x10  }
0x71: {  	[sflag:s28] =	ssyncset.done $0x0  }
0x72: {  	s31 =	simm.s32 $0x8500;
	s0 =	simm.s32 $0x10;
	[sflag:s28] =	ssyncadd.s32 $0xFFFFFFF0  }
0x73: {  	[tilespmem:s31], [sflag:$0x1] =	stream.indirect.gather [hbm4b:s1+s0], $0x80, s23, s0, $0xb8;
	[tilespmem:$0x1CE78] =	vst v63  }
0x74: {  	_ =	swait.ge [sflag:s6], $0x800  }
0x75: {  	[sflag:s6] =	ssyncset.done $0x0  }
0x76: {  	[sflag:s6] =	ssyncadd.s32 $0xFFFFF800  }
0x77: {  	[spmem:s2] =	stream.indirect.scatter.add.f32 [tilespmem:s31], [sflag:$0x3], $0x80, s29, s0, $0xb8;
	[tilespmem:$0x1CE78] =	vst v63  }
0x78: {  	_ =	swait.ge [sflag:s7], $0x800  }
0x79: {  	[sflag:s7] =	ssyncset.done $0x0  }
0x7a: {  	[sflag:s7] =	ssyncadd.s32 $0xFFFFF800  }
0x7b: {  	[spmem:s3] =	stream.indirect.scatter.add.f32 [tilespmem:s8], [sflag:$0x9], $0x1, s29, s0, $0xb8;
	[tilespmem:$0x1CE78] =	vst v63  }
0x7c: {  	_ =	swait.ge [sflag:s9], $0x10  }
0x7d: {  	[sflag:s9] =	ssyncset.done $0x0  }
0x7e: {  	s23 =	rddreg [dreg:$0x10];
	[sflag:s9] =	ssyncadd.s32 $0xFFFFFFF0  }
0x7f: {  	[tilespmem:s5], [sflag:$0x5] =	stream.linear.gather [hbm4b:s23+s5], $0x80, $0x38;
	[tilespmem:$0x1CE78] =	vst v63  }
0x80: {  	s23 =	rddreg [dreg:$0x11]  }
0x81: {  	[tilespmem:s10], [sflag:$0x5] =	stream.linear.gather [hbm4b:s23+s5], $0x80, $0x38;
	[tilespmem:$0x1CE78] =	vst v63  }
0x82: {  	s23 =	rddreg [dreg:$0x12]  }
0x83: {  	[tilespmem:s11], [sflag:$0x6] =	stream.linear.gather [hbm4b:s23+s5], $0x80, $0x38;
	[tilespmem:$0x1CE78] =	vst v63  }
0x84: {  	s23 =	rddreg [dreg:$0x13]  }
0x85: {  	[tilespmem:s12], [sflag:$0x6] =	stream.linear.gather [hbm4b:s23+s5], $0x80, $0x38;
	[tilespmem:$0x1CE78] =	vst v63  }
0x86: {  	s23 =	rddreg [dreg:$0x14]  }
0x87: {  	[tilespmem:s13], [sflag:$0x7] =	stream.linear.gather [hbm4b:s23+s5], $0x80, $0x38;
	[tilespmem:$0x1CE78] =	vst v63  }
0x88: {  	s23 =	rddreg [dreg:$0x15]  }
0x89: {  	[tilespmem:s14], [sflag:$0x7] =	stream.linear.gather [hbm4b:s23+s5], $0x80, $0x38;
	[tilespmem:$0x1CE78] =	vst v63  }
0x8a: {  	_ =	swait.ge [sflag:s15], $0x80  }
0x8b: {  	[sflag:s15] =	ssyncset.done $0x0  }
0x8c: {  	[sflag:s15] =	ssyncadd.s32 $0xFFFFFF80  }
0x8d: {  	_ =	swait.ge [sflag:s15], $0x80  }
0x8e: {  	[sflag:s15] =	ssyncset.done $0x0  }
0x8f: {  	[sflag:s15] =	ssyncadd.s32 $0xFFFFFF80  }
0x90: {  	[tilespmem:s16], [sflag:$0x1] =	stream.indirect.gather [hbm4b:s1+s11], $0x80, s5, s11, $0xb8;
	[tilespmem:$0x1CE78] =	vst v63  }
0x91: {  	_ =	swait.ge [sflag:s6], $0x4000  }
0x92: {  	[sflag:s6] =	ssyncset.done $0x0  }
0x93: {  	[sflag:s6] =	ssyncadd.s32 $0xFFFFC000  }
0x94: {  	[spmem:s2] =	stream.indirect.scatter.add.f32 [tilespmem:s16], [sflag:$0x3], $0x80, s10, s11, $0xb8;
	[tilespmem:$0x1CE78] =	vst v63  }
0x95: {  	_ = 	snop  }
0x96: {  	[spmem:s3] =	stream.indirect.scatter.add.f32 [tilespmem:s8], [sflag:$0x9], $0x1, s10, s11, $0xb8;
	[tilespmem:$0x1CE78] =	vst v63  }
0x97: {  	_ =	swait.ge [sflag:s17], $0x80  }
0x98: {  	[sflag:s17] =	ssyncset.done $0x0  }
0x99: {  	[sflag:s17] =	ssyncadd.s32 $0xFFFFFF80  }
0x9a: {  	_ =	swait.ge [sflag:s17], $0x80  }
0x9b: {  	[sflag:s17] =	ssyncset.done $0x0  }
0x9c: {  	[sflag:s17] =	ssyncadd.s32 $0xFFFFFF80  }
0x9d: {  	[tilespmem:s18], [sflag:$0x2] =	stream.indirect.gather [hbm4b:s1+s11], $0x80, s11, s11, $0xb8;
	[tilespmem:$0x1CE78] =	vst v63  }
0x9e: {  	s23 =	rddreg [dreg:$0x17]  }
0x9f: {  	[tilespmem:s19], [sflag:$0x8] =	stream.linear.gather [hbm4b:s23+s5], $0x80, $0x38;
	[tilespmem:$0x1CE78] =	vst v63  }
0xa0: {  	s23 =	rddreg [dreg:$0x18]  }
0xa1: {  	[tilespmem:s20], [sflag:$0x8] =	stream.linear.gather [hbm4b:s23+s5], $0x80, $0x38;
	[tilespmem:$0x1CE78] =	vst v63  }
0xa2: {  	_ =	swait.ge [sflag:s21], $0x4000  }
0xa3: {  	[sflag:s21] =	ssyncset.done $0x0  }
0xa4: {  	[sflag:s21] =	ssyncadd.s32 $0xFFFFC000  }
0xa5: {  	[spmem:s2] =	stream.indirect.scatter.add.f32 [tilespmem:s18], [sflag:$0x4], $0x80, s12, s11, $0xb8;
	[tilespmem:$0x1CE78] =	vst v63  }
0xa6: {  	_ = 	snop  }
0xa7: {  	[spmem:s3] =	stream.indirect.scatter.add.f32 [tilespmem:s8], [sflag:$0x9], $0x1, s12, s11, $0xb8;
	[tilespmem:$0x1CE78] =	vst v63  }
0xa8: {  	_ =	swait.ge [sflag:s7], $0x4000  }
0xa9: {  	[sflag:s7] =	ssyncset.done $0x0  }
0xaa: {  	[sflag:s7] =	ssyncadd.s32 $0xFFFFC000  }
0xab: {  	_ =	swait.ge [sflag:s30], $0x80  }
0xac: {  	[sflag:s30] =	ssyncset.done $0x0  }
0xad: {  	[sflag:s30] =	ssyncadd.s32 $0xFFFFFF80  }
0xae: {  	_ =	swait.ge [sflag:s30], $0x80  }
0xaf: {  	[sflag:s30] =	ssyncset.done $0x0  }
0xb0: {  	[sflag:s30] =	ssyncadd.s32 $0xFFFFFF80  }
0xb1: {  	[tilespmem:s16], [sflag:$0x1] =	stream.indirect.gather [hbm4b:s1+s11], $0x80, s13, s11, $0xb8;
	[tilespmem:$0x1CE78] =	vst v63  }
0xb2: {  	s23 =	rddreg [dreg:$0x19]  }
0xb3: {  	[tilespmem:s5], [sflag:$0x5] =	stream.linear.gather [hbm4b:s23+s5], $0x80, $0x38;
	[tilespmem:$0x1CE78] =	vst v63  }
0xb4: {  	s23 =	rddreg [dreg:$0x1a]  }
0xb5: {  	[tilespmem:s10], [sflag:$0x5] =	stream.linear.gather [hbm4b:s23+s5], $0x80, $0x38;
	[tilespmem:$0x1CE78] =	vst v63  }
0xb6: {  	_ =	swait.ge [sflag:s6], $0x4000  }
0xb7: {  	[sflag:s6] =	ssyncset.done $0x0  }
0xb8: {  	[sflag:s6] =	ssyncadd.s32 $0xFFFFC000  }
0xb9: {  	[spmem:s2] =	stream.indirect.scatter.add.f32 [tilespmem:s16], [sflag:$0x3], $0x80, s14, s11, $0xb8;
	[tilespmem:$0x1CE78] =	vst v63  }
0xba: {  	_ = 	snop  }
0xbb: {  	[spmem:s3] =	stream.indirect.scatter.add.f32 [tilespmem:s8], [sflag:$0x9], $0x1, s14, s11, $0xb8;
	[tilespmem:$0x1CE78] =	vst v63  }
0xbc: {  	_ =	swait.ge [sflag:s22], $0x4000  }
0xbd: {  	[sflag:s22] =	ssyncset.done $0x0  }
0xbe: {  	[sflag:s22] =	ssyncadd.s32 $0xFFFFC000  }
0xbf: {  	_ =	swait.ge [sflag:s4], $0x80  }
0xc0: {  	[sflag:s4] =	ssyncset.done $0x0  }
0xc1: {  	[sflag:s4] =	ssyncadd.s32 $0xFFFFFF80  }
0xc2: {  	_ =	swait.ge [sflag:s4], $0x80  }
0xc3: {  	[sflag:s4] =	ssyncset.done $0x0  }
0xc4: {  	s29 =	rddreg [dreg:$0xd];
	[sflag:s4] =	ssyncadd.s32 $0xFFFFFF80  }
0xc5: {  	[tilespmem:s18], [sflag:$0x2] =	stream.indirect.gather [hbm4b:s1+s11], $0x80, s19, s11, $0xb8;
	[tilespmem:$0x1CE78] =	vst v63  }
0xc6: {  	s31 =	rddreg [dreg:$0xc];
	s29 =	sadd.s32 $0x0, s29  }
0xc7: {  	[tilespmem:s11], [sflag:$0x6] =	stream.linear.gather [hbm4b:s29+s5], $0x80, $0x38;
	[tilespmem:$0x1CE78] =	vst v63  }
0xc8: {  	s29 =	sadd.s32 $0x0, s31  }
0xc9: {  	[tilespmem:s12], [sflag:$0x6] =	stream.linear.gather [hbm4b:s29+s5], $0x80, $0x38;
	[tilespmem:$0x1CE78] =	vst v63  }
0xca: {  	_ =	swait.ge [sflag:s21], $0x4000  }
0xcb: {  	[sflag:s21] =	ssyncset.done $0x0  }
0xcc: {  	[sflag:s21] =	ssyncadd.s32 $0xFFFFC000  }
0xcd: {  	[spmem:s2] =	stream.indirect.scatter.add.f32 [tilespmem:s18], [sflag:$0x4], $0x80, s20, s11, $0xb8;
	[tilespmem:$0x1CE78] =	vst v63  }
0xce: {  	_ = 	snop  }
0xcf: {  	[spmem:s3] =	stream.indirect.scatter.add.f32 [tilespmem:s8], [sflag:$0x9], $0x1, s20, s11, $0xb8;
	[tilespmem:$0x1CE78] =	vst v63  }
0xd0: {  	_ =	swait.ge [sflag:s7], $0x4000  }
0xd1: {  	[sflag:s7] =	ssyncset.done $0x0  }
0xd2: {  	[sflag:s7] =	ssyncadd.s32 $0xFFFFC000  }
0xd3: {  	_ =	swait.ge [sflag:s15], $0x80  }
0xd4: {  	[sflag:s15] =	ssyncset.done $0x0  }
0xd5: {  	[sflag:s15] =	ssyncadd.s32 $0xFFFFFF80  }
0xd6: {  	_ =	swait.ge [sflag:s15], $0x80  }
0xd7: {  	[sflag:s15] =	ssyncset.done $0x0  }
0xd8: {  	s29 =	rddreg [dreg:$0xb];
	[sflag:s15] =	ssyncadd.s32 $0xFFFFFF80  }
0xd9: {  	[tilespmem:s16], [sflag:$0x1] =	stream.indirect.gather [hbm4b:s1+s11], $0x80, s5, s11, $0xb8;
	[tilespmem:$0x1CE78] =	vst v63  }
0xda: {  	s31 =	rddreg [dreg:$0xa];
	s29 =	sadd.s32 $0x0, s29  }
0xdb: {  	[tilespmem:s13], [sflag:$0x7] =	stream.linear.gather [hbm4b:s29+s5], $0x80, $0x38;
	[tilespmem:$0x1CE78] =	vst v63  }
0xdc: {  	s29 =	sadd.s32 $0x0, s31  }
0xdd: {  	[tilespmem:s14], [sflag:$0x7] =	stream.linear.gather [hbm4b:s29+s5], $0x80, $0x38;
	[tilespmem:$0x1CE78] =	vst v63  }
0xde: {  	_ =	swait.ge [sflag:s6], $0x4000  }
0xdf: {  	[sflag:s6] =	ssyncset.done $0x0  }
0xe0: {  	[sflag:s6] =	ssyncadd.s32 $0xFFFFC000  }
0xe1: {  	[spmem:s2] =	stream.indirect.scatter.add.f32 [tilespmem:s16], [sflag:$0x3], $0x80, s10, s11, $0xb8;
	[tilespmem:$0x1CE78] =	vst v63  }
0xe2: {  	_ = 	snop  }
0xe3: {  	[spmem:s3] =	stream.indirect.scatter.add.f32 [tilespmem:s8], [sflag:$0x9], $0x1, s10, s11, $0xb8;
	[tilespmem:$0x1CE78] =	vst v63  }
0xe4: {  	_ =	swait.ge [sflag:s22], $0x4000  }
0xe5: {  	[sflag:s22] =	ssyncset.done $0x0  }
0xe6: {  	[sflag:s22] =	ssyncadd.s32 $0xFFFFC000  }
0xe7: {  	_ =	swait.ge [sflag:s17], $0x80  }
0xe8: {  	[sflag:s17] =	ssyncset.done $0x0  }
0xe9: {  	[sflag:s17] =	ssyncadd.s32 $0xFFFFFF80  }
0xea: {  	_ =	swait.ge [sflag:s17], $0x80  }
0xeb: {  	[sflag:s17] =	ssyncset.done $0x0  }
0xec: {  	s29 =	rddreg [dreg:$0x9];
	[sflag:s17] =	ssyncadd.s32 $0xFFFFFF80  }
0xed: {  	[tilespmem:s18], [sflag:$0x2] =	stream.indirect.gather [hbm4b:s1+s11], $0x80, s11, s11, $0xb8;
	[tilespmem:$0x1CE78] =	vst v63  }
0xee: {  	s31 =	rddreg [dreg:$0x8];
	s29 =	sadd.s32 $0x0, s29  }
0xef: {  	[tilespmem:s19], [sflag:$0x8] =	stream.linear.gather [hbm4b:s29+s5], $0x80, $0x38;
	[tilespmem:$0x1CE78] =	vst v63  }
0xf0: {  	s29 =	sadd.s32 $0x0, s31  }
0xf1: {  	[tilespmem:s20], [sflag:$0x8] =	stream.linear.gather [hbm4b:s29+s5], $0x80, $0x38;
	[tilespmem:$0x1CE78] =	vst v63  }
0xf2: {  	_ =	swait.ge [sflag:s21], $0x4000  }
0xf3: {  	[sflag:s21] =	ssyncset.done $0x0  }
0xf4: {  	[sflag:s21] =	ssyncadd.s32 $0xFFFFC000  }
0xf5: {  	[spmem:s2] =	stream.indirect.scatter.add.f32 [tilespmem:s18], [sflag:$0x4], $0x80, s12, s11, $0xb8;
	[tilespmem:$0x1CE78] =	vst v63  }
0xf6: {  	_ = 	snop  }
0xf7: {  	[spmem:s3] =	stream.indirect.scatter.add.f32 [tilespmem:s8], [sflag:$0x9], $0x1, s12, s11, $0xb8;
	[tilespmem:$0x1CE78] =	vst v63  }
0xf8: {  	_ =	swait.ge [sflag:s7], $0x4000  }
0xf9: {  	[sflag:s7] =	ssyncset.done $0x0  }
0xfa: {  	[sflag:s7] =	ssyncadd.s32 $0xFFFFC000  }
0xfb: {  	_ =	swait.ge [sflag:s30], $0x80  }
0xfc: {  	[sflag:s30] =	ssyncset.done $0x0  }
0xfd: {  	[sflag:s30] =	ssyncadd.s32 $0xFFFFFF80  }
0xfe: {  	_ =	swait.ge [sflag:s30], $0x80  }
0xff: {  	[sflag:s30] =	ssyncset.done $0x0  }
0x100: {  	s29 =	rddreg [dreg:$0x7];
	[sflag:s30] =	ssyncadd.s32 $0xFFFFFF80  }
0x101: {  	[tilespmem:s16], [sflag:$0x1] =	stream.indirect.gather [hbm4b:s1+s11], $0x80, s13, s11, $0xb8;
	[tilespmem:$0x1CE78] =	vst v63  }
0x102: {  	s31 =	rddreg [dreg:$0x6];
	s29 =	sadd.s32 $0x0, s29  }
0x103: {  	[tilespmem:s5], [sflag:$0x5] =	stream.linear.gather [hbm4b:s29+s5], $0x80, $0x38;
	[tilespmem:$0x1CE78] =	vst v63  }
0x104: {  	s31 =	sadd.s32 $0x0, s31;
	s29 =	simm.s32 $0x40  }
.LBB2_2:
0x105: {  	[tilespmem:s10], [sflag:$0x5] =	stream.linear.gather [hbm4b:s31+s5], $0x80, $0x38;
	[tilespmem:$0x1CE78] =	vst v63  }
0x106: {  	_ =	swait.ge [sflag:s6], $0x4000  }
0x107: {  	[sflag:s6] =	ssyncset.done $0x0  }
0x108: {  	[sflag:s6] =	ssyncadd.s32 $0xFFFFC000  }
0x109: {  	[spmem:s2] =	stream.indirect.scatter.add.f32 [tilespmem:s16], [sflag:$0x3], $0x80, s14, s11, $0xb8;
	[tilespmem:$0x1CE78] =	vst v63  }
0x10a: {  	_ = 	snop  }
0x10b: {  	[spmem:s3] =	stream.indirect.scatter.add.f32 [tilespmem:s8], [sflag:$0x9], $0x1, s14, s11, $0xb8;
	[tilespmem:$0x1CE78] =	vst v63  }
0x10c: {  	_ =	swait.ge [sflag:s22], $0x4000  }
0x10d: {  	[sflag:s22] =	ssyncset.done $0x0  }
0x10e: {  	[sflag:s22] =	ssyncadd.s32 $0xFFFFC000  }
0x10f: {  	_ =	swait.ge [sflag:s4], $0x80  }
0x110: {  	[sflag:s4] =	ssyncset.done $0x0  }
0x111: {  	[sflag:s4] =	ssyncadd.s32 $0xFFFFFF80  }
0x112: {  	_ =	swait.ge [sflag:s4], $0x80  }
0x113: {  	[sflag:s4] =	ssyncset.done $0x0  }
0x114: {  	s31 =	smov.u32 s29;
	s0 =	rddreg [dreg:$0xd];
	[sflag:s4] =	ssyncadd.s32 $0xFFFFFF80  }
0x115: {  	[tilespmem:s18], [sflag:$0x2] =	stream.indirect.gather [hbm4b:s1+s11], $0x80, s19, s11, $0xb8;
	[tilespmem:$0x1CE78] =	vst v63  }
0x116: {  	s23 =	rddreg [dreg:$0xc];
	s0 =	sadd.s32 s31, s0  }
0x117: {  	[tilespmem:s11], [sflag:$0x6] =	stream.linear.gather [hbm4b:s0+s5], $0x80, $0x38;
	[tilespmem:$0x1CE78] =	vst v63  }
0x118: {  	s23 =	sadd.s32 s31, s23  }
0x119: {  	[tilespmem:s12], [sflag:$0x6] =	stream.linear.gather [hbm4b:s23+s5], $0x80, $0x38;
	[tilespmem:$0x1CE78] =	vst v63  }
0x11a: {  	_ =	swait.ge [sflag:s21], $0x4000  }
0x11b: {  	[sflag:s21] =	ssyncset.done $0x0  }
0x11c: {  	[sflag:s21] =	ssyncadd.s32 $0xFFFFC000  }
0x11d: {  	[spmem:s2] =	stream.indirect.scatter.add.f32 [tilespmem:s18], [sflag:$0x4], $0x80, s20, s11, $0xb8;
	[tilespmem:$0x1CE78] =	vst v63  }
0x11e: {  	_ = 	snop  }
0x11f: {  	[spmem:s3] =	stream.indirect.scatter.add.f32 [tilespmem:s8], [sflag:$0x9], $0x1, s20, s11, $0xb8;
	[tilespmem:$0x1CE78] =	vst v63  }
0x120: {  	_ =	swait.ge [sflag:s7], $0x4000  }
0x121: {  	[sflag:s7] =	ssyncset.done $0x0  }
0x122: {  	[sflag:s7] =	ssyncadd.s32 $0xFFFFC000  }
0x123: {  	_ =	swait.ge [sflag:s15], $0x80  }
0x124: {  	[sflag:s15] =	ssyncset.done $0x0  }
0x125: {  	[sflag:s15] =	ssyncadd.s32 $0xFFFFFF80  }
0x126: {  	_ =	swait.ge [sflag:s15], $0x80  }
0x127: {  	[sflag:s15] =	ssyncset.done $0x0  }
0x128: {  	s0 =	rddreg [dreg:$0xb];
	[sflag:s15] =	ssyncadd.s32 $0xFFFFFF80  }
0x129: {  	[tilespmem:s16], [sflag:$0x1] =	stream.indirect.gather [hbm4b:s1+s11], $0x80, s5, s11, $0xb8;
	[tilespmem:$0x1CE78] =	vst v63  }
0x12a: {  	s23 =	rddreg [dreg:$0xa];
	s0 =	sadd.s32 s31, s0  }
0x12b: {  	[tilespmem:s13], [sflag:$0x7] =	stream.linear.gather [hbm4b:s0+s5], $0x80, $0x38;
	[tilespmem:$0x1CE78] =	vst v63  }
0x12c: {  	s23 =	sadd.s32 s31, s23  }
0x12d: {  	[tilespmem:s14], [sflag:$0x7] =	stream.linear.gather [hbm4b:s23+s5], $0x80, $0x38;
	[tilespmem:$0x1CE78] =	vst v63  }
0x12e: {  	_ =	swait.ge [sflag:s6], $0x4000  }
0x12f: {  	[sflag:s6] =	ssyncset.done $0x0  }
0x130: {  	[sflag:s6] =	ssyncadd.s32 $0xFFFFC000  }
0x131: {  	[spmem:s2] =	stream.indirect.scatter.add.f32 [tilespmem:s16], [sflag:$0x3], $0x80, s10, s11, $0xb8;
	[tilespmem:$0x1CE78] =	vst v63  }
0x132: {  	_ = 	snop  }
0x133: {  	[spmem:s3] =	stream.indirect.scatter.add.f32 [tilespmem:s8], [sflag:$0x9], $0x1, s10, s11, $0xb8;
	[tilespmem:$0x1CE78] =	vst v63  }
0x134: {  	_ =	swait.ge [sflag:s22], $0x4000  }
0x135: {  	[sflag:s22] =	ssyncset.done $0x0  }
0x136: {  	[sflag:s22] =	ssyncadd.s32 $0xFFFFC000  }
0x137: {  	_ =	swait.ge [sflag:s17], $0x80  }
0x138: {  	[sflag:s17] =	ssyncset.done $0x0  }
0x139: {  	[sflag:s17] =	ssyncadd.s32 $0xFFFFFF80  }
0x13a: {  	_ =	swait.ge [sflag:s17], $0x80  }
0x13b: {  	[sflag:s17] =	ssyncset.done $0x0  }
0x13c: {  	s0 =	rddreg [dreg:$0x9];
	[sflag:s17] =	ssyncadd.s32 $0xFFFFFF80  }
0x13d: {  	[tilespmem:s18], [sflag:$0x2] =	stream.indirect.gather [hbm4b:s1+s11], $0x80, s11, s11, $0xb8;
	[tilespmem:$0x1CE78] =	vst v63  }
0x13e: {  	s23 =	rddreg [dreg:$0x8];
	s0 =	sadd.s32 s31, s0  }
0x13f: {  	[tilespmem:s19], [sflag:$0x8] =	stream.linear.gather [hbm4b:s0+s5], $0x80, $0x38;
	[tilespmem:$0x1CE78] =	vst v63  }
0x140: {  	s23 =	sadd.s32 s31, s23  }
0x141: {  	[tilespmem:s20], [sflag:$0x8] =	stream.linear.gather [hbm4b:s23+s5], $0x80, $0x38;
	[tilespmem:$0x1CE78] =	vst v63  }
0x142: {  	_ =	swait.ge [sflag:s21], $0x4000  }
0x143: {  	[sflag:s21] =	ssyncset.done $0x0  }
0x144: {  	[sflag:s21] =	ssyncadd.s32 $0xFFFFC000  }
0x145: {  	[spmem:s2] =	stream.indirect.scatter.add.f32 [tilespmem:s18], [sflag:$0x4], $0x80, s12, s11, $0xb8;
	[tilespmem:$0x1CE78] =	vst v63  }
0x146: {  	_ = 	snop  }
0x147: {  	[spmem:s3] =	stream.indirect.scatter.add.f32 [tilespmem:s8], [sflag:$0x9], $0x1, s12, s11, $0xb8;
	[tilespmem:$0x1CE78] =	vst v63  }
0x148: {  	_ =	swait.ge [sflag:s7], $0x4000  }
0x149: {  	[sflag:s7] =	ssyncset.done $0x0  }
0x14a: {  	[sflag:s7] =	ssyncadd.s32 $0xFFFFC000  }
0x14b: {  	_ =	swait.ge [sflag:s30], $0x80  }
0x14c: {  	[sflag:s30] =	ssyncset.done $0x0  }
0x14d: {  	[sflag:s30] =	ssyncadd.s32 $0xFFFFFF80  }
0x14e: {  	p0 =	sne.s32 s29, $0x440;
	_ =	swait.ge [sflag:s30], $0x80  }
.Ltmp0:
0x14f: {  	[sflag:s30] =	ssyncset.done $0x0;
	s0 =	rddreg [dreg:$0x7];
	(pc) =	sbr.rel @p0 .LBB2_2-.Ltmp0, $4  }
0x150: {  	s23 =	rddreg [dreg:$0x6];
	[sflag:s30] =	ssyncadd.s32 $0xFFFFFF80  }
0x151: {  	[tilespmem:s16], [sflag:$0x1] =	stream.indirect.gather [hbm4b:s1+s11], $0x80, s13, s11, $0xb8;
	[tilespmem:$0x1CE78] =	vst v63  }
0x152: {  	s29 =	sadd.s32 $0x40, s29;
	s0 =	sadd.s32 s31, s0;
	s31 =	sadd.s32 s31, s23  }
0x153: {  	[tilespmem:s5], [sflag:$0x5] =	stream.linear.gather [hbm4b:s0+s5], $0x80, $0x38;
	[tilespmem:$0x1CE78] =	vst v63  }
0x154: {  	[tilespmem:s10], [sflag:$0x5] =	stream.linear.gather [hbm4b:s31+s5], $0x80, $0x38;
	[tilespmem:$0x1CE78] =	vst v63  }
0x155: {  	_ =	swait.ge [sflag:s6], $0x4000  }
0x156: {  	[sflag:s6] =	ssyncset.done $0x0  }
0x157: {  	[sflag:s6] =	ssyncadd.s32 $0xFFFFC000  }
0x158: {  	[spmem:s2] =	stream.indirect.scatter.add.f32 [tilespmem:s16], [sflag:$0x3], $0x80, s14, s11, $0xb8;
	[tilespmem:$0x1CE78] =	vst v63  }
0x159: {  	_ = 	snop  }
0x15a: {  	[spmem:s3] =	stream.indirect.scatter.add.f32 [tilespmem:s8], [sflag:$0x9], $0x1, s14, s11, $0xb8;
	[tilespmem:$0x1CE78] =	vst v63  }
0x15b: {  	_ =	swait.ge [sflag:s22], $0x4000  }
0x15c: {  	[sflag:s22] =	ssyncset.done $0x0  }
0x15d: {  	[sflag:s22] =	ssyncadd.s32 $0xFFFFC000  }
0x15e: {  	_ =	swait.ge [sflag:s4], $0x80  }
0x15f: {  	[sflag:s4] =	ssyncset.done $0x0  }
0x160: {  	[sflag:s4] =	ssyncadd.s32 $0xFFFFFF80  }
0x161: {  	_ =	swait.ge [sflag:s4], $0x80  }
0x162: {  	[sflag:s4] =	ssyncset.done $0x0  }
0x163: {  	[sflag:s4] =	ssyncadd.s32 $0xFFFFFF80  }
0x164: {  	[tilespmem:s18], [sflag:$0x2] =	stream.indirect.gather [hbm4b:s1+s11], $0x80, s19, s11, $0xb8;
	[tilespmem:$0x1CE78] =	vst v63  }
0x165: {  	s0 =	rddreg [dreg:$0x1c]  }
0x166: {  	[tilespmem:s11], [sflag:$0x6] =	stream.linear.gather [hbm4b:s0+s5], $0x80, $0x38;
	[tilespmem:$0x1CE78] =	vst v63  }
0x167: {  	s31 =	rddreg [dreg:$0x1b]  }
0x168: {  	[tilespmem:s12], [sflag:$0x6] =	stream.linear.gather [hbm4b:s31+s5], $0x80, $0x38;
	[tilespmem:$0x1CE78] =	vst v63  }
0x169: {  	_ =	swait.ge [sflag:s21], $0x4000  }
0x16a: {  	[sflag:s21] =	ssyncset.done $0x0  }
0x16b: {  	[sflag:s21] =	ssyncadd.s32 $0xFFFFC000  }
0x16c: {  	[spmem:s2] =	stream.indirect.scatter.add.f32 [tilespmem:s18], [sflag:$0x4], $0x80, s20, s11, $0xb8;
	[tilespmem:$0x1CE78] =	vst v63  }
0x16d: {  	_ = 	snop  }
0x16e: {  	[spmem:s3] =	stream.indirect.scatter.add.f32 [tilespmem:s8], [sflag:$0x9], $0x1, s20, s11, $0xb8;
	[tilespmem:$0x1CE78] =	vst v63  }
0x16f: {  	_ =	swait.ge [sflag:s7], $0x4000  }
0x170: {  	[sflag:s7] =	ssyncset.done $0x0  }
0x171: {  	[sflag:s7] =	ssyncadd.s32 $0xFFFFC000  }
0x172: {  	_ =	swait.ge [sflag:s15], $0x80  }
0x173: {  	[sflag:s15] =	ssyncset.done $0x0  }
0x174: {  	[sflag:s15] =	ssyncadd.s32 $0xFFFFFF80  }
0x175: {  	_ =	swait.ge [sflag:s15], $0x80  }
0x176: {  	[sflag:s15] =	ssyncset.done $0x0  }
0x177: {  	[sflag:s15] =	ssyncadd.s32 $0xFFFFFF80  }
0x178: {  	[tilespmem:s16], [sflag:$0x1] =	stream.indirect.gather [hbm4b:s1+s11], $0x80, s5, s11, $0xb8;
	[tilespmem:$0x1CE78] =	vst v63  }
0x179: {  	_ =	swait.ge [sflag:s6], $0x4000  }
0x17a: {  	[sflag:s6] =	ssyncset.done $0x0  }
0x17b: {  	[sflag:s6] =	ssyncadd.s32 $0xFFFFC000  }
0x17c: {  	[spmem:s2] =	stream.indirect.scatter.add.f32 [tilespmem:s16], [sflag:$0x3], $0x80, s10, s11, $0xb8;
	[tilespmem:$0x1CE78] =	vst v63  }
0x17d: {  	_ = 	snop  }
0x17e: {  	[spmem:s3] =	stream.indirect.scatter.add.f32 [tilespmem:s8], [sflag:$0x9], $0x1, s10, s11, $0xb8;
	[tilespmem:$0x1CE78] =	vst v63  }
0x17f: {  	_ =	swait.ge [sflag:s22], $0x4000  }
0x180: {  	[sflag:s22] =	ssyncset.done $0x0  }
0x181: {  	[sflag:s22] =	ssyncadd.s32 $0xFFFFC000  }
0x182: {  	_ =	swait.ge [sflag:s17], $0x80  }
0x183: {  	[sflag:s17] =	ssyncset.done $0x0  }
0x184: {  	[sflag:s17] =	ssyncadd.s32 $0xFFFFFF80  }
0x185: {  	_ =	swait.ge [sflag:s17], $0x80  }
0x186: {  	[sflag:s17] =	ssyncset.done $0x0  }
0x187: {  	[sflag:s17] =	ssyncadd.s32 $0xFFFFFF80  }
0x188: {  	[tilespmem:s18], [sflag:$0x2] =	stream.indirect.gather [hbm4b:s1+s11], $0x80, s11, s11, $0xb8;
	[tilespmem:$0x1CE78] =	vst v63  }
0x189: {  	_ =	swait.ge [sflag:s21], $0x4000  }
0x18a: {  	[sflag:s21] =	ssyncset.done $0x0  }
0x18b: {  	[sflag:s21] =	ssyncadd.s32 $0xFFFFC000  }
0x18c: {  	[spmem:s2] =	stream.indirect.scatter.add.f32 [tilespmem:s18], [sflag:$0x4], $0x80, s12, s11, $0xb8;
	[tilespmem:$0x1CE78] =	vst v63  }
0x18d: {  	_ = 	snop  }
0x18e: {  	[spmem:s3] =	stream.indirect.scatter.add.f32 [tilespmem:s8], [sflag:$0x9], $0x1, s12, s11, $0xb8;
	[tilespmem:$0x1CE78] =	vst v63  }
0x18f: {  	_ =	swait.ge [sflag:s7], $0x4000  }
0x190: {  	[sflag:s7] =	ssyncset.done $0x0  }
0x191: {  	[sflag:s7] =	ssyncadd.s32 $0xFFFFC000  }
0x192: {  	_ =	swait.ge [sflag:s22], $0x4000  }
0x193: {  	[sflag:s22] =	ssyncset.done $0x0  }
0x194: {  	[sflag:s22] =	ssyncadd.s32 $0xFFFFC000  }
0x195: {  	_ =	swait.ge [sflag:s9], $0x80  }
0x196: {  	s29 =	simm.s32 $0x4D;
	[sflag:s9] =	ssyncset.done $0x0  }
.LBB2_4:
0x197: {  	p0 =	sne.s32 s29, $0x1;
	s29 =	sadd.s32 $0xFFFFFFFF, s29;
	[sflag:s9] =	ssyncadd.s32 $0xFFFFFF80  }
.Ltmp1:
0x198: {  	(pc) =	sbr.rel @p0 .LBB2_4-.Ltmp1, $3  }
0x199: {  	_ =	sdelay $0x1  }
0x19a: {  	_ =	swait.ge [sflag:s9], $0x80  }
0x19b: {  	[sflag:s9] =	ssyncset.done $0x0  }
0x19c: {  	[sflag:s9] =	ssyncadd.s32 $0xFFFFFF80  }
0x19d: {  	[bflag:$0x0] =	sbarrier.arrive $0xFFFF  }
0x19e: {  	s0 =	sld [smem:$0x7FC];
	_ =	sdelay $0x1  }
0x19f: {  	s23 =	rddreg [dreg:$0x1f]  }
0x1a0: {  	[hbm:s0], [sflag:s23] =	dma.local [spmem:s26], $0x2780  }
0x1a1: {  	_ =	swait.ge [sflag:s28], $0x2780  }
0x1a2: {  	[sflag:s28] =	ssyncset.done $0x0  }
0x1a3: {  	s31 =	simm.s32 $0x8D80;
	[sflag:s28] =	ssyncadd.s32 $0xFFFFD880  }
0x1a4: {  	[tilespmem:s31], [sflag:$0xA] =	stream.linear.gather [spmem:s24], $0x278, $0x38;
	[tilespmem:$0x1CE78] =	vst v63  }
0x1a5: {  	_ =	swait.ge [sflag:s28], $0x278  }
0x1a6: {  	[sflag:s28] =	ssyncset.done $0x0  }
0x1a7: {  	s29 =	smov.u32 s24;
	s24 =	rddreg [dreg:$0x16];
	[sflag:s28] =	ssyncadd.s32 $0xFFFFFD88  }
0x1a8: {  	[hbm4b:s24+s5] =	stream.linear.scatter [tilespmem:s31], [sflag:$0xA], $0x278, $0x38;
	[tilespmem:$0x1CE78] =	vst v63  }
0x1a9: {  	_ =	swait.ge [sflag:s28], $0x278  }
0x1aa: {  	s26 =	sld [smem:$0x7FD];
	_ =	sdelay $0x1  }
0x1ab: {  	s25 =	sadd.s32 $0x1, s25  }
0x1ac: {  	p0 =	sne.s32 s25, s26  }
.Ltmp2:
0x1ad: {  	_ = 	snop;
	(pc) =	sbr.rel @p0 .LBB2_1-.Ltmp2, $3  }
0x1ae: {  	_ =	sdelay $0x1  }
0x1af: {  	[sflag:s28] =	ssyncset.done $0x0  }
0x1b0: {  	[sflag:s28] =	ssyncadd.s32 $0xFFFFFD88  }
0x1b1: {  	_ =	sfence.sel $0x180000  }
0x1b2: {  	[bflag:$0x0] =	sbarrier.arrive $0xFFFF  }
0x1b3: {  	_ =	strace $0x90000047  }
0x1b4: {  	s0 =	stileid.u32;
	[bflag:$0x2] =	sbarrier.arrive $0xFFFF  }
0x1b5: {  	p0 =	sne.s32 s0, $0x0;
	s0 =	rddreg [dreg:$0x5]  }
0x1b6: {  	s0 =	sadd.s32 @!p0 $0x100000, s0  }
0x1b7: {  	[sflag:s0] =	ssyncadd.tile.s32 @!p0 $0x1;
	_ =	shalt  }
.Lfunc_end2:
_tile_overlayer_lowered:
.L_overlay_start_2:
0x1b8: {  	(tag) =	ssettag $0x2  }
0x1b9: {  	s0 =	rddreg [dreg:$0x0];
	s2 =	stileid.u32  }
0x1ba: {  	s1 =	rddreg [dreg:$0x1];
	p0 =	sne.s32 s2, $0x0  }
0x1bb: {  	s3 =	rddreg [dreg:$0x2];
	[bflag:$0x3] =	sbarrier.arrive $0xFFFF;
	s2 =	simm.s32 @!p0 $0x1C0A  }
0x1bc: {  	[timem:s3], [sflag:s2] =	dma.local @!p0 [hbm:s0], s1  }
0x1bd: {  	s0 =	simm.s32 @!p0 $0xA  }
0x1be: {  	_ =	swait.ge @!p0 [sflag:s0], s1  }
0x1bf: {  	s1 =	ssub.s32 @!p0 $0x0, s1;
	[sflag:s0] =	ssyncset.done @!p0 $0x0  }
0x1c0: {  	[sflag:s0] =	ssyncadd.s32 @!p0 s1  }
0x1c1: {  	[bflag:$0x3] =	sbarrier.arrive $0xFFFF  }
0x1c2: {  	_ =	shalt  }

// kernel: kernel.9.cloned.1.call-start
scs
__scs_entry_jumppad:
0x0: {  	(pc) =	sbr.rel $0x88, $3  }
0x1: {  	(tag) =	ssettag $0x0;
	lr =	simm.s32 $0x1  }
0x2: {  	[smem:$0x3F99] =	sst lr;
	_ =	strace $0xD0000000  }
0x3: {  	_ = 	snop  }
0x4: {  	_ = 	snop  }
0x5: {  	_ = 	snop  }
0x6: {  	_ = 	snop  }
0x7: {  	_ = 	snop  }
__scs_overlays_trampoline_lowered:
0x8: {  	[smem:$0x3FA8] =	sst s0  }
0x9: {  	[smem:$0x3FA9] =	sst s1  }
0xa: {  	[smem:$0x3FAA] =	sst s2  }
0xb: {  	[smem:$0x3FAB] =	sst s3  }
0xc: {  	[smem:$0x3FAC] =	sst s4  }
0xd: {  	[smem:$0x3FAD] =	sst s5  }
0xe: {  	[smem:$0x3FAE] =	sst s6  }
0xf: {  	[smem:$0x3FAF] =	sst s7  }
0x10: {  	[smem:$0x3FB0] =	sst s8  }
0x11: {  	[smem:$0x3FB1] =	sst s9;
	s0 =	simm.s32 @!p0 $0x0  }
0x12: {  	s1 =	sld [smem:$0x3F97];
	s0 =	simm.s32 @p0 $0x1  }
0x13: {  	[smem:$0x3FB2] =	sst s0;
	s0 =	simm.s32 @!p1 $0x0  }
0x14: {  	s2 =	sld [smem:$0x3F96];
	s0 =	simm.s32 @p1 $0x1  }
0x15: {  	[smem:$0x3FB3] =	sst s0;
	s0 =	simm.s32 @!p2 $0x0  }
0x16: {  	s3 =	sld [smem:$0x3FDB];
	s0 =	simm.s32 @p2 $0x1  }
0x17: {  	s4 =	simm.s32 $0x1BF5;
	[smem:$0x3FB5] =	sst s0  }
0x18: {  	s0 =	sld [smem:$0x3F98];
	_ =	swait.ge [sflag:s4], $0x0  }
0x19: {  	s7 =	sld [smem:$0x3F99]  }
0x1a: {  	s8 =	sadd.s32 $0xFFFFE003, lr  }
0x1b: {  	s9 =	sadd.s32 $0xFFFFFEF7, lr;
	s5 =	simm.s32 $0xFFFFFFFF;
	p2 =	slt.u32 s8, $0xFFFFF086  }
0x1c: {  	p1 =	slt.u32 s9, $0xF7A;
	s5 =	simm.s32 @!p2 $0x0  }
0x1d: {  	s5 =	simm.s32 @p1 $0x1;
	p0 =	seq.s32 s7, s2  }
0x1e: {  	s7 =	smul.u32 @!p0 $0xF7A, s2;
	p2 =	seq.s32 @!p0 s5, $0x0  }
0x1f: {  	s9 =	smul.u32 $0xF7A, s1;
	s8 =	simm.s32 @!p0 $0x1BF5;
	p2 =	por !p2, p0  }
0x20: {  	[sflag:s8] =	ssyncset.s32 @!p0 $0xFFFFF086;
	s6 =	sadd.s32 @!p0 s3, s7;
	s7 =	simm.s32 @!p0 $0x108  }
0x21: {  	s3 =	sadd.s32 s3, s9;
	s6 =	sadd.s32 @!p0 $0x88, s6;
	s7 =	simm.s32 @p2 $0x1082  }
0x22: {  	[simem:s7], [sflag:s8] =	dma.local @!p0 [hbm:s6], $0xF7A  }
0x23: {  	s9 =	sor.u32 $0xD0000000, s2;
	s6 =	simm.s32 $0x108;
	_ =	swait.ge @!p0 [sflag:s8], $0x0  }
0x24: {  	s3 =	sadd.s32 $0x88, s3;
	s6 =	simm.s32 @!p1 $0x1082;
	[sflag:s4] =	ssyncset.s32 $0xFFFFF086  }
0x25: {  	[simem:s6], [sflag:s4] =	dma.local [hbm:s3], $0xF7A  }
0x26: {  	[smem:$0x3F99] =	sst s1;
	(tag) =	ssettag s2;
	_ =	strace s9  }
0x27: {  	s1 =	sld [smem:$0x3FA9]  }
0x28: {  	s2 =	sld [smem:$0x3FAA]  }
0x29: {  	s4 =	sld [smem:$0x3FAC]  }
0x2a: {  	p0 =	seq.s32 s5, $0x0;
	s5 =	sld [smem:$0x3FAD]  }
0x2b: {  	s6 =	sld [smem:$0x3FAE]  }
0x2c: {  	s7 =	sld [smem:$0x3FAF]  }
0x2d: {  	s3 =	simm.s32 $0x108;
	s8 =	sld [smem:$0x3FB0]  }
0x2e: {  	s3 =	simm.s32 @!p0 $0x1082;
	s9 =	sld [smem:$0x3FB1]  }
0x2f: {  	lr =	sadd.s32 s0, s3;
	s0 =	sld [smem:$0x3FA8]  }
0x30: {  	s3 =	sld [smem:$0x3FAB]  }
0x31: {  	[smem:$0x3FB4] =	sst s10  }
0x32: {  	s10 =	sld [smem:$0x3FB2];
	_ =	sdelay $0x3  }
0x33: {  	p0 =	seq.s32 s10, $0x1;
	s10 =	sld [smem:$0x3FB4];
	_ =	sdelay $0x3  }
0x34: {  	[smem:$0x3FB4] =	sst s10  }
0x35: {  	s10 =	sld [smem:$0x3FB3];
	_ =	sdelay $0x3  }
0x36: {  	p1 =	seq.s32 s10, $0x1;
	s10 =	sld [smem:$0x3FB4];
	_ =	sdelay $0x3  }
0x37: {  	[smem:$0x3FB4] =	sst s10  }
0x38: {  	s10 =	sld [smem:$0x3FB5]  }
0x39: {  	_ = 	snop;
	(pc) =	sbr.ind lr, $3  }
0x3a: {  	_ = 	snop  }
0x3b: {  	_ = 	snop  }
0x3c: {  	p2 =	seq.s32 s10, $0x1;
	s10 =	sld [smem:$0x3FB4]  }
0x3d: {  	_ =	shalt  }
0x3e: {  	_ =	shalt  }
0x3f: {  	_ =	shalt  }
0x40: {  	_ =	shalt  }
0x41: {  	_ =	shalt  }
0x42: {  	_ =	shalt  }
0x43: {  	_ =	shalt  }
0x44: {  	_ =	shalt  }
0x45: {  	_ =	shalt  }
0x46: {  	_ =	shalt  }
0x47: {  	_ =	shalt  }
0x48: {  	_ =	shalt  }
0x49: {  	_ =	shalt  }
0x4a: {  	_ =	shalt  }
0x4b: {  	_ =	shalt  }
0x4c: {  	_ =	shalt  }
0x4d: {  	_ =	shalt  }
0x4e: {  	_ =	shalt  }
0x4f: {  	_ =	shalt  }
0x50: {  	_ =	shalt  }
0x51: {  	_ =	shalt  }
0x52: {  	_ =	shalt  }
0x53: {  	_ =	shalt  }
0x54: {  	_ =	shalt  }
0x55: {  	_ =	shalt  }
0x56: {  	_ =	shalt  }
0x57: {  	_ =	shalt  }
0x58: {  	_ =	shalt  }
0x59: {  	_ =	shalt  }
0x5a: {  	_ =	shalt  }
0x5b: {  	_ =	shalt  }
0x5c: {  	_ =	shalt  }
0x5d: {  	_ =	shalt  }
0x5e: {  	_ =	shalt  }
0x5f: {  	_ =	shalt  }
0x60: {  	_ =	shalt  }
0x61: {  	_ =	shalt  }
0x62: {  	_ =	shalt  }
0x63: {  	_ =	shalt  }
0x64: {  	_ =	shalt  }
0x65: {  	_ =	shalt  }
0x66: {  	_ =	shalt  }
0x67: {  	_ =	shalt  }
0x68: {  	_ =	shalt  }
0x69: {  	_ =	shalt  }
0x6a: {  	_ =	shalt  }
0x6b: {  	_ =	shalt  }
0x6c: {  	_ =	shalt  }
0x6d: {  	_ =	shalt  }
0x6e: {  	_ =	shalt  }
0x6f: {  	_ =	shalt  }
0x70: {  	_ =	shalt  }
0x71: {  	_ =	shalt  }
0x72: {  	_ =	shalt  }
0x73: {  	_ =	shalt  }
0x74: {  	_ =	shalt  }
0x75: {  	_ =	shalt  }
0x76: {  	_ =	shalt  }
0x77: {  	_ =	shalt  }
0x78: {  	_ =	shalt  }
0x79: {  	_ =	shalt  }
0x7a: {  	_ =	shalt  }
0x7b: {  	_ =	shalt  }
0x7c: {  	_ =	shalt  }
0x7d: {  	_ =	shalt  }
0x7e: {  	_ =	shalt  }
0x7f: {  	_ =	shalt  }
0x80: {  	_ =	shalt  }
0x81: {  	_ =	shalt  }
0x82: {  	_ =	shalt  }
0x83: {  	_ =	shalt  }
0x84: {  	_ =	shalt  }
0x85: {  	_ =	shalt  }
0x86: {  	_ =	shalt  }
0x87: {  	_ =	shalt  }
.Lfunc_end0:
.L_simem_size_0:
called_computation.1_lowered:
.L_overlay_start_0:
0x88: {  	s2 =	sld [smem:$0x3FD9]  }
0x89: {  	s3 =	sld [smem:$0x3FFE];
	_ =	sdelay $0x1  }
0x8a: {  	s1 =	srdreg.scid  }
0x8b: {  	s0 =	sand.u32 $0x1, s1  }
0x8c: {  	s17 =	sshll.u32 s0, $0xA;
	s2 =	sadd.s32 s3, s2  }
0x8d: {  	s2 =	sadd.s32 s2, s17  }
0x8e: {  	[smem:$0x3FC0] =	sst s2  }
0x8f: {  	_ = 	snop  }
0x90: {  	s2 =	sld [smem:$0x3FD0];
	(tm) =	ssettm $0x1  }
0x91: {  	s18 =	sld [smem:$0x3FFB];
	_ =	sdelay $0x3  }
0x92: {  	_ =	strace s18  }
0x93: {  	s3 =	sld [smem:$0x3FFC];
	_ =	sdelay $0x3  }
0x94: {  	_ =	strace s3  }
0x95: {  	s3 =	sld [smem:$0x3FFD];
	_ =	sdelay $0x3  }
0x96: {  	_ =	strace s3  }
0x97: {  	_ =	strace $0x8FFFFFFF  }
0x98: {  	s19 =	sld [smem:$0x3FDB];
	_ =	sdelay $0x1  }
0x99: {  	s4 =	simm.s32 $_scs_section_size  }
0x9a: {  	s5 =	simm.s32 $_size__tile_overlayer_lowered;
	s6 =	simm.s32 $_tile_overlayer_lowered  }
0x9b: {  	s22 =	simm.s32 $0x1BFF;
	s21 =	sshll.u32 s6, $0x1;
	s3 =	sadd.s32 s4, s19  }
0x9c: {  	s7 =	simm.s32 $0x0;
	s20 =	sshll.u32 s5, $0x1;
	s5 =	sadd.s32 s21, s3  }
0x9d: {  	[timem:s7], [sflag:s22] =	dma.local [hbm:s5], s20  }
0x9e: {  	_ =	swait.ge [sflag:s22], s20  }
0x9f: {  	s4 =	ssub.s32 $0x0, s20;
	[sflag:s22] =	ssyncset.done $0x0  }
0xa0: {  	[sflag:s22] =	ssyncadd.s32 s4;
	_ =	sdelay $0x1  }
0xa1: {  	s23 =	simm.s32 $0x1B8B  }
0xa2: {  	_ =	swait.ge [sflag:s23], $0x1  }
0xa3: {  	[sflag:s23] =	ssyncset.done $0x0  }
0xa4: {  	s25 =	simm.s32 $0x1B8E;
	s24 =	sld [smem:$0x3FFE];
	[sflag:s23] =	ssyncadd.s32 $0xFFFFFFFF  }
0xa5: {  	s26 =	simm.s32 $execute0_lowered;
	[smem:$0x3FD2] =	sst s25  }
0xa6: {  	s5 =	sshll.u32 s26, $0x1;
	_ =	strace $0x80000049;
	[dreg:$0x1] =	wrdreg $0xFFFFFFFF  }
0xa7: {  	s28 =	simm.s32 $_size_execute0_lowered;
	s3 =	sadd.s32 s3, s5;
	[dreg:$0x0] =	wrdreg $0x0  }
0xa8: {  	s5 =	sshll.u32 s28, $0x1;
	[dreg:$0x2] =	wrdreg s3  }
0xa9: {  	[dreg:$0x3] =	wrdreg s5  }
0xaa: {  	[dreg:$0x4] =	wrdreg $0xC0  }
0xab: {  	_ =	task [dreg:s7], $0x5FFFF  }
0xac: {  	[dreg:$0x1] =	wrdreg $0xFFFFFFFF  }
0xad: {  	[dreg:$0x0] =	wrdreg $0x60  }
0xae: {  	[dreg:$0x2] =	wrdreg s2  }
0xaf: {  	[dreg:$0x3] =	wrdreg s24  }
0xb0: {  	[dreg:$0x4] =	wrdreg $0x8D000  }
0xb1: {  	[dreg:$0x5] =	wrdreg $0x9  }
0xb2: {  	_ =	task.clear_ibuf [dreg:s7], $0x6FFFF;
	_ =	strace $0x90000049  }
0xb3: {  	s29 =	simm.s32 $0x9;
	_ =	strace $0x8000004B  }
0xb4: {  	_ =	swait.ge [sflag:s29], $0x1  }
0xb5: {  	[sflag:s29] =	ssyncadd.s32 $0xFFFFFFFF  }
0xb6: {  	_ =	strace $0x9000004B  }
0xb7: {  	_ =	sfence  }
0xb8: {  	s30 =	sld [smem:$0x0];
	_ =	sdelay $0x2  }
0xb9: {  	s31 =	sshll.u32 s1, $0xD;
	s1 =	sshrl.u32 s1, $0x2  }
0xba: {  	s3 =	sand.u32 $0x4000, s31;
	s1 =	sadd.s32 s1, s30  }
0xbb: {  	s0 =	sor.u32 s3, s0;
	s1 =	sshll.u32 s1, $0x11  }
0xbc: {  	s0 =	sor.u32 s1, s0  }
0xbd: {  	s0 =	sadd.s32 $0x8F2B, s0  }
0xbe: {  	[sflag:s0] =	ssyncadd.remote.s32 $0x1  }
0xbf: {  	_ =	sfence.sel $0xFFFF  }
0xc0: {  	[dreg:$0x0] =	wrdreg $0xFFFFFFFF;
	(pc) =	sbr.abs _section_cstart, $3  }
0xc1: {  	[dreg:$0x1] =	wrdreg $0xFFFFFFFF  }
0xc2: {  	_ =	task.clear_ibuf [dreg:s7], $0x2FFFF;
	_ =	strace $0x9FFFFFFF  }
0xc3: {  	(tm) =	ssettm $0x7FFFFFFF  }
tec
execute0_lowered:
.L_overlay_start_1:
0x0: {  	(tag) =	ssettag $0x1  }
0x1: {  	s1 =	rddreg [dreg:$0x0]  }
0x2: {  	s0 =	rddreg [dreg:$0x1]  }
0x3: {  	s2 =	rddreg [dreg:$0x2];
	s14 =	stileid.u32  }
0x4: {  	s3 =	srdreg.scid;
	s4 =	simm.s32 $0x0;
	s6 =	smul.u32 $0x13C00, s14  }
0x5: {  	s28 =	simm.s32 $0x0;
	s3 =	sand.u32 $0x1, s3;
	s10 =	smul.u32 $0x4F000, s14  }
0x6: {  	[smem:$0x7FF] =	sst s4;
	s8 =	sadd.s32 $0xBC00, s0;
	s22 =	smul.u32 $0x2710, s14  }
0x7: {  	s9 =	sadd.s32 $0x15A00, s0;
	s5 =	smul.u32 $0x13C000, s3;
	_ =	strace $0x8000004A  }
0x8: {  	s7 =	sshll.u32 s3, $0x4;
	[dreg:$0xa] =	wrdreg s9;
	s19 =	ssub.s32 $0x2, s3  }
0x9: {  	s3 =	smul.u32 $0x27100, s3;
	s18 =	sor.u32 s14, s7;
	s7 =	sadd.s32 $0x1E00, s0  }
0xa: {  	s20 =	sshrl.u32 s19, $0x1;
	s10 =	sshrl.u32 s10, $0x2;
	s5 =	sadd.s32 s6, s5  }
0xb: {  	s6 =	smul.u32 $0x2710, s18;
	s3 =	sadd.s32 s22, s3;
	s5 =	sshrl.u32 s5, $0x3  }
0xc: {  	s13 =	sadd.s32 $0x380, s3;
	s18 =	sadd.s32 $0x300, s3;
	s0 =	sadd.s32 s5, s0  }
0xd: {  	s6 =	sshrl.u32 s6, $0x3;
	s5 =	ssub.s32 s19, s20;
	s16 =	sshrl.u32 s13, $0x3  }
0xe: {  	s20 =	sshrl.u32 s18, $0x3;
	s13 =	simm.s32 $0x4400;
	s18 =	simm.s32 $0x4  }
0xf: {  	s21 =	sadd.s32 $0x4E0, s6;
	s23 =	sadd.s32 s8, s6;
	s24 =	sadd.s32 $0x10, s6  }
0x10: {  	s12 =	sadd.s32 s7, s6;
	s26 =	sadd.s32 $0x20, s6;
	[dreg:$0xd] =	wrdreg s23  }
0x11: {  	s31 =	sadd.s32 $0x30, s6;
	s17 =	sadd.s32 s16, s7;
	[dreg:$0xe] =	wrdreg s12  }
0x12: {  	s19 =	sadd.s32 s16, s8;
	s22 =	sadd.s32 s20, s7;
	[dreg:$0x6] =	wrdreg s17  }
0x13: {  	s0 =	sadd.s32 $0x18200, s0;
	s16 =	simm.s32 $0x2;
	[dreg:$0x7] =	wrdreg s19  }
0x14: {  	s11 =	sadd.s32 s8, s21;
	s9 =	sadd.s32 s7, s21;
	[dreg:$0x8] =	wrdreg s22  }
0x15: {  	s25 =	sadd.s32 s8, s24;
	s29 =	sadd.s32 s8, s26;
	[dreg:$0x1a] =	wrdreg s0  }
0x16: {  	s21 =	sadd.s32 s8, s31;
	s23 =	sadd.s32 $0x40, s6;
	[dreg:$0xb] =	wrdreg s11  }
0x17: {  	s6 =	sadd.s32 $0x4D0, s6;
	s0 =	simm.s32 $0x1;
	[dreg:$0xc] =	wrdreg s9  }
0x18: {  	s12 =	simm.s32 $0x6;
	s17 =	simm.s32 $0x7;
	[dreg:$0xf] =	wrdreg s25  }
0x19: {  	s19 =	simm.s32 $0x8;
	s9 =	sadd.s32 s7, s24;
	[dreg:$0x11] =	wrdreg s29  }
0x1a: {  	s11 =	sadd.s32 $0x400, s3;
	[dreg:$0x13] =	wrdreg s21;
	s24 =	sadd.s32 s8, s23  }
0x1b: {  	s25 =	sadd.s32 s7, s23;
	s3 =	sadd.s32 $0x280, s3;
	[dreg:$0x10] =	wrdreg s9  }
0x1c: {  	s29 =	sadd.s32 s8, s6;
	s6 =	sadd.s32 s7, s6;
	[dreg:$0x15] =	wrdreg s24  }
0x1d: {  	s9 =	sadd.s32 s7, s26;
	s30 =	sshrl.u32 s11, $0x3;
	[dreg:$0x16] =	wrdreg s25  }
0x1e: {  	s11 =	sadd.s32 s7, s31;
	s26 =	sadd.s32 s20, s8;
	[dreg:$0x17] =	wrdreg s29  }
0x1f: {  	[dreg:$0x18] =	wrdreg s6;
	s3 =	sshrl.u32 s3, $0x3;
	s31 =	sadd.s32 s10, s2  }
0x20: {  	s25 =	smax.u32 s5, $0x1;
	s5 =	simm.s32 $0x200;
	[dreg:$0x12] =	wrdreg s9  }
0x21: {  	s6 =	simm.s32 $0x80;
	s10 =	simm.s32 $0x5;
	[dreg:$0x14] =	wrdreg s11  }
0x22: {  	s15 =	sadd.s32 s30, s7;
	s9 =	sadd.s32 s30, s8;
	[dreg:$0x9] =	wrdreg s26  }
0x23: {  	s20 =	sadd.s32 s3, s7;
	s21 =	sadd.s32 s3, s8;
	s30 =	sshll.u32 s14, $0x6  }
0x24: {  	[dreg:$0x19] =	wrdreg s31;
	s26 =	simm.s32 $0x9;
	s3 =	simm.s32 $0x3  }
0x25: {  	s7 =	simm.s32 $0x280;
	s8 =	simm.s32 $0x100;
	[dreg:$0x4] =	wrdreg s15  }
0x26: {  	s11 =	simm.s32 $0x400;
	s14 =	simm.s32 $0x180;
	[dreg:$0x5] =	wrdreg s9  }
0x27: {  	s23 =	sor.u32 $0x1C09, s30;
	s9 =	simm.s32 $0x300;
	s15 =	simm.s32 $0x380  }
.LBB2_1:
0x28: {  	s22 =	rddreg [dreg:$0x19]  }
0x29: {  	s24 =	rddreg [dreg:$0xa];
	s29 =	sshrl.u32 s22, $0x3  }
0x2a: {  	[spmem:s29], [sflag:s23] =	dma.local [hbm:s24], $0x2780  }
0x2b: {  	_ =	swait.ge [sflag:s26], $0x2780  }
0x2c: {  	[sflag:s26] =	ssyncset.done $0x0  }
0x2d: {  	[sflag:s26] =	ssyncadd.s32 $0xFFFFD880  }
0x2e: {  	[bflag:$0x0] =	sbarrier.arrive $0xFFFF  }
0x2f: {  	s24 =	simm.s32 $0x8400;
	s31 =	rddreg [dreg:$0xb]  }
0x30: {  	[tilespmem:s24], [sflag:$0x9] =	stream.linear.gather [hbm4b:s31+s4], $0x10, $0x38;
	[tilespmem:$0x1C900] =	vst v63  }
0x31: {  	_ =	swait.ge [sflag:s26], $0x10  }
0x32: {  	[sflag:s26] =	ssyncset.done $0x0  }
0x33: {  	s30 =	simm.s32 $0x8480;
	s31 =	rddreg [dreg:$0xc];
	[sflag:s26] =	ssyncadd.s32 $0xFFFFFFF0  }
0x34: {  	[tilespmem:s30], [sflag:$0x9] =	stream.linear.gather [hbm4b:s31+s4], $0x10, $0x38;
	[tilespmem:$0x1C900] =	vst v63  }
0x35: {  	_ =	swait.ge [sflag:s26], $0x10  }
0x36: {  	[sflag:s26] =	ssyncset.done $0x0  }
0x37: {  	s22 =	simm.s32 $0x10;
	s31 =	simm.s32 $0x8500;
	[sflag:s26] =	ssyncadd.s32 $0xFFFFFFF0  }
0x38: {  	[tilespmem:s31], [sflag:$0x1] =	stream.indirect.gather [hbm4b:s1+s22], $0x80, s24, s22, $0xb8;
	[tilespmem:$0x1C900] =	vst v63  }
0x39: {  	_ =	swait.ge [sflag:s0], $0x800  }
0x3a: {  	[sflag:s0] =	ssyncset.done $0x0  }
0x3b: {  	[sflag:s0] =	ssyncadd.s32 $0xFFFFF800  }
0x3c: {  	[spmem:s2] =	stream.indirect.scatter.add.f32 [tilespmem:s31], [sflag:$0x3], $0x80, s30, s22, $0xb8;
	[tilespmem:$0x1C900] =	vst v63  }
0x3d: {  	_ =	swait.ge [sflag:s3], $0x800  }
0x3e: {  	[sflag:s3] =	ssyncset.done $0x0  }
0x3f: {  	s31 =	rddreg [dreg:$0xd];
	[sflag:s3] =	ssyncadd.s32 $0xFFFFF800  }
0x40: {  	[tilespmem:s4], [sflag:$0x5] =	stream.linear.gather [hbm4b:s31+s4], $0x80, $0x38;
	[tilespmem:$0x1C900] =	vst v63  }
0x41: {  	s24 =	rddreg [dreg:$0xe]  }
0x42: {  	[tilespmem:s5], [sflag:$0x5] =	stream.linear.gather [hbm4b:s24+s4], $0x80, $0x38;
	[tilespmem:$0x1C900] =	vst v63  }
0x43: {  	s31 =	rddreg [dreg:$0xf]  }
0x44: {  	[tilespmem:s6], [sflag:$0x6] =	stream.linear.gather [hbm4b:s31+s4], $0x80, $0x38;
	[tilespmem:$0x1C900] =	vst v63  }
0x45: {  	s24 =	rddreg [dreg:$0x10]  }
0x46: {  	[tilespmem:s7], [sflag:$0x6] =	stream.linear.gather [hbm4b:s24+s4], $0x80, $0x38;
	[tilespmem:$0x1C900] =	vst v63  }
0x47: {  	s31 =	rddreg [dreg:$0x11]  }
0x48: {  	[tilespmem:s8], [sflag:$0x7] =	stream.linear.gather [hbm4b:s31+s4], $0x80, $0x38;
	[tilespmem:$0x1C900] =	vst v63  }
0x49: {  	s24 =	rddreg [dreg:$0x12]  }
0x4a: {  	[tilespmem:s9], [sflag:$0x7] =	stream.linear.gather [hbm4b:s24+s4], $0x80, $0x38;
	[tilespmem:$0x1C900] =	vst v63  }
0x4b: {  	_ =	swait.ge [sflag:s10], $0x80  }
0x4c: {  	[sflag:s10] =	ssyncset.done $0x0  }
0x4d: {  	[sflag:s10] =	ssyncadd.s32 $0xFFFFFF80  }
0x4e: {  	_ =	swait.ge [sflag:s10], $0x80  }
0x4f: {  	[sflag:s10] =	ssyncset.done $0x0  }
0x50: {  	[sflag:s10] =	ssyncadd.s32 $0xFFFFFF80  }
0x51: {  	[tilespmem:s11], [sflag:$0x1] =	stream.indirect.gather [hbm4b:s1+s6], $0x80, s4, s6, $0xb8;
	[tilespmem:$0x1C900] =	vst v63  }
0x52: {  	_ =	swait.ge [sflag:s0], $0x4000  }
0x53: {  	[sflag:s0] =	ssyncset.done $0x0  }
0x54: {  	[sflag:s0] =	ssyncadd.s32 $0xFFFFC000  }
0x55: {  	[spmem:s2] =	stream.indirect.scatter.add.f32 [tilespmem:s11], [sflag:$0x3], $0x80, s5, s6, $0xb8;
	[tilespmem:$0x1C900] =	vst v63  }
0x56: {  	_ =	swait.ge [sflag:s12], $0x80  }
0x57: {  	[sflag:s12] =	ssyncset.done $0x0  }
0x58: {  	[sflag:s12] =	ssyncadd.s32 $0xFFFFFF80  }
0x59: {  	_ =	swait.ge [sflag:s12], $0x80  }
0x5a: {  	[sflag:s12] =	ssyncset.done $0x0  }
0x5b: {  	[sflag:s12] =	ssyncadd.s32 $0xFFFFFF80  }
0x5c: {  	[tilespmem:s13], [sflag:$0x2] =	stream.indirect.gather [hbm4b:s1+s6], $0x80, s6, s6, $0xb8;
	[tilespmem:$0x1C900] =	vst v63  }
0x5d: {  	s31 =	rddreg [dreg:$0x13]  }
0x5e: {  	[tilespmem:s14], [sflag:$0x8] =	stream.linear.gather [hbm4b:s31+s4], $0x80, $0x38;
	[tilespmem:$0x1C900] =	vst v63  }
0x5f: {  	s24 =	rddreg [dreg:$0x14]  }
0x60: {  	[tilespmem:s15], [sflag:$0x8] =	stream.linear.gather [hbm4b:s24+s4], $0x80, $0x38;
	[tilespmem:$0x1C900] =	vst v63  }
0x61: {  	_ =	swait.ge [sflag:s16], $0x4000  }
0x62: {  	[sflag:s16] =	ssyncset.done $0x0  }
0x63: {  	[sflag:s16] =	ssyncadd.s32 $0xFFFFC000  }
0x64: {  	[spmem:s2] =	stream.indirect.scatter.add.f32 [tilespmem:s13], [sflag:$0x4], $0x80, s7, s6, $0xb8;
	[tilespmem:$0x1C900] =	vst v63  }
0x65: {  	_ =	swait.ge [sflag:s3], $0x4000  }
0x66: {  	[sflag:s3] =	ssyncset.done $0x0  }
0x67: {  	[sflag:s3] =	ssyncadd.s32 $0xFFFFC000  }
0x68: {  	_ =	swait.ge [sflag:s17], $0x80  }
0x69: {  	[sflag:s17] =	ssyncset.done $0x0  }
0x6a: {  	[sflag:s17] =	ssyncadd.s32 $0xFFFFFF80  }
0x6b: {  	_ =	swait.ge [sflag:s17], $0x80  }
0x6c: {  	[sflag:s17] =	ssyncset.done $0x0  }
0x6d: {  	[sflag:s17] =	ssyncadd.s32 $0xFFFFFF80  }
0x6e: {  	[tilespmem:s11], [sflag:$0x1] =	stream.indirect.gather [hbm4b:s1+s6], $0x80, s8, s6, $0xb8;
	[tilespmem:$0x1C900] =	vst v63  }
0x6f: {  	s31 =	rddreg [dreg:$0x15]  }
0x70: {  	[tilespmem:s4], [sflag:$0x5] =	stream.linear.gather [hbm4b:s31+s4], $0x80, $0x38;
	[tilespmem:$0x1C900] =	vst v63  }
0x71: {  	s24 =	rddreg [dreg:$0x16]  }
0x72: {  	[tilespmem:s5], [sflag:$0x5] =	stream.linear.gather [hbm4b:s24+s4], $0x80, $0x38;
	[tilespmem:$0x1C900] =	vst v63  }
0x73: {  	_ =	swait.ge [sflag:s0], $0x4000  }
0x74: {  	[sflag:s0] =	ssyncset.done $0x0  }
0x75: {  	[sflag:s0] =	ssyncadd.s32 $0xFFFFC000  }
0x76: {  	[spmem:s2] =	stream.indirect.scatter.add.f32 [tilespmem:s11], [sflag:$0x3], $0x80, s9, s6, $0xb8;
	[tilespmem:$0x1C900] =	vst v63  }
0x77: {  	_ =	swait.ge [sflag:s18], $0x4000  }
0x78: {  	[sflag:s18] =	ssyncset.done $0x0  }
0x79: {  	[sflag:s18] =	ssyncadd.s32 $0xFFFFC000  }
0x7a: {  	_ =	swait.ge [sflag:s19], $0x80  }
0x7b: {  	[sflag:s19] =	ssyncset.done $0x0  }
0x7c: {  	[sflag:s19] =	ssyncadd.s32 $0xFFFFFF80  }
0x7d: {  	_ =	swait.ge [sflag:s19], $0x80  }
0x7e: {  	[sflag:s19] =	ssyncset.done $0x0  }
0x7f: {  	[sflag:s19] =	ssyncadd.s32 $0xFFFFFF80  }
0x80: {  	[tilespmem:s13], [sflag:$0x2] =	stream.indirect.gather [hbm4b:s1+s6], $0x80, s14, s6, $0xb8;
	[tilespmem:$0x1C900] =	vst v63  }
0x81: {  	s31 =	sadd.s32 $0x0, s21  }
0x82: {  	[tilespmem:s6], [sflag:$0x6] =	stream.linear.gather [hbm4b:s31+s4], $0x80, $0x38;
	[tilespmem:$0x1C900] =	vst v63  }
0x83: {  	s24 =	sadd.s32 $0x0, s20  }
0x84: {  	[tilespmem:s7], [sflag:$0x6] =	stream.linear.gather [hbm4b:s24+s4], $0x80, $0x38;
	[tilespmem:$0x1C900] =	vst v63  }
0x85: {  	_ =	swait.ge [sflag:s16], $0x4000  }
0x86: {  	[sflag:s16] =	ssyncset.done $0x0  }
0x87: {  	[sflag:s16] =	ssyncadd.s32 $0xFFFFC000  }
0x88: {  	[spmem:s2] =	stream.indirect.scatter.add.f32 [tilespmem:s13], [sflag:$0x4], $0x80, s15, s6, $0xb8;
	[tilespmem:$0x1C900] =	vst v63  }
0x89: {  	_ =	swait.ge [sflag:s3], $0x4000  }
0x8a: {  	[sflag:s3] =	ssyncset.done $0x0  }
0x8b: {  	[sflag:s3] =	ssyncadd.s32 $0xFFFFC000  }
0x8c: {  	_ =	swait.ge [sflag:s10], $0x80  }
0x8d: {  	[sflag:s10] =	ssyncset.done $0x0  }
0x8e: {  	[sflag:s10] =	ssyncadd.s32 $0xFFFFFF80  }
0x8f: {  	_ =	swait.ge [sflag:s10], $0x80  }
0x90: {  	[sflag:s10] =	ssyncset.done $0x0  }
0x91: {  	s31 =	rddreg [dreg:$0x9];
	[sflag:s10] =	ssyncadd.s32 $0xFFFFFF80  }
0x92: {  	[tilespmem:s11], [sflag:$0x1] =	stream.indirect.gather [hbm4b:s1+s6], $0x80, s4, s6, $0xb8;
	[tilespmem:$0x1C900] =	vst v63  }
0x93: {  	s30 =	rddreg [dreg:$0x8];
	s22 =	sadd.s32 $0x0, s31  }
0x94: {  	[tilespmem:s8], [sflag:$0x7] =	stream.linear.gather [hbm4b:s22+s4], $0x80, $0x38;
	[tilespmem:$0x1C900] =	vst v63  }
0x95: {  	s24 =	sadd.s32 $0x0, s30  }
0x96: {  	[tilespmem:s9], [sflag:$0x7] =	stream.linear.gather [hbm4b:s24+s4], $0x80, $0x38;
	[tilespmem:$0x1C900] =	vst v63  }
0x97: {  	_ =	swait.ge [sflag:s0], $0x4000  }
0x98: {  	[sflag:s0] =	ssyncset.done $0x0  }
0x99: {  	[sflag:s0] =	ssyncadd.s32 $0xFFFFC000  }
0x9a: {  	[spmem:s2] =	stream.indirect.scatter.add.f32 [tilespmem:s11], [sflag:$0x3], $0x80, s5, s6, $0xb8;
	[tilespmem:$0x1C900] =	vst v63  }
0x9b: {  	_ =	swait.ge [sflag:s18], $0x4000  }
0x9c: {  	[sflag:s18] =	ssyncset.done $0x0  }
0x9d: {  	[sflag:s18] =	ssyncadd.s32 $0xFFFFC000  }
0x9e: {  	_ =	swait.ge [sflag:s12], $0x80  }
0x9f: {  	[sflag:s12] =	ssyncset.done $0x0  }
0xa0: {  	[sflag:s12] =	ssyncadd.s32 $0xFFFFFF80  }
0xa1: {  	_ =	swait.ge [sflag:s12], $0x80  }
0xa2: {  	[sflag:s12] =	ssyncset.done $0x0  }
0xa3: {  	s31 =	rddreg [dreg:$0x7];
	[sflag:s12] =	ssyncadd.s32 $0xFFFFFF80  }
0xa4: {  	[tilespmem:s13], [sflag:$0x2] =	stream.indirect.gather [hbm4b:s1+s6], $0x80, s6, s6, $0xb8;
	[tilespmem:$0x1C900] =	vst v63  }
0xa5: {  	s30 =	rddreg [dreg:$0x6];
	s22 =	sadd.s32 $0x0, s31  }
0xa6: {  	[tilespmem:s14], [sflag:$0x8] =	stream.linear.gather [hbm4b:s22+s4], $0x80, $0x38;
	[tilespmem:$0x1C900] =	vst v63  }
0xa7: {  	s24 =	sadd.s32 $0x0, s30  }
0xa8: {  	[tilespmem:s15], [sflag:$0x8] =	stream.linear.gather [hbm4b:s24+s4], $0x80, $0x38;
	[tilespmem:$0x1C900] =	vst v63  }
0xa9: {  	_ =	swait.ge [sflag:s16], $0x4000  }
0xaa: {  	[sflag:s16] =	ssyncset.done $0x0  }
0xab: {  	[sflag:s16] =	ssyncadd.s32 $0xFFFFC000  }
0xac: {  	[spmem:s2] =	stream.indirect.scatter.add.f32 [tilespmem:s13], [sflag:$0x4], $0x80, s7, s6, $0xb8;
	[tilespmem:$0x1C900] =	vst v63  }
0xad: {  	_ =	swait.ge [sflag:s3], $0x4000  }
0xae: {  	[sflag:s3] =	ssyncset.done $0x0  }
0xaf: {  	[sflag:s3] =	ssyncadd.s32 $0xFFFFC000  }
0xb0: {  	_ =	swait.ge [sflag:s17], $0x80  }
0xb1: {  	[sflag:s17] =	ssyncset.done $0x0  }
0xb2: {  	[sflag:s17] =	ssyncadd.s32 $0xFFFFFF80  }
0xb3: {  	_ =	swait.ge [sflag:s17], $0x80  }
0xb4: {  	[sflag:s17] =	ssyncset.done $0x0  }
0xb5: {  	s31 =	rddreg [dreg:$0x5];
	[sflag:s17] =	ssyncadd.s32 $0xFFFFFF80  }
0xb6: {  	[tilespmem:s11], [sflag:$0x1] =	stream.indirect.gather [hbm4b:s1+s6], $0x80, s8, s6, $0xb8;
	[tilespmem:$0x1C900] =	vst v63  }
0xb7: {  	s30 =	rddreg [dreg:$0x4];
	s22 =	sadd.s32 $0x0, s31  }
0xb8: {  	[tilespmem:s4], [sflag:$0x5] =	stream.linear.gather [hbm4b:s22+s4], $0x80, $0x38;
	[tilespmem:$0x1C900] =	vst v63  }
0xb9: {  	s30 =	sadd.s32 $0x0, s30;
	s22 =	simm.s32 $0x40  }
.LBB2_2:
0xba: {  	[tilespmem:s5], [sflag:$0x5] =	stream.linear.gather [hbm4b:s30+s4], $0x80, $0x38;
	[tilespmem:$0x1C900] =	vst v63  }
0xbb: {  	_ =	swait.ge [sflag:s0], $0x4000  }
0xbc: {  	[sflag:s0] =	ssyncset.done $0x0  }
0xbd: {  	[sflag:s0] =	ssyncadd.s32 $0xFFFFC000  }
0xbe: {  	[spmem:s2] =	stream.indirect.scatter.add.f32 [tilespmem:s11], [sflag:$0x3], $0x80, s9, s6, $0xb8;
	[tilespmem:$0x1C900] =	vst v63  }
0xbf: {  	_ =	swait.ge [sflag:s18], $0x4000  }
0xc0: {  	[sflag:s18] =	ssyncset.done $0x0  }
0xc1: {  	[sflag:s18] =	ssyncadd.s32 $0xFFFFC000  }
0xc2: {  	_ =	swait.ge [sflag:s19], $0x80  }
0xc3: {  	[sflag:s19] =	ssyncset.done $0x0  }
0xc4: {  	[sflag:s19] =	ssyncadd.s32 $0xFFFFFF80  }
0xc5: {  	_ =	swait.ge [sflag:s19], $0x80  }
0xc6: {  	[sflag:s19] =	ssyncset.done $0x0  }
0xc7: {  	s30 =	smov.u32 s22;
	[sflag:s19] =	ssyncadd.s32 $0xFFFFFF80  }
0xc8: {  	[tilespmem:s13], [sflag:$0x2] =	stream.indirect.gather [hbm4b:s1+s6], $0x80, s14, s6, $0xb8;
	[tilespmem:$0x1C900] =	vst v63  }
0xc9: {  	s31 =	sadd.s32 s30, s21  }
0xca: {  	[tilespmem:s6], [sflag:$0x6] =	stream.linear.gather [hbm4b:s31+s4], $0x80, $0x38;
	[tilespmem:$0x1C900] =	vst v63  }
0xcb: {  	s24 =	sadd.s32 s30, s20  }
0xcc: {  	[tilespmem:s7], [sflag:$0x6] =	stream.linear.gather [hbm4b:s24+s4], $0x80, $0x38;
	[tilespmem:$0x1C900] =	vst v63  }
0xcd: {  	_ =	swait.ge [sflag:s16], $0x4000  }
0xce: {  	[sflag:s16] =	ssyncset.done $0x0  }
0xcf: {  	[sflag:s16] =	ssyncadd.s32 $0xFFFFC000  }
0xd0: {  	[spmem:s2] =	stream.indirect.scatter.add.f32 [tilespmem:s13], [sflag:$0x4], $0x80, s15, s6, $0xb8;
	[tilespmem:$0x1C900] =	vst v63  }
0xd1: {  	_ =	swait.ge [sflag:s3], $0x4000  }
0xd2: {  	[sflag:s3] =	ssyncset.done $0x0  }
0xd3: {  	[sflag:s3] =	ssyncadd.s32 $0xFFFFC000  }
0xd4: {  	_ =	swait.ge [sflag:s10], $0x80  }
0xd5: {  	[sflag:s10] =	ssyncset.done $0x0  }
0xd6: {  	[sflag:s10] =	ssyncadd.s32 $0xFFFFFF80  }
0xd7: {  	_ =	swait.ge [sflag:s10], $0x80  }
0xd8: {  	[sflag:s10] =	ssyncset.done $0x0  }
0xd9: {  	s31 =	rddreg [dreg:$0x9];
	[sflag:s10] =	ssyncadd.s32 $0xFFFFFF80  }
0xda: {  	[tilespmem:s11], [sflag:$0x1] =	stream.indirect.gather [hbm4b:s1+s6], $0x80, s4, s6, $0xb8;
	[tilespmem:$0x1C900] =	vst v63  }
0xdb: {  	s24 =	rddreg [dreg:$0x8];
	s31 =	sadd.s32 s30, s31  }
0xdc: {  	[tilespmem:s8], [sflag:$0x7] =	stream.linear.gather [hbm4b:s31+s4], $0x80, $0x38;
	[tilespmem:$0x1C900] =	vst v63  }
0xdd: {  	s24 =	sadd.s32 s30, s24  }
0xde: {  	[tilespmem:s9], [sflag:$0x7] =	stream.linear.gather [hbm4b:s24+s4], $0x80, $0x38;
	[tilespmem:$0x1C900] =	vst v63  }
0xdf: {  	_ =	swait.ge [sflag:s0], $0x4000  }
0xe0: {  	[sflag:s0] =	ssyncset.done $0x0  }
0xe1: {  	[sflag:s0] =	ssyncadd.s32 $0xFFFFC000  }
0xe2: {  	[spmem:s2] =	stream.indirect.scatter.add.f32 [tilespmem:s11], [sflag:$0x3], $0x80, s5, s6, $0xb8;
	[tilespmem:$0x1C900] =	vst v63  }
0xe3: {  	_ =	swait.ge [sflag:s18], $0x4000  }
0xe4: {  	[sflag:s18] =	ssyncset.done $0x0  }
0xe5: {  	[sflag:s18] =	ssyncadd.s32 $0xFFFFC000  }
0xe6: {  	_ =	swait.ge [sflag:s12], $0x80  }
0xe7: {  	[sflag:s12] =	ssyncset.done $0x0  }
0xe8: {  	[sflag:s12] =	ssyncadd.s32 $0xFFFFFF80  }
0xe9: {  	_ =	swait.ge [sflag:s12], $0x80  }
0xea: {  	[sflag:s12] =	ssyncset.done $0x0  }
0xeb: {  	s24 =	rddreg [dreg:$0x7];
	[sflag:s12] =	ssyncadd.s32 $0xFFFFFF80  }
0xec: {  	[tilespmem:s13], [sflag:$0x2] =	stream.indirect.gather [hbm4b:s1+s6], $0x80, s6, s6, $0xb8;
	[tilespmem:$0x1C900] =	vst v63  }
0xed: {  	s31 =	rddreg [dreg:$0x6];
	s24 =	sadd.s32 s30, s24  }
0xee: {  	[tilespmem:s14], [sflag:$0x8] =	stream.linear.gather [hbm4b:s24+s4], $0x80, $0x38;
	[tilespmem:$0x1C900] =	vst v63  }
0xef: {  	s31 =	sadd.s32 s30, s31  }
0xf0: {  	[tilespmem:s15], [sflag:$0x8] =	stream.linear.gather [hbm4b:s31+s4], $0x80, $0x38;
	[tilespmem:$0x1C900] =	vst v63  }
0xf1: {  	_ =	swait.ge [sflag:s16], $0x4000  }
0xf2: {  	[sflag:s16] =	ssyncset.done $0x0  }
0xf3: {  	[sflag:s16] =	ssyncadd.s32 $0xFFFFC000  }
0xf4: {  	[spmem:s2] =	stream.indirect.scatter.add.f32 [tilespmem:s13], [sflag:$0x4], $0x80, s7, s6, $0xb8;
	[tilespmem:$0x1C900] =	vst v63  }
0xf5: {  	_ =	swait.ge [sflag:s3], $0x4000  }
0xf6: {  	[sflag:s3] =	ssyncset.done $0x0  }
0xf7: {  	[sflag:s3] =	ssyncadd.s32 $0xFFFFC000  }
0xf8: {  	_ =	swait.ge [sflag:s17], $0x80  }
0xf9: {  	[sflag:s17] =	ssyncset.done $0x0  }
0xfa: {  	[sflag:s17] =	ssyncadd.s32 $0xFFFFFF80  }
0xfb: {  	p0 =	sne.s32 s22, $0x440;
	_ =	swait.ge [sflag:s17], $0x80  }
.Ltmp0:
0xfc: {  	[sflag:s17] =	ssyncset.done $0x0;
	s24 =	rddreg [dreg:$0x5];
	(pc) =	sbr.rel @p0 .LBB2_2-.Ltmp0, $4  }
0xfd: {  	s31 =	rddreg [dreg:$0x4];
	[sflag:s17] =	ssyncadd.s32 $0xFFFFFF80  }
0xfe: {  	[tilespmem:s11], [sflag:$0x1] =	stream.indirect.gather [hbm4b:s1+s6], $0x80, s8, s6, $0xb8;
	[tilespmem:$0x1C900] =	vst v63  }
0xff: {  	s22 =	sadd.s32 $0x40, s22;
	s24 =	sadd.s32 s30, s24;
	s30 =	sadd.s32 s30, s31  }
0x100: {  	[tilespmem:s4], [sflag:$0x5] =	stream.linear.gather [hbm4b:s24+s4], $0x80, $0x38;
	[tilespmem:$0x1C900] =	vst v63  }
0x101: {  	[tilespmem:s5], [sflag:$0x5] =	stream.linear.gather [hbm4b:s30+s4], $0x80, $0x38;
	[tilespmem:$0x1C900] =	vst v63  }
0x102: {  	_ =	swait.ge [sflag:s0], $0x4000  }
0x103: {  	[sflag:s0] =	ssyncset.done $0x0  }
0x104: {  	[sflag:s0] =	ssyncadd.s32 $0xFFFFC000  }
0x105: {  	[spmem:s2] =	stream.indirect.scatter.add.f32 [tilespmem:s11], [sflag:$0x3], $0x80, s9, s6, $0xb8;
	[tilespmem:$0x1C900] =	vst v63  }
0x106: {  	_ =	swait.ge [sflag:s18], $0x4000  }
0x107: {  	[sflag:s18] =	ssyncset.done $0x0  }
0x108: {  	[sflag:s18] =	ssyncadd.s32 $0xFFFFC000  }
0x109: {  	_ =	swait.ge [sflag:s19], $0x80  }
0x10a: {  	[sflag:s19] =	ssyncset.done $0x0  }
0x10b: {  	[sflag:s19] =	ssyncadd.s32 $0xFFFFFF80  }
0x10c: {  	_ =	swait.ge [sflag:s19], $0x80  }
0x10d: {  	[sflag:s19] =	ssyncset.done $0x0  }
0x10e: {  	[sflag:s19] =	ssyncadd.s32 $0xFFFFFF80  }
0x10f: {  	[tilespmem:s13], [sflag:$0x2] =	stream.indirect.gather [hbm4b:s1+s6], $0x80, s14, s6, $0xb8;
	[tilespmem:$0x1C900] =	vst v63  }
0x110: {  	s22 =	rddreg [dreg:$0x17]  }
0x111: {  	[tilespmem:s6], [sflag:$0x6] =	stream.linear.gather [hbm4b:s22+s4], $0x80, $0x38;
	[tilespmem:$0x1C900] =	vst v63  }
0x112: {  	s30 =	rddreg [dreg:$0x18]  }
0x113: {  	[tilespmem:s7], [sflag:$0x6] =	stream.linear.gather [hbm4b:s30+s4], $0x80, $0x38;
	[tilespmem:$0x1C900] =	vst v63  }
0x114: {  	_ =	swait.ge [sflag:s16], $0x4000  }
0x115: {  	[sflag:s16] =	ssyncset.done $0x0  }
0x116: {  	[sflag:s16] =	ssyncadd.s32 $0xFFFFC000  }
0x117: {  	[spmem:s2] =	stream.indirect.scatter.add.f32 [tilespmem:s13], [sflag:$0x4], $0x80, s15, s6, $0xb8;
	[tilespmem:$0x1C900] =	vst v63  }
0x118: {  	_ =	swait.ge [sflag:s3], $0x4000  }
0x119: {  	[sflag:s3] =	ssyncset.done $0x0  }
0x11a: {  	[sflag:s3] =	ssyncadd.s32 $0xFFFFC000  }
0x11b: {  	_ =	swait.ge [sflag:s10], $0x80  }
0x11c: {  	[sflag:s10] =	ssyncset.done $0x0  }
0x11d: {  	[sflag:s10] =	ssyncadd.s32 $0xFFFFFF80  }
0x11e: {  	_ =	swait.ge [sflag:s10], $0x80  }
0x11f: {  	[sflag:s10] =	ssyncset.done $0x0  }
0x120: {  	[sflag:s10] =	ssyncadd.s32 $0xFFFFFF80  }
0x121: {  	[tilespmem:s11], [sflag:$0x1] =	stream.indirect.gather [hbm4b:s1+s6], $0x80, s4, s6, $0xb8;
	[tilespmem:$0x1C900] =	vst v63  }
0x122: {  	_ =	swait.ge [sflag:s0], $0x4000  }
0x123: {  	[sflag:s0] =	ssyncset.done $0x0  }
0x124: {  	[sflag:s0] =	ssyncadd.s32 $0xFFFFC000  }
0x125: {  	[spmem:s2] =	stream.indirect.scatter.add.f32 [tilespmem:s11], [sflag:$0x3], $0x80, s5, s6, $0xb8;
	[tilespmem:$0x1C900] =	vst v63  }
0x126: {  	_ =	swait.ge [sflag:s18], $0x4000  }
0x127: {  	[sflag:s18] =	ssyncset.done $0x0  }
0x128: {  	[sflag:s18] =	ssyncadd.s32 $0xFFFFC000  }
0x129: {  	_ =	swait.ge [sflag:s12], $0x80  }
0x12a: {  	[sflag:s12] =	ssyncset.done $0x0  }
0x12b: {  	[sflag:s12] =	ssyncadd.s32 $0xFFFFFF80  }
0x12c: {  	_ =	swait.ge [sflag:s12], $0x80  }
0x12d: {  	[sflag:s12] =	ssyncset.done $0x0  }
0x12e: {  	[sflag:s12] =	ssyncadd.s32 $0xFFFFFF80  }
0x12f: {  	[tilespmem:s13], [sflag:$0x2] =	stream.indirect.gather [hbm4b:s1+s6], $0x80, s6, s6, $0xb8;
	[tilespmem:$0x1C900] =	vst v63  }
0x130: {  	_ =	swait.ge [sflag:s16], $0x4000  }
0x131: {  	[sflag:s16] =	ssyncset.done $0x0  }
0x132: {  	[sflag:s16] =	ssyncadd.s32 $0xFFFFC000  }
0x133: {  	[spmem:s2] =	stream.indirect.scatter.add.f32 [tilespmem:s13], [sflag:$0x4], $0x80, s7, s6, $0xb8;
	[tilespmem:$0x1C900] =	vst v63  }
0x134: {  	_ =	swait.ge [sflag:s3], $0x4000  }
0x135: {  	[sflag:s3] =	ssyncset.done $0x0  }
0x136: {  	[sflag:s3] =	ssyncadd.s32 $0xFFFFC000  }
0x137: {  	_ =	swait.ge [sflag:s18], $0x4000  }
0x138: {  	[sflag:s18] =	ssyncset.done $0x0  }
0x139: {  	s28 =	sadd.s32 $0x1, s28;
	[sflag:s18] =	ssyncadd.s32 $0xFFFFC000  }
0x13a: {  	p0 =	sne.s32 s28, s25;
	[bflag:$0x0] =	sbarrier.arrive $0xFFFF  }
.Ltmp1:
0x13b: {  	s31 =	rddreg [dreg:$0x1a];
	(pc) =	sbr.rel @p0 .LBB2_1-.Ltmp1, $4  }
0x13c: {  	[hbm:s31], [sflag:s23] =	dma.local [spmem:s29], $0x2780  }
0x13d: {  	_ =	swait.ge [sflag:s26], $0x2780  }
0x13e: {  	[sflag:s26] =	ssyncset.done $0x0  }
0x13f: {  	[sflag:s26] =	ssyncadd.s32 $0xFFFFD880  }
0x140: {  	_ =	sfence.sel $0x180000  }
0x141: {  	[bflag:$0x0] =	sbarrier.arrive $0xFFFF  }
0x142: {  	_ =	strace $0x9000004A  }
0x143: {  	s0 =	stileid.u32;
	[bflag:$0x2] =	sbarrier.arrive $0xFFFF  }
0x144: {  	p0 =	sne.s32 s0, $0x0;
	s0 =	rddreg [dreg:$0x3]  }
0x145: {  	s0 =	sadd.s32 @!p0 $0x100000, s0  }
0x146: {  	[sflag:s0] =	ssyncadd.tile.s32 @!p0 $0x1;
	_ =	shalt  }
.Lfunc_end2:
_tile_overlayer_lowered:
.L_overlay_start_2:
0x147: {  	(tag) =	ssettag $0x2  }
0x148: {  	s0 =	rddreg [dreg:$0x0];
	s2 =	stileid.u32  }
0x149: {  	s1 =	rddreg [dreg:$0x1];
	p0 =	sne.s32 s2, $0x0  }
0x14a: {  	s3 =	rddreg [dreg:$0x2];
	[bflag:$0x3] =	sbarrier.arrive $0xFFFF;
	s2 =	simm.s32 @!p0 $0x1C09  }
0x14b: {  	[timem:s3], [sflag:s2] =	dma.local @!p0 [hbm:s0], s1  }
0x14c: {  	s0 =	simm.s32 @!p0 $0x9  }
0x14d: {  	_ =	swait.ge @!p0 [sflag:s0], s1  }
0x14e: {  	s1 =	ssub.s32 @!p0 $0x0, s1;
	[sflag:s0] =	ssyncset.done @!p0 $0x0  }
0x14f: {  	[sflag:s0] =	ssyncadd.s32 @!p0 s1  }
0x150: {  	[bflag:$0x3] =	sbarrier.arrive $0xFFFF  }
0x151: {  	_ =	shalt  }

</sc_bundles>
